<compile_context>
chip_gen: v7x
topology: tpu7x:2x2x1
jax: 0.10.2.dev20260603
libtpu: 0.0.44.dev20260713+nightly
codegen_flags: <defaults>
</compile_context>

<pallas_src>
import functools

import jax
import jax.numpy as jnp
from jax import lax
from jax.experimental import pallas as pl
from jax.experimental.pallas import tpu as pltpu
from jax.experimental.pallas import tpu_sc as plsc

_L = 16
_T_OUT = 4096
_CHUNK = 128
_NBUF = 3
_ZROWS = 32


def _lr_body(B, N, D, T, x_hbm, dur_hbm, tl_hbm, out_hbm, mask_hbm,
             dur_v, tl_v, A_v, fidx_v, mask_v, gbuf, zbuf, gsem, osem, zsem):
  half = T // 2
  nchunk = half // _CHUNK
  wid = lax.axis_index("s") * 2 + lax.axis_index("c")
  b = wid // 2
  h = wid % 2

  pltpu.sync_copy(dur_hbm.at[b], dur_v)
  pltpu.sync_copy(tl_hbm, tl_v)
  tl_s = jnp.max(tl_v[...])

  zeros_i = jnp.zeros((_L,), jnp.int32)
  zeros_f = jnp.zeros((_L,), jnp.float32)
  iota = lax.iota(jnp.int32, _L)

  def zero_a(i, _):
    A_v[pl.ds(i * _L, _L)] = zeros_i
    return 0
  lax.fori_loop(0, T // _L, zero_a, 0)

  def zero_z(i, _):
    for v in range(D // _L):
      zbuf[i, pl.ds(v * _L, _L)] = zeros_f
    return 0
  lax.fori_loop(0, _ZROWS, zero_z, 0)

  def scan_dur(i, carry):
    v = dur_v[pl.ds(i * _L, _L)]
    s = plsc.cumsum(v) + carry
    s_c = jnp.minimum(s, tl_s)
    start = jnp.minimum(s - v, tl_s)
    m = (s_c > start) & (start < T)
    plsc.store_scatter(A_v, [jnp.minimum(start, T - 1)], i * _L + iota, mask=m)
    return jnp.max(s)
  raw_total = lax.fori_loop(0, N // _L, scan_dur, jnp.int32(0))
  total = jnp.minimum(raw_total, tl_s)

  vc = (total + _CHUNK - 1) // _CHUNK
  gv = jnp.clip((vc + 1 - h) // 2, 0, nchunk)

  def cbase(g):
    return (h + 2 * g) * _CHUNK

  def zfill(g, _):
    for sub in range(_CHUNK // _ZROWS):
      pltpu.async_copy(
          zbuf, out_hbm.at[pl.ds(b * T + cbase(g) + sub * _ZROWS, _ZROWS)],
          zsem)
    return 0
  lax.fori_loop(gv, nchunk, zfill, 0)

  base = b * N
  cgroups = _CHUNK // _L

  def scan_frames(j, carry):
    a = A_v[pl.ds(j * _L, _L)]
    idxv = jnp.maximum(plsc.cummax(a), carry)
    fidx_v[pl.ds(j * _L, _L)] = base + idxv
    return jnp.max(idxv)

  def chunk_groups(g):
    return jnp.minimum((h + 2 * g + 1) * cgroups, T // _L)

  def gstart(g, p):
    pltpu.async_copy(x_hbm.at[fidx_v.at[pl.ds(cbase(g), _CHUNK)]],
                     gbuf.at[p], gsem.at[p])

  def gwait(g, p):
    pltpu.make_async_copy(x_hbm.at[fidx_v.at[pl.ds(cbase(g), _CHUNK)]],
                          gbuf.at[p], gsem.at[p]).wait()

  def ostart(g, p):
    pltpu.async_copy(gbuf.at[p], out_hbm.at[pl.ds(b * T + cbase(g), _CHUNK)],
                     osem.at[p])

  def owait(g, p):
    pltpu.make_async_copy(gbuf.at[p],
                          out_hbm.at[pl.ds(b * T + cbase(g), _CHUNK)],
                          osem.at[p]).wait()

  ptr0 = jnp.where(gv > 0, chunk_groups(jnp.minimum(1, gv - 1)), 0)
  carry0 = lax.fori_loop(0, ptr0, scan_frames, jnp.int32(0))

  @pl.when(gv > 0)
  def _():
    gstart(0, 0)

  def pipe(g, state):
    ptr, carry = state
    p = g % _NBUF

    @pl.when(g + 1 < gv)
    def _():
      q = (g + 1) % _NBUF
      @pl.when(g >= _NBUF - 1)
      def _():
        owait(g + 1 - _NBUF, q)
      gstart(g + 1, q)

    tgrp = jnp.where(g + 2 < gv, chunk_groups(g + 2), ptr)
    carry = lax.fori_loop(ptr, tgrp, scan_frames, carry)

    gwait(g, p)
    nvalid = jnp.clip(total - cbase(g), 0, _CHUNK)

    def zrow(r, _):
      for v in range(D // _L):
        gbuf[p, r, pl.ds(v * _L, _L)] = zeros_f
      return 0
    lax.fori_loop(nvalid, _CHUNK, zrow, 0)
    ostart(g, p)
    return (tgrp, carry)
  lax.fori_loop(0, gv, pipe, (ptr0, carry0))

  def mrow(j, _):
    tvec = h * half + j * _L + iota
    mask_v[pl.ds(j * _L, _L)] = (tvec < total).astype(jnp.int32)
    return 0
  lax.fori_loop(0, half // _L, mrow, 0)
  pltpu.sync_copy(mask_v, mask_hbm.at[pl.ds(b * T + h * half, half)])

  for k in range(_NBUF, 0, -1):
    @pl.when(gv >= k)
    def _(k=k):
      owait(gv - k, (gv - k) % _NBUF)

  def zdrain(i, _):
    for sub in range(_CHUNK // _ZROWS):
      pltpu.make_async_copy(
          zbuf, out_hbm.at[pl.ds(b * T + cbase(gv + i) + sub * _ZROWS, _ZROWS)],
          zsem).wait()
    return 0
  lax.fori_loop(0, nchunk - gv, zdrain, 0)


def kernel(x, durations, target_len):
  B, N, D = x.shape
  T = _T_OUT
  tl_arr = jnp.full((_L,), target_len, jnp.int32)

  mesh = plsc.VectorSubcoreMesh(core_axis_name="c", subcore_axis_name="s")
  out_flat, mask_flat = pl.kernel(
      functools.partial(_lr_body, B, N, D, T),
      out_type=(jax.ShapeDtypeStruct((B * T, D), jnp.float32),
                jax.ShapeDtypeStruct((B * T,), jnp.int32)),
      mesh=mesh,
      compiler_params=pltpu.CompilerParams(needs_layout_passes=False),
      scratch_types=[
          pltpu.VMEM((N,), jnp.int32),
          pltpu.VMEM((_L,), jnp.int32),
          pltpu.VMEM((T,), jnp.int32),
          pltpu.VMEM((T,), jnp.int32),
          pltpu.VMEM((T // 2,), jnp.int32),
          pltpu.VMEM((_NBUF, _CHUNK, D), jnp.float32),
          pltpu.VMEM((_ZROWS, D), jnp.float32),
          pltpu.SemaphoreType.DMA((_NBUF,)),
          pltpu.SemaphoreType.DMA((_NBUF,)),
          pltpu.SemaphoreType.DMA,
      ],
  )(x.reshape(B * N, D), durations.astype(jnp.int32), tl_arr)
  return out_flat.reshape(B, T, D), (mask_flat.reshape(B, T) != 0)

# --- scband reference (transcript-rebuilt; emitter-appended) ---
"""Pipeline reference for scband-length-regulator-38096359915598 (READ-ONLY COPY).

The authoritative reference and input builder live on the scoring server;
editing this copy changes nothing except your own understanding.
"""

import jax, jax.numpy as jnp
import numpy as np

B, N, D, T = 16, 2048, 256, 4096


def setup_inputs(seed: int = 0) -> dict:
    key = jax.random.key(seed)
    k1, k2 = jax.random.split(key)
    x = jax.random.normal(k1, (B, N, D), dtype=jnp.float32)
    durations = jax.random.randint(k2, (B, N), 0, 4, dtype=jnp.int32)
    return {"x": x, "durations": durations, "target_len": T}


def _expand_one(xb, durb, Tlen, target_len):
    # cum[n] = end frame (exclusive) of phoneme n; phoneme n occupies frames [cum[n-1], cum[n])
    cum = jnp.cumsum(durb)
    t = jnp.arange(Tlen)
    # number of cum values <= t == phoneme index owning frame t (zero-duration phonemes skipped)
    idx = jnp.searchsorted(cum, t, side='right')
    valid = (t < cum[-1]) & (t < target_len)
    idx_c = jnp.clip(idx, 0, xb.shape[0] - 1)
    gathered = jnp.take(xb, idx_c, axis=0)
    out = jnp.where(valid[:, None], gathered, jnp.zeros_like(gathered))
    return out, valid


def reference(x, durations, target_len):
    Tlen = T
    dur = durations.astype(jnp.int32)
    expanded, mask = jax.vmap(lambda xb, db: _expand_one(xb, db, Tlen, target_len))(x, dur)
    return expanded, mask

if __name__ == "__main__":
    import jax
    _d = setup_inputs()
    print(jax.jit(kernel)(*tuple(_d.values())))

</pallas_src>

<mosaic_0001>
#map = affine_map<(d0, d1) -> (0, 0)>
#map1 = affine_map<(d0, d1) -> (0)>
module attributes {stable_mosaic.version = 14 : i64} {
  func.func @_lr_body(%arg0: i32, %arg1: i32, %arg2: memref<32768x256xf32, #tpu.memory_space<hbm>>, %arg3: memref<16x2048xi32, #tpu.memory_space<hbm>>, %arg4: memref<16xi32, #tpu.memory_space<hbm>>, %arg5: memref<65536x256xf32, #tpu.memory_space<hbm>>, %arg6: memref<65536xi32, #tpu.memory_space<hbm>>, %arg7: memref<2048xi32, #tpu.memory_space<vmem>>, %arg8: memref<16xi32, #tpu.memory_space<vmem>>, %arg9: memref<4096xi32, #tpu.memory_space<vmem>>, %arg10: memref<4096xi32, #tpu.memory_space<vmem>>, %arg11: memref<2048xi32, #tpu.memory_space<vmem>>, %arg12: memref<3x128x256xf32, #tpu.memory_space<vmem>>, %arg13: memref<32x256xf32, #tpu.memory_space<vmem>>, %arg14: memref<3x!tpu.dma_semaphore, #tpu.memory_space<semaphore_mem>>, %arg15: memref<3x!tpu.dma_semaphore, #tpu.memory_space<semaphore_mem>>, %arg16: memref<!tpu.dma_semaphore, #tpu.memory_space<semaphore_mem>>) attributes {dimension_semantics = [#tpu.dimension_semantics<core_parallel>, #tpu.dimension_semantics<subcore_parallel>], iteration_bounds = array<i64: 2, 16>, scalar_prefetch = 0 : i64, scratch_operands = 10 : i64, tpu.core_type = #tpu.core_type<sc_vector_subcore>, window_params = [{transform_indices = #map}, {transform_indices = #map}, {transform_indices = #map1}, {transform_indices = #map}, {transform_indices = #map1}]} {
    %mul3A = arith.constant 2 : i32
    %mul3A_0 = arith.muli %arg1, %mul3A : i32
    %add3A = arith.addi %mul3A_0, %arg0 : i32
    %jit3A = arith.constant 2 : i32
    %div3A = arith.divsi %add3A, %jit3A : i32
    %sign3A = arith.constant 0 : i32
    %sign3A_1 = arith.cmpi sgt, %add3A, %sign3A : i32
    %sign3A_2 = arith.extui %sign3A_1 : i1 to i32
    %sign3A_3 = arith.constant 0 : i32
    %sign3A_4 = arith.cmpi slt, %add3A, %sign3A_3 : i32
    %sign3A_5 = arith.extui %sign3A_4 : i1 to i32
    %sign3A_6 = arith.subi %sign3A_2, %sign3A_5 : i32
    %sign3A_7 = arith.constant 0 : i32
    %sign3A_8 = arith.cmpi sgt, %jit3A, %sign3A_7 : i32
    %sign3A_9 = arith.extui %sign3A_8 : i1 to i32
    %sign3A_10 = arith.constant 0 : i32
    %sign3A_11 = arith.cmpi slt, %jit3A, %sign3A_10 : i32
    %sign3A_12 = arith.extui %sign3A_11 : i1 to i32
    %sign3A_13 = arith.subi %sign3A_9, %sign3A_12 : i32
    %ne3A = arith.cmpi ne, %sign3A_6, %sign3A_13 : i32
    %rem3A = arith.remsi %add3A, %jit3A : i32
    %ne3A_14 = arith.constant 0 : i32
    %ne3A_15 = arith.cmpi ne, %rem3A, %ne3A_14 : i32
    %and3A = arith.andi %ne3A, %ne3A_15 : i1
    %sub3A = arith.constant 1 : i32
    %sub3A_16 = arith.subi %div3A, %sub3A : i32
    %select_n3A = arith.select %and3A, %sub3A_16, %div3A : i32
    %jit3A_17 = arith.constant 2 : i32
    %eq3A = arith.constant 0 : i32
    %eq3A_18 = arith.cmpi eq, %jit3A_17, %eq3A : i32
    %jit3A_19 = arith.constant 1 : i32
    %select_n3A_20 = arith.select %eq3A_18, %jit3A_19, %jit3A_17 : i32
    %rem3A_21 = arith.remsi %add3A, %select_n3A_20 : i32
    %ne3A_22 = arith.constant 0 : i32
    %ne3A_23 = arith.cmpi ne, %rem3A_21, %ne3A_22 : i32
    %lt3A = arith.constant 0 : i32
    %lt3A_24 = arith.cmpi slt, %rem3A_21, %lt3A : i32
    %lt3A_25 = arith.constant 0 : i32
    %lt3A_26 = arith.cmpi slt, %select_n3A_20, %lt3A_25 : i32
    %ne3A_27 = arith.xori %lt3A_24, %lt3A_26 : i1
    %and3A_28 = arith.andi %ne3A_27, %ne3A_23 : i1
    %add3A_29 = arith.addi %rem3A_21, %select_n3A_20 : i32
    %select_n3A_30 = arith.select %and3A_28, %add3A_29, %rem3A_21 : i32
    "tpu.region"() ({
      %run_scoped3A = tpu.sem_alloc : memref<!tpu.dma_semaphore, #tpu.memory_space<semaphore_mem>>
      %dma_start3A = arith.constant 0 : i32
      %dma_start3A_215 = tpu.memref_slice %arg3[%select_n3A, %dma_start3A] : memref<16x2048xi32, #tpu.memory_space<hbm>> -> memref<1x2048xi32, #tpu.memory_space<hbm>>
      %dma_start3A_216 = tpu.memref_squeeze %dma_start3A_215 : memref<1x2048xi32, #tpu.memory_space<hbm>> -> memref<2048xi32, #tpu.memory_space<hbm>>
      %dma_start3A_217 = arith.constant 0 : i32
      %dma_start3A_218 = tpu.memref_slice %arg3[%select_n3A, %dma_start3A_217] : memref<16x2048xi32, #tpu.memory_space<hbm>> -> memref<1x2048xi32, #tpu.memory_space<hbm>>
      %dma_start3A_219 = tpu.memref_squeeze %dma_start3A_218 : memref<1x2048xi32, #tpu.memory_space<hbm>> -> memref<2048xi32, #tpu.memory_space<hbm>>
      tpu.enqueue_dma source(%dma_start3A_219 : memref<2048xi32, #tpu.memory_space<hbm>>) target(%arg7 : memref<2048xi32, #tpu.memory_space<vmem>>) target_semaphore(%run_scoped3A : memref<!tpu.dma_semaphore, #tpu.memory_space<semaphore_mem>>)
      %dma_wait3A = arith.constant 0 : i32
      %dma_wait3A_220 = tpu.memref_slice %arg3[%select_n3A, %dma_wait3A] : memref<16x2048xi32, #tpu.memory_space<hbm>> -> memref<1x2048xi32, #tpu.memory_space<hbm>>
      %dma_wait3A_221 = tpu.memref_squeeze %dma_wait3A_220 : memref<1x2048xi32, #tpu.memory_space<hbm>> -> memref<2048xi32, #tpu.memory_space<hbm>>
      %dma_wait3A_222 = arith.constant 0 : i32
      %dma_wait3A_223 = tpu.memref_slice %arg3[%select_n3A, %dma_wait3A_222] : memref<16x2048xi32, #tpu.memory_space<hbm>> -> memref<1x2048xi32, #tpu.memory_space<hbm>>
      %dma_wait3A_224 = tpu.memref_squeeze %dma_wait3A_223 : memref<1x2048xi32, #tpu.memory_space<hbm>> -> memref<2048xi32, #tpu.memory_space<hbm>>
      tpu.wait_dma2 semaphore(%run_scoped3A : memref<!tpu.dma_semaphore, #tpu.memory_space<semaphore_mem>>) src(%dma_wait3A_224 : memref<2048xi32, #tpu.memory_space<hbm>>) dst(%arg7 : memref<2048xi32, #tpu.memory_space<vmem>>)
      tpu.yield
    }) : () -> ()
    "tpu.region"() ({
      %run_scoped3A = tpu.sem_alloc : memref<!tpu.dma_semaphore, #tpu.memory_space<semaphore_mem>>
      tpu.enqueue_dma source(%arg4 : memref<16xi32, #tpu.memory_space<hbm>>) target(%arg8 : memref<16xi32, #tpu.memory_space<vmem>>) target_semaphore(%run_scoped3A : memref<!tpu.dma_semaphore, #tpu.memory_space<semaphore_mem>>)
      tpu.wait_dma2 semaphore(%run_scoped3A : memref<!tpu.dma_semaphore, #tpu.memory_space<semaphore_mem>>) src(%arg4 : memref<16xi32, #tpu.memory_space<hbm>>) dst(%arg8 : memref<16xi32, #tpu.memory_space<vmem>>)
      tpu.yield
    }) : () -> ()
    %get3A = arith.constant 0 : index
    %get3A_31 = tpu.vector_load %arg8[%get3A] {strides = array<i32>} : memref<16xi32, #tpu.memory_space<vmem>>, vector<16xi32>,
    %reduce_max3A = arith.constant true
    %reduce_max3A_32 = vector.broadcast %reduce_max3A : i1 to vector<16xi1>
    %reduce_max3A_33 = arith.constant -2147483648 : i32
    %reduce_max3A_34 = vector.broadcast %reduce_max3A_33 : i32 to vector<16xi32>
    %reduce_max3A_35 = arith.xori %get3A_31, %reduce_max3A_34 : vector<16xi32>
    %reduce_max3A_36 = tpu.scan <max>, %reduce_max3A_35 masked %reduce_max3A_32 : vector<16xi32>, vector<16xi1> -> vector<16xi32>
    %reduce_max3A_37 = arith.xori %reduce_max3A_36, %reduce_max3A_34 : vector<16xi32>
    %reduce_max3A_38 = vector.extract %reduce_max3A_37[15] : i32 from vector<16xi32>
    %broadcast_in_dim3A = arith.constant 0 : i32
    %broadcast_in_dim3A_39 = vector.broadcast %broadcast_in_dim3A : i32 to vector<16xi32>
    %broadcast_in_dim3A_40 = arith.constant 0.000000e+00 : f32
    %broadcast_in_dim3A_41 = vector.broadcast %broadcast_in_dim3A_40 : f32 to vector<16xf32>
    %iota3A = tpu.iota {dimensions = array<i32: 0>} : vector<16xi32>
    %scan3A = arith.constant 0 : i32
    %scan3A_42 = arith.constant 0 : i32
    %scan3A_43 = arith.constant 256 : i32
    %scan3A_44 = arith.addi %scan3A_42, %scan3A_43 : i32
    %scan3A_45 = arith.constant 1 : i32
    %scan3A_46 = scf.for %scan3A_215 = %scan3A_42 to %scan3A_44 step %scan3A_45 iter_args(%scan3A_216 = %scan3A) -> (i32)  : i32 {
      %mul3A_217 = arith.constant 16 : i32
      %mul3A_218 = arith.muli %scan3A_215, %mul3A_217 : i32
      %swap3A = arith.index_cast %mul3A_218 : i32 to index
      %swap3A_219 = tpu.vector_load %arg9[%swap3A] {strides = array<i32>} : memref<4096xi32, #tpu.memory_space<vmem>>, vector<16xi32>,
      tpu.vector_store %arg9[%swap3A], %broadcast_in_dim3A_39 {strides = array<i32>} : memref<4096xi32, #tpu.memory_space<vmem>>, vector<16xi32>,
      %scan3A_220 = arith.constant 0 : i32
      scf.yield %scan3A_220 : i32
    }
    %scan3A_47 = arith.constant 256 : i32
    %scan3A_48 = arith.constant 0 : i32
    %scan3A_49 = arith.constant 0 : i32
    %scan3A_50 = arith.constant 32 : i32
    %scan3A_51 = arith.addi %scan3A_49, %scan3A_50 : i32
    %scan3A_52 = arith.constant 1 : i32
    %scan3A_53 = scf.for %scan3A_215 = %scan3A_49 to %scan3A_51 step %scan3A_52 iter_args(%scan3A_216 = %scan3A_48) -> (i32)  : i32 {
      %swap3A = arith.index_cast %scan3A_215 : i32 to index
      %swap3A_217 = arith.constant 0 : index
      %swap3A_218 = tpu.vector_load %arg13[%swap3A, %swap3A_217] {strides = array<i32>} : memref<32x256xf32, #tpu.memory_space<vmem>>, vector<16xf32>,
      tpu.vector_store %arg13[%swap3A, %swap3A_217], %broadcast_in_dim3A_41 {strides = array<i32>} : memref<32x256xf32, #tpu.memory_space<vmem>>, vector<16xf32>,
      %swap3A_219 = arith.index_cast %scan3A_215 : i32 to index
      %swap3A_220 = arith.constant 16 : index
      %swap3A_221 = tpu.vector_load %arg13[%swap3A_219, %swap3A_220] {strides = array<i32>} : memref<32x256xf32, #tpu.memory_space<vmem>>, vector<16xf32>,
      tpu.vector_store %arg13[%swap3A_219, %swap3A_220], %broadcast_in_dim3A_41 {strides = array<i32>} : memref<32x256xf32, #tpu.memory_space<vmem>>, vector<16xf32>,
      %swap3A_222 = arith.index_cast %scan3A_215 : i32 to index
      %swap3A_223 = arith.constant 32 : index
      %swap3A_224 = tpu.vector_load %arg13[%swap3A_222, %swap3A_223] {strides = array<i32>} : memref<32x256xf32, #tpu.memory_space<vmem>>, vector<16xf32>,
      tpu.vector_store %arg13[%swap3A_222, %swap3A_223], %broadcast_in_dim3A_41 {strides = array<i32>} : memref<32x256xf32, #tpu.memory_space<vmem>>, vector<16xf32>,
      %swap3A_225 = arith.index_cast %scan3A_215 : i32 to index
      %swap3A_226 = arith.constant 48 : index
      %swap3A_227 = tpu.vector_load %arg13[%swap3A_225, %swap3A_226] {strides = array<i32>} : memref<32x256xf32, #tpu.memory_space<vmem>>, vector<16xf32>,
      tpu.vector_store %arg13[%swap3A_225, %swap3A_226], %broadcast_in_dim3A_41 {strides = array<i32>} : memref<32x256xf32, #tpu.memory_space<vmem>>, vector<16xf32>,
      %swap3A_228 = arith.index_cast %scan3A_215 : i32 to index
      %swap3A_229 = arith.constant 64 : index
      %swap3A_230 = tpu.vector_load %arg13[%swap3A_228, %swap3A_229] {strides = array<i32>} : memref<32x256xf32, #tpu.memory_space<vmem>>, vector<16xf32>,
      tpu.vector_store %arg13[%swap3A_228, %swap3A_229], %broadcast_in_dim3A_41 {strides = array<i32>} : memref<32x256xf32, #tpu.memory_space<vmem>>, vector<16xf32>,
      %swap3A_231 = arith.index_cast %scan3A_215 : i32 to index
      %swap3A_232 = arith.constant 80 : index
      %swap3A_233 = tpu.vector_load %arg13[%swap3A_231, %swap3A_232] {strides = array<i32>} : memref<32x256xf32, #tpu.memory_space<vmem>>, vector<16xf32>,
      tpu.vector_store %arg13[%swap3A_231, %swap3A_232], %broadcast_in_dim3A_41 {strides = array<i32>} : memref<32x256xf32, #tpu.memory_space<vmem>>, vector<16xf32>,
      %swap3A_234 = arith.index_cast %scan3A_215 : i32 to index
      %swap3A_235 = arith.constant 96 : index
      %swap3A_236 = tpu.vector_load %arg13[%swap3A_234, %swap3A_235] {strides = array<i32>} : memref<32x256xf32, #tpu.memory_space<vmem>>, vector<16xf32>,
      tpu.vector_store %arg13[%swap3A_234, %swap3A_235], %broadcast_in_dim3A_41 {strides = array<i32>} : memref<32x256xf32, #tpu.memory_space<vmem>>, vector<16xf32>,
      %swap3A_237 = arith.index_cast %scan3A_215 : i32 to index
      %swap3A_238 = arith.constant 112 : index
      %swap3A_239 = tpu.vector_load %arg13[%swap3A_237, %swap3A_238] {strides = array<i32>} : memref<32x256xf32, #tpu.memory_space<vmem>>, vector<16xf32>,
      tpu.vector_store %arg13[%swap3A_237, %swap3A_238], %broadcast_in_dim3A_41 {strides = array<i32>} : memref<32x256xf32, #tpu.memory_space<vmem>>, vector<16xf32>,
      %swap3A_240 = arith.index_cast %scan3A_215 : i32 to index
      %swap3A_241 = arith.constant 128 : index
      %swap3A_242 = tpu.vector_load %arg13[%swap3A_240, %swap3A_241] {strides = array<i32>} : memref<32x256xf32, #tpu.memory_space<vmem>>, vector<16xf32>,
      tpu.vector_store %arg13[%swap3A_240, %swap3A_241], %broadcast_in_dim3A_41 {strides = array<i32>} : memref<32x256xf32, #tpu.memory_space<vmem>>, vector<16xf32>,
      %swap3A_243 = arith.index_cast %scan3A_215 : i32 to index
      %swap3A_244 = arith.constant 144 : index
      %swap3A_245 = tpu.vector_load %arg13[%swap3A_243, %swap3A_244] {strides = array<i32>} : memref<32x256xf32, #tpu.memory_space<vmem>>, vector<16xf32>,
      tpu.vector_store %arg13[%swap3A_243, %swap3A_244], %broadcast_in_dim3A_41 {strides = array<i32>} : memref<32x256xf32, #tpu.memory_space<vmem>>, vector<16xf32>,
      %swap3A_246 = arith.index_cast %scan3A_215 : i32 to index
      %swap3A_247 = arith.constant 160 : index
      %swap3A_248 = tpu.vector_load %arg13[%swap3A_246, %swap3A_247] {strides = array<i32>} : memref<32x256xf32, #tpu.memory_space<vmem>>, vector<16xf32>,
      tpu.vector_store %arg13[%swap3A_246, %swap3A_247], %broadcast_in_dim3A_41 {strides = array<i32>} : memref<32x256xf32, #tpu.memory_space<vmem>>, vector<16xf32>,
      %swap3A_249 = arith.index_cast %scan3A_215 : i32 to index
      %swap3A_250 = arith.constant 176 : index
      %swap3A_251 = tpu.vector_load %arg13[%swap3A_249, %swap3A_250] {strides = array<i32>} : memref<32x256xf32, #tpu.memory_space<vmem>>, vector<16xf32>,
      tpu.vector_store %arg13[%swap3A_249, %swap3A_250], %broadcast_in_dim3A_41 {strides = array<i32>} : memref<32x256xf32, #tpu.memory_space<vmem>>, vector<16xf32>,
      %swap3A_252 = arith.index_cast %scan3A_215 : i32 to index
      %swap3A_253 = arith.constant 192 : index
      %swap3A_254 = tpu.vector_load %arg13[%swap3A_252, %swap3A_253] {strides = array<i32>} : memref<32x256xf32, #tpu.memory_space<vmem>>, vector<16xf32>,
      tpu.vector_store %arg13[%swap3A_252, %swap3A_253], %broadcast_in_dim3A_41 {strides = array<i32>} : memref<32x256xf32, #tpu.memory_space<vmem>>, vector<16xf32>,
      %swap3A_255 = arith.index_cast %scan3A_215 : i32 to index
      %swap3A_256 = arith.constant 208 : index
      %swap3A_257 = tpu.vector_load %arg13[%swap3A_255, %swap3A_256] {strides = array<i32>} : memref<32x256xf32, #tpu.memory_space<vmem>>, vector<16xf32>,
      tpu.vector_store %arg13[%swap3A_255, %swap3A_256], %broadcast_in_dim3A_41 {strides = array<i32>} : memref<32x256xf32, #tpu.memory_space<vmem>>, vector<16xf32>,
      %swap3A_258 = arith.index_cast %scan3A_215 : i32 to index
      %swap3A_259 = arith.constant 224 : index
      %swap3A_260 = tpu.vector_load %arg13[%swap3A_258, %swap3A_259] {strides = array<i32>} : memref<32x256xf32, #tpu.memory_space<vmem>>, vector<16xf32>,
      tpu.vector_store %arg13[%swap3A_258, %swap3A_259], %broadcast_in_dim3A_41 {strides = array<i32>} : memref<32x256xf32, #tpu.memory_space<vmem>>, vector<16xf32>,
      %swap3A_261 = arith.index_cast %scan3A_215 : i32 to index
      %swap3A_262 = arith.constant 240 : index
      %swap3A_263 = tpu.vector_load %arg13[%swap3A_261, %swap3A_262] {strides = array<i32>} : memref<32x256xf32, #tpu.memory_space<vmem>>, vector<16xf32>,
      tpu.vector_store %arg13[%swap3A_261, %swap3A_262], %broadcast_in_dim3A_41 {strides = array<i32>} : memref<32x256xf32, #tpu.memory_space<vmem>>, vector<16xf32>,
      %scan3A_264 = arith.constant 0 : i32
      scf.yield %scan3A_264 : i32
    }
    %scan3A_54 = arith.constant 32 : i32
    %scan3A_55 = arith.constant 0 : i32
    %scan3A_56 = arith.constant 0 : i32
    %scan3A_57 = arith.constant 128 : i32
    %scan3A_58 = arith.addi %scan3A_56, %scan3A_57 : i32
    %scan3A_59 = arith.constant 1 : i32
    %scan3A_60 = scf.for %scan3A_215 = %scan3A_56 to %scan3A_58 step %scan3A_59 iter_args(%scan3A_216 = %scan3A_55) -> (i32)  : i32 {
      %mul3A_217 = arith.constant 16 : i32
      %mul3A_218 = arith.muli %scan3A_215, %mul3A_217 : i32
      %get3A_219 = arith.index_cast %mul3A_218 : i32 to index
      %get3A_220 = tpu.vector_load %arg7[%get3A_219] {strides = array<i32>} : memref<2048xi32, #tpu.memory_space<vmem>>, vector<16xi32>,
      %broadcast_in_dim3A_221 = arith.constant true
      %broadcast_in_dim3A_222 = vector.broadcast %broadcast_in_dim3A_221 : i1 to vector<16xi1>
      %masked_cumsum3A = tpu.scan <sum>, %get3A_220 masked %broadcast_in_dim3A_222 : vector<16xi32>, vector<16xi1> -> vector<16xi32>
      %add3A_223 = vector.broadcast %scan3A_216 : i32 to vector<16xi32>
      %add3A_224 = arith.addi %masked_cumsum3A, %add3A_223 : vector<16xi32>
      %min3A_225 = vector.broadcast %reduce_max3A_38 : i32 to vector<16xi32>
      %min3A_226 = arith.minsi %add3A_224, %min3A_225 : vector<16xi32>
      %sub3A_227 = arith.subi %add3A_224, %get3A_220 : vector<16xi32>
      %min3A_228 = vector.broadcast %reduce_max3A_38 : i32 to vector<16xi32>
      %min3A_229 = arith.minsi %sub3A_227, %min3A_228 : vector<16xi32>
      %gt3A_230 = arith.cmpi sgt, %min3A_226, %min3A_229 : vector<16xi32>
      %lt3A_231 = arith.constant 4096 : i32
      %lt3A_232 = vector.broadcast %lt3A_231 : i32 to vector<16xi32>
      %lt3A_233 = arith.cmpi slt, %min3A_229, %lt3A_232 : vector<16xi32>
      %and3A_234 = arith.andi %gt3A_230, %lt3A_233 : vector<16xi1>
      %min3A_235 = arith.constant 4095 : i32
      %min3A_236 = vector.broadcast %min3A_235 : i32 to vector<16xi32>
      %min3A_237 = arith.minsi %min3A_229, %min3A_236 : vector<16xi32>
      %mul3A_238 = arith.constant 16 : i32
      %mul3A_239 = arith.muli %scan3A_215, %mul3A_238 : i32
      %add3A_240 = vector.broadcast %mul3A_239 : i32 to vector<16xi32>
      %add3A_241 = arith.addi %add3A_240, %iota3A : vector<16xi32>
      tpu.vector_store_idx %arg9[%min3A_237], %add3A_241 masked %and3A_234 : memref<4096xi32, #tpu.memory_space<vmem>>[vector<16xi32>], vector<16xi32>, vector<16xi1>
      %reduce_max3A_242 = arith.constant true
      %reduce_max3A_243 = vector.broadcast %reduce_max3A_242 : i1 to vector<16xi1>
      %reduce_max3A_244 = arith.constant -2147483648 : i32
      %reduce_max3A_245 = vector.broadcast %reduce_max3A_244 : i32 to vector<16xi32>
      %reduce_max3A_246 = arith.xori %add3A_224, %reduce_max3A_245 : vector<16xi32>
      %reduce_max3A_247 = tpu.scan <max>, %reduce_max3A_246 masked %reduce_max3A_243 : vector<16xi32>, vector<16xi1> -> vector<16xi32>
      %reduce_max3A_248 = arith.xori %reduce_max3A_247, %reduce_max3A_245 : vector<16xi32>
      %reduce_max3A_249 = vector.extract %reduce_max3A_248[15] : i32 from vector<16xi32>
      scf.yield %reduce_max3A_249 : i32
    }
    %scan3A_61 = arith.constant 128 : i32
    %min3A = arith.minsi %scan3A_60, %reduce_max3A_38 : i32
    %add3A_62 = arith.constant 128 : i32
    %add3A_63 = arith.addi %min3A, %add3A_62 : i32
    %sub3A_64 = arith.constant 1 : i32
    %sub3A_65 = arith.subi %add3A_63, %sub3A_64 : i32
    %jit3A_66 = arith.constant 128 : i32
    %div3A_67 = arith.divsi %sub3A_65, %jit3A_66 : i32
    %sign3A_68 = arith.constant 0 : i32
    %sign3A_69 = arith.cmpi sgt, %sub3A_65, %sign3A_68 : i32
    %sign3A_70 = arith.extui %sign3A_69 : i1 to i32
    %sign3A_71 = arith.constant 0 : i32
    %sign3A_72 = arith.cmpi slt, %sub3A_65, %sign3A_71 : i32
    %sign3A_73 = arith.extui %sign3A_72 : i1 to i32
    %sign3A_74 = arith.subi %sign3A_70, %sign3A_73 : i32
    %sign3A_75 = arith.constant 0 : i32
    %sign3A_76 = arith.cmpi sgt, %jit3A_66, %sign3A_75 : i32
    %sign3A_77 = arith.extui %sign3A_76 : i1 to i32
    %sign3A_78 = arith.constant 0 : i32
    %sign3A_79 = arith.cmpi slt, %jit3A_66, %sign3A_78 : i32
    %sign3A_80 = arith.extui %sign3A_79 : i1 to i32
    %sign3A_81 = arith.subi %sign3A_77, %sign3A_80 : i32
    %ne3A_82 = arith.cmpi ne, %sign3A_74, %sign3A_81 : i32
    %rem3A_83 = arith.remsi %sub3A_65, %jit3A_66 : i32
    %ne3A_84 = arith.constant 0 : i32
    %ne3A_85 = arith.cmpi ne, %rem3A_83, %ne3A_84 : i32
    %and3A_86 = arith.andi %ne3A_82, %ne3A_85 : i1
    %sub3A_87 = arith.constant 1 : i32
    %sub3A_88 = arith.subi %div3A_67, %sub3A_87 : i32
    %select_n3A_89 = arith.select %and3A_86, %sub3A_88, %div3A_67 : i32
    %add3A_90 = arith.constant 1 : i32
    %add3A_91 = arith.addi %select_n3A_89, %add3A_90 : i32
    %sub3A_92 = arith.subi %add3A_91, %select_n3A_30 : i32
    %jit3A_93 = arith.constant 2 : i32
    %div3A_94 = arith.divsi %sub3A_92, %jit3A_93 : i32
    %sign3A_95 = arith.constant 0 : i32
    %sign3A_96 = arith.cmpi sgt, %sub3A_92, %sign3A_95 : i32
    %sign3A_97 = arith.extui %sign3A_96 : i1 to i32
    %sign3A_98 = arith.constant 0 : i32
    %sign3A_99 = arith.cmpi slt, %sub3A_92, %sign3A_98 : i32
    %sign3A_100 = arith.extui %sign3A_99 : i1 to i32
    %sign3A_101 = arith.subi %sign3A_97, %sign3A_100 : i32
    %sign3A_102 = arith.constant 0 : i32
    %sign3A_103 = arith.cmpi sgt, %jit3A_93, %sign3A_102 : i32
    %sign3A_104 = arith.extui %sign3A_103 : i1 to i32
    %sign3A_105 = arith.constant 0 : i32
    %sign3A_106 = arith.cmpi slt, %jit3A_93, %sign3A_105 : i32
    %sign3A_107 = arith.extui %sign3A_106 : i1 to i32
    %sign3A_108 = arith.subi %sign3A_104, %sign3A_107 : i32
    %ne3A_109 = arith.cmpi ne, %sign3A_101, %sign3A_108 : i32
    %rem3A_110 = arith.remsi %sub3A_92, %jit3A_93 : i32
    %ne3A_111 = arith.constant 0 : i32
    %ne3A_112 = arith.cmpi ne, %rem3A_110, %ne3A_111 : i32
    %and3A_113 = arith.andi %ne3A_109, %ne3A_112 : i1
    %sub3A_114 = arith.constant 1 : i32
    %sub3A_115 = arith.subi %div3A_94, %sub3A_114 : i32
    %select_n3A_116 = arith.select %and3A_113, %sub3A_115, %div3A_94 : i32
    %jit3A_117 = arith.constant 0 : i32
    %jit3A_118 = arith.constant 16 : i32
    %max3A = arith.maxsi %jit3A_117, %select_n3A_116 : i32
    %min3A_119 = arith.minsi %jit3A_118, %max3A : i32
    %while3A = arith.constant 16 : i32
    %while3A_120 = arith.constant 0 : i32
    %while3A_121 = arith.subi %while3A, %min3A_119 : i32
    %while3A_122 = arith.addi %min3A_119, %while3A_121 : i32
    %while3A_123 = arith.constant 1 : i32
    %while3A_124 = arith.divsi %while3A_121, %while3A_123 : i32
    %while3A_125 = arith.muli %while3A_124, %while3A_123 : i32
    %while3A_126 = arith.addi %min3A_119, %while3A_125 : i32
    %while3A_127 = arith.constant 1 : i32
    %while3A_128 = scf.for %while3A_215 = %min3A_119 to %while3A_126 step %while3A_127 iter_args(%while3A_216 = %while3A_120) -> (i32)  : i32 {
      %mul3A_217 = arith.constant 4096 : i32
      %mul3A_218 = arith.muli %select_n3A, %mul3A_217 : i32
      %mul3A_219 = arith.constant 2 : i32
      %mul3A_220 = arith.muli %mul3A_219, %while3A_215 : i32
      %add3A_221 = arith.addi %select_n3A_30, %mul3A_220 : i32
      %mul3A_222 = arith.constant 128 : i32
      %mul3A_223 = arith.muli %add3A_221, %mul3A_222 : i32
      %add3A_224 = arith.addi %mul3A_218, %mul3A_223 : i32
      %add3A_225 = arith.constant 0 : i32
      %add3A_226 = arith.addi %add3A_224, %add3A_225 : i32
      %dma_start3A = arith.constant 0 : i32
      %dma_start3A_227 = tpu.memref_slice %arg5[%add3A_226, %dma_start3A] : memref<65536x256xf32, #tpu.memory_space<hbm>> -> memref<32x256xf32, #tpu.memory_space<hbm>>
      %dma_start3A_228 = arith.constant 0 : i32
      %dma_start3A_229 = tpu.memref_slice %arg5[%add3A_226, %dma_start3A_228] : memref<65536x256xf32, #tpu.memory_space<hbm>> -> memref<32x256xf32, #tpu.memory_space<hbm>>
      tpu.enqueue_dma source(%arg13 : memref<32x256xf32, #tpu.memory_space<vmem>>) target(%dma_start3A_229 : memref<32x256xf32, #tpu.memory_space<hbm>>) target_semaphore(%arg16 : memref<!tpu.dma_semaphore, #tpu.memory_space<semaphore_mem>>)
      %mul3A_230 = arith.constant 4096 : i32
      %mul3A_231 = arith.muli %select_n3A, %mul3A_230 : i32
      %mul3A_232 = arith.constant 2 : i32
      %mul3A_233 = arith.muli %mul3A_232, %while3A_215 : i32
      %add3A_234 = arith.addi %select_n3A_30, %mul3A_233 : i32
      %mul3A_235 = arith.constant 128 : i32
      %mul3A_236 = arith.muli %add3A_234, %mul3A_235 : i32
      %add3A_237 = arith.addi %mul3A_231, %mul3A_236 : i32
      %add3A_238 = arith.constant 32 : i32
      %add3A_239 = arith.addi %add3A_237, %add3A_238 : i32
      %dma_start3A_240 = arith.constant 0 : i32
      %dma_start3A_241 = tpu.memref_slice %arg5[%add3A_239, %dma_start3A_240] : memref<65536x256xf32, #tpu.memory_space<hbm>> -> memref<32x256xf32, #tpu.memory_space<hbm>>
      %dma_start3A_242 = arith.constant 0 : i32
      %dma_start3A_243 = tpu.memref_slice %arg5[%add3A_239, %dma_start3A_242] : memref<65536x256xf32, #tpu.memory_space<hbm>> -> memref<32x256xf32, #tpu.memory_space<hbm>>
      tpu.enqueue_dma source(%arg13 : memref<32x256xf32, #tpu.memory_space<vmem>>) target(%dma_start3A_243 : memref<32x256xf32, #tpu.memory_space<hbm>>) target_semaphore(%arg16 : memref<!tpu.dma_semaphore, #tpu.memory_space<semaphore_mem>>)
      %mul3A_244 = arith.constant 4096 : i32
      %mul3A_245 = arith.muli %select_n3A, %mul3A_244 : i32
      %mul3A_246 = arith.constant 2 : i32
      %mul3A_247 = arith.muli %mul3A_246, %while3A_215 : i32
      %add3A_248 = arith.addi %select_n3A_30, %mul3A_247 : i32
      %mul3A_249 = arith.constant 128 : i32
      %mul3A_250 = arith.muli %add3A_248, %mul3A_249 : i32
      %add3A_251 = arith.addi %mul3A_245, %mul3A_250 : i32
      %add3A_252 = arith.constant 64 : i32
      %add3A_253 = arith.addi %add3A_251, %add3A_252 : i32
      %dma_start3A_254 = arith.constant 0 : i32
      %dma_start3A_255 = tpu.memref_slice %arg5[%add3A_253, %dma_start3A_254] : memref<65536x256xf32, #tpu.memory_space<hbm>> -> memref<32x256xf32, #tpu.memory_space<hbm>>
      %dma_start3A_256 = arith.constant 0 : i32
      %dma_start3A_257 = tpu.memref_slice %arg5[%add3A_253, %dma_start3A_256] : memref<65536x256xf32, #tpu.memory_space<hbm>> -> memref<32x256xf32, #tpu.memory_space<hbm>>
      tpu.enqueue_dma source(%arg13 : memref<32x256xf32, #tpu.memory_space<vmem>>) target(%dma_start3A_257 : memref<32x256xf32, #tpu.memory_space<hbm>>) target_semaphore(%arg16 : memref<!tpu.dma_semaphore, #tpu.memory_space<semaphore_mem>>)
      %mul3A_258 = arith.constant 4096 : i32
      %mul3A_259 = arith.muli %select_n3A, %mul3A_258 : i32
      %mul3A_260 = arith.constant 2 : i32
      %mul3A_261 = arith.muli %mul3A_260, %while3A_215 : i32
      %add3A_262 = arith.addi %select_n3A_30, %mul3A_261 : i32
      %mul3A_263 = arith.constant 128 : i32
      %mul3A_264 = arith.muli %add3A_262, %mul3A_263 : i32
      %add3A_265 = arith.addi %mul3A_259, %mul3A_264 : i32
      %add3A_266 = arith.constant 96 : i32
      %add3A_267 = arith.addi %add3A_265, %add3A_266 : i32
      %dma_start3A_268 = arith.constant 0 : i32
      %dma_start3A_269 = tpu.memref_slice %arg5[%add3A_267, %dma_start3A_268] : memref<65536x256xf32, #tpu.memory_space<hbm>> -> memref<32x256xf32, #tpu.memory_space<hbm>>
      %dma_start3A_270 = arith.constant 0 : i32
      %dma_start3A_271 = tpu.memref_slice %arg5[%add3A_267, %dma_start3A_270] : memref<65536x256xf32, #tpu.memory_space<hbm>> -> memref<32x256xf32, #tpu.memory_space<hbm>>
      tpu.enqueue_dma source(%arg13 : memref<32x256xf32, #tpu.memory_space<vmem>>) target(%dma_start3A_271 : memref<32x256xf32, #tpu.memory_space<hbm>>) target_semaphore(%arg16 : memref<!tpu.dma_semaphore, #tpu.memory_space<semaphore_mem>>)
      %while3A_272 = arith.constant 0 : i32
      scf.yield %while3A_272 : i32
    }
    %while3A_129 = arith.constant 1 : i32
    %while3A_130 = scf.for %while3A_215 = %while3A_126 to %while3A_122 step %while3A_129 iter_args(%while3A_216 = %while3A_128) -> (i32)  : i32 {
      %mul3A_217 = arith.constant 4096 : i32
      %mul3A_218 = arith.muli %select_n3A, %mul3A_217 : i32
      %mul3A_219 = arith.constant 2 : i32
      %mul3A_220 = arith.muli %mul3A_219, %while3A_215 : i32
      %add3A_221 = arith.addi %select_n3A_30, %mul3A_220 : i32
      %mul3A_222 = arith.constant 128 : i32
      %mul3A_223 = arith.muli %add3A_221, %mul3A_222 : i32
      %add3A_224 = arith.addi %mul3A_218, %mul3A_223 : i32
      %add3A_225 = arith.constant 0 : i32
      %add3A_226 = arith.addi %add3A_224, %add3A_225 : i32
      %dma_start3A = arith.constant 0 : i32
      %dma_start3A_227 = tpu.memref_slice %arg5[%add3A_226, %dma_start3A] : memref<65536x256xf32, #tpu.memory_space<hbm>> -> memref<32x256xf32, #tpu.memory_space<hbm>>
      %dma_start3A_228 = arith.constant 0 : i32
      %dma_start3A_229 = tpu.memref_slice %arg5[%add3A_226, %dma_start3A_228] : memref<65536x256xf32, #tpu.memory_space<hbm>> -> memref<32x256xf32, #tpu.memory_space<hbm>>
      tpu.enqueue_dma source(%arg13 : memref<32x256xf32, #tpu.memory_space<vmem>>) target(%dma_start3A_229 : memref<32x256xf32, #tpu.memory_space<hbm>>) target_semaphore(%arg16 : memref<!tpu.dma_semaphore, #tpu.memory_space<semaphore_mem>>)
      %mul3A_230 = arith.constant 4096 : i32
      %mul3A_231 = arith.muli %select_n3A, %mul3A_230 : i32
      %mul3A_232 = arith.constant 2 : i32
      %mul3A_233 = arith.muli %mul3A_232, %while3A_215 : i32
      %add3A_234 = arith.addi %select_n3A_30, %mul3A_233 : i32
      %mul3A_235 = arith.constant 128 : i32
      %mul3A_236 = arith.muli %add3A_234, %mul3A_235 : i32
      %add3A_237 = arith.addi %mul3A_231, %mul3A_236 : i32
      %add3A_238 = arith.constant 32 : i32
      %add3A_239 = arith.addi %add3A_237, %add3A_238 : i32
      %dma_start3A_240 = arith.constant 0 : i32
      %dma_start3A_241 = tpu.memref_slice %arg5[%add3A_239, %dma_start3A_240] : memref<65536x256xf32, #tpu.memory_space<hbm>> -> memref<32x256xf32, #tpu.memory_space<hbm>>
      %dma_start3A_242 = arith.constant 0 : i32
      %dma_start3A_243 = tpu.memref_slice %arg5[%add3A_239, %dma_start3A_242] : memref<65536x256xf32, #tpu.memory_space<hbm>> -> memref<32x256xf32, #tpu.memory_space<hbm>>
      tpu.enqueue_dma source(%arg13 : memref<32x256xf32, #tpu.memory_space<vmem>>) target(%dma_start3A_243 : memref<32x256xf32, #tpu.memory_space<hbm>>) target_semaphore(%arg16 : memref<!tpu.dma_semaphore, #tpu.memory_space<semaphore_mem>>)
      %mul3A_244 = arith.constant 4096 : i32
      %mul3A_245 = arith.muli %select_n3A, %mul3A_244 : i32
      %mul3A_246 = arith.constant 2 : i32
      %mul3A_247 = arith.muli %mul3A_246, %while3A_215 : i32
      %add3A_248 = arith.addi %select_n3A_30, %mul3A_247 : i32
      %mul3A_249 = arith.constant 128 : i32
      %mul3A_250 = arith.muli %add3A_248, %mul3A_249 : i32
      %add3A_251 = arith.addi %mul3A_245, %mul3A_250 : i32
      %add3A_252 = arith.constant 64 : i32
      %add3A_253 = arith.addi %add3A_251, %add3A_252 : i32
      %dma_start3A_254 = arith.constant 0 : i32
      %dma_start3A_255 = tpu.memref_slice %arg5[%add3A_253, %dma_start3A_254] : memref<65536x256xf32, #tpu.memory_space<hbm>> -> memref<32x256xf32, #tpu.memory_space<hbm>>
      %dma_start3A_256 = arith.constant 0 : i32
      %dma_start3A_257 = tpu.memref_slice %arg5[%add3A_253, %dma_start3A_256] : memref<65536x256xf32, #tpu.memory_space<hbm>> -> memref<32x256xf32, #tpu.memory_space<hbm>>
      tpu.enqueue_dma source(%arg13 : memref<32x256xf32, #tpu.memory_space<vmem>>) target(%dma_start3A_257 : memref<32x256xf32, #tpu.memory_space<hbm>>) target_semaphore(%arg16 : memref<!tpu.dma_semaphore, #tpu.memory_space<semaphore_mem>>)
      %mul3A_258 = arith.constant 4096 : i32
      %mul3A_259 = arith.muli %select_n3A, %mul3A_258 : i32
      %mul3A_260 = arith.constant 2 : i32
      %mul3A_261 = arith.muli %mul3A_260, %while3A_215 : i32
      %add3A_262 = arith.addi %select_n3A_30, %mul3A_261 : i32
      %mul3A_263 = arith.constant 128 : i32
      %mul3A_264 = arith.muli %add3A_262, %mul3A_263 : i32
      %add3A_265 = arith.addi %mul3A_259, %mul3A_264 : i32
      %add3A_266 = arith.constant 96 : i32
      %add3A_267 = arith.addi %add3A_265, %add3A_266 : i32
      %dma_start3A_268 = arith.constant 0 : i32
      %dma_start3A_269 = tpu.memref_slice %arg5[%add3A_267, %dma_start3A_268] : memref<65536x256xf32, #tpu.memory_space<hbm>> -> memref<32x256xf32, #tpu.memory_space<hbm>>
      %dma_start3A_270 = arith.constant 0 : i32
      %dma_start3A_271 = tpu.memref_slice %arg5[%add3A_267, %dma_start3A_270] : memref<65536x256xf32, #tpu.memory_space<hbm>> -> memref<32x256xf32, #tpu.memory_space<hbm>>
      tpu.enqueue_dma source(%arg13 : memref<32x256xf32, #tpu.memory_space<vmem>>) target(%dma_start3A_271 : memref<32x256xf32, #tpu.memory_space<hbm>>) target_semaphore(%arg16 : memref<!tpu.dma_semaphore, #tpu.memory_space<semaphore_mem>>)
      %while3A_272 = arith.constant 0 : i32
      scf.yield %while3A_272 : i32
    }
    %mul3A_131 = arith.constant 2048 : i32
    %mul3A_132 = arith.muli %select_n3A, %mul3A_131 : i32
    %gt3A = arith.constant 0 : i32
    %gt3A_133 = arith.cmpi sgt, %min3A_119, %gt3A : i32
    %sub3A_134 = arith.constant 1 : i32
    %sub3A_135 = arith.subi %min3A_119, %sub3A_134 : i32
    %min3A_136 = arith.constant 1 : i32
    %min3A_137 = arith.minsi %min3A_136, %sub3A_135 : i32
    %mul3A_138 = arith.constant 2 : i32
    %mul3A_139 = arith.muli %mul3A_138, %min3A_137 : i32
    %add3A_140 = arith.addi %select_n3A_30, %mul3A_139 : i32
    %add3A_141 = arith.constant 1 : i32
    %add3A_142 = arith.addi %add3A_140, %add3A_141 : i32
    %mul3A_143 = arith.constant 8 : i32
    %mul3A_144 = arith.muli %add3A_142, %mul3A_143 : i32
    %min3A_145 = arith.constant 256 : i32
    %min3A_146 = arith.minsi %mul3A_144, %min3A_145 : i32
    %jit3A_147 = arith.constant 0 : i32
    %select_n3A_148 = arith.select %gt3A_133, %min3A_146, %jit3A_147 : i32
    %while3A_149 = arith.constant 0 : i32
    %while3A_150 = arith.constant 0 : i32
    %while3A_151 = arith.subi %select_n3A_148, %while3A_149 : i32
    %while3A_152 = arith.addi %while3A_149, %while3A_151 : i32
    %while3A_153 = arith.constant 1 : i32
    %while3A_154 = arith.divsi %while3A_151, %while3A_153 : i32
    %while3A_155 = arith.muli %while3A_154, %while3A_153 : i32
    %while3A_156 = arith.addi %while3A_149, %while3A_155 : i32
    %while3A_157 = arith.constant 1 : i32
    %while3A_158 = scf.for %while3A_215 = %while3A_149 to %while3A_156 step %while3A_157 iter_args(%while3A_216 = %while3A_150) -> (i32)  : i32 {
      %mul3A_217 = arith.constant 16 : i32
      %mul3A_218 = arith.muli %while3A_215, %mul3A_217 : i32
      %get3A_219 = arith.index_cast %mul3A_218 : i32 to index
      %get3A_220 = tpu.vector_load %arg9[%get3A_219] {strides = array<i32>} : memref<4096xi32, #tpu.memory_space<vmem>>, vector<16xi32>,
      %broadcast_in_dim3A_221 = arith.constant true
      %broadcast_in_dim3A_222 = vector.broadcast %broadcast_in_dim3A_221 : i1 to vector<16xi1>
      %masked_cummax3A = arith.constant -2147483648 : i32
      %masked_cummax3A_223 = vector.broadcast %masked_cummax3A : i32 to vector<16xi32>
      %masked_cummax3A_224 = arith.xori %get3A_220, %masked_cummax3A_223 : vector<16xi32>
      %masked_cummax3A_225 = tpu.scan <max>, %masked_cummax3A_224 masked %broadcast_in_dim3A_222 : vector<16xi32>, vector<16xi1> -> vector<16xi32>
      %masked_cummax3A_226 = arith.xori %masked_cummax3A_225, %masked_cummax3A_223 : vector<16xi32>
      %max3A_227 = vector.broadcast %while3A_216 : i32 to vector<16xi32>
      %max3A_228 = arith.maxsi %masked_cummax3A_226, %max3A_227 : vector<16xi32>
      %add3A_229 = vector.broadcast %mul3A_132 : i32 to vector<16xi32>
      %add3A_230 = arith.addi %add3A_229, %max3A_228 : vector<16xi32>
      %mul3A_231 = arith.constant 16 : i32
      %mul3A_232 = arith.muli %while3A_215, %mul3A_231 : i32
      %swap3A = arith.index_cast %mul3A_232 : i32 to index
      %swap3A_233 = tpu.vector_load %arg10[%swap3A] {strides = array<i32>} : memref<4096xi32, #tpu.memory_space<vmem>>, vector<16xi32>,
      tpu.vector_store %arg10[%swap3A], %add3A_230 {strides = array<i32>} : memref<4096xi32, #tpu.memory_space<vmem>>, vector<16xi32>,
      %reduce_max3A_234 = arith.constant true
      %reduce_max3A_235 = vector.broadcast %reduce_max3A_234 : i1 to vector<16xi1>
      %reduce_max3A_236 = arith.constant -2147483648 : i32
      %reduce_max3A_237 = vector.broadcast %reduce_max3A_236 : i32 to vector<16xi32>
      %reduce_max3A_238 = arith.xori %max3A_228, %reduce_max3A_237 : vector<16xi32>
      %reduce_max3A_239 = tpu.scan <max>, %reduce_max3A_238 masked %reduce_max3A_235 : vector<16xi32>, vector<16xi1> -> vector<16xi32>
      %reduce_max3A_240 = arith.xori %reduce_max3A_239, %reduce_max3A_237 : vector<16xi32>
      %reduce_max3A_241 = vector.extract %reduce_max3A_240[15] : i32 from vector<16xi32>
      scf.yield %reduce_max3A_241 : i32
    }
    %while3A_159 = arith.constant 1 : i32
    %while3A_160 = scf.for %while3A_215 = %while3A_156 to %while3A_152 step %while3A_159 iter_args(%while3A_216 = %while3A_158) -> (i32)  : i32 {
      %mul3A_217 = arith.constant 16 : i32
      %mul3A_218 = arith.muli %while3A_215, %mul3A_217 : i32
      %get3A_219 = arith.index_cast %mul3A_218 : i32 to index
      %get3A_220 = tpu.vector_load %arg9[%get3A_219] {strides = array<i32>} : memref<4096xi32, #tpu.memory_space<vmem>>, vector<16xi32>,
      %broadcast_in_dim3A_221 = arith.constant true
      %broadcast_in_dim3A_222 = vector.broadcast %broadcast_in_dim3A_221 : i1 to vector<16xi1>
      %masked_cummax3A = arith.constant -2147483648 : i32
      %masked_cummax3A_223 = vector.broadcast %masked_cummax3A : i32 to vector<16xi32>
      %masked_cummax3A_224 = arith.xori %get3A_220, %masked_cummax3A_223 : vector<16xi32>
      %masked_cummax3A_225 = tpu.scan <max>, %masked_cummax3A_224 masked %broadcast_in_dim3A_222 : vector<16xi32>, vector<16xi1> -> vector<16xi32>
      %masked_cummax3A_226 = arith.xori %masked_cummax3A_225, %masked_cummax3A_223 : vector<16xi32>
      %max3A_227 = vector.broadcast %while3A_216 : i32 to vector<16xi32>
      %max3A_228 = arith.maxsi %masked_cummax3A_226, %max3A_227 : vector<16xi32>
      %add3A_229 = vector.broadcast %mul3A_132 : i32 to vector<16xi32>
      %add3A_230 = arith.addi %add3A_229, %max3A_228 : vector<16xi32>
      %mul3A_231 = arith.constant 16 : i32
      %mul3A_232 = arith.muli %while3A_215, %mul3A_231 : i32
      %swap3A = arith.index_cast %mul3A_232 : i32 to index
      %swap3A_233 = tpu.vector_load %arg10[%swap3A] {strides = array<i32>} : memref<4096xi32, #tpu.memory_space<vmem>>, vector<16xi32>,
      tpu.vector_store %arg10[%swap3A], %add3A_230 {strides = array<i32>} : memref<4096xi32, #tpu.memory_space<vmem>>, vector<16xi32>,
      %reduce_max3A_234 = arith.constant true
      %reduce_max3A_235 = vector.broadcast %reduce_max3A_234 : i1 to vector<16xi1>
      %reduce_max3A_236 = arith.constant -2147483648 : i32
      %reduce_max3A_237 = vector.broadcast %reduce_max3A_236 : i32 to vector<16xi32>
      %reduce_max3A_238 = arith.xori %max3A_228, %reduce_max3A_237 : vector<16xi32>
      %reduce_max3A_239 = tpu.scan <max>, %reduce_max3A_238 masked %reduce_max3A_235 : vector<16xi32>, vector<16xi1> -> vector<16xi32>
      %reduce_max3A_240 = arith.xori %reduce_max3A_239, %reduce_max3A_237 : vector<16xi32>
      %reduce_max3A_241 = vector.extract %reduce_max3A_240[15] : i32 from vector<16xi32>
      scf.yield %reduce_max3A_241 : i32
    }
    %gt3A_161 = arith.constant 0 : i32
    %gt3A_162 = arith.cmpi sgt, %min3A_119, %gt3A_161 : i32
    %convert_element_type3A = arith.extui %gt3A_162 : i1 to i32
    %cond3A = arith.constant 0 : i32
    %cond3A_163 = arith.cmpi ne, %convert_element_type3A, %cond3A : i32
    scf.if %cond3A_163 {
      %add3A_215 = arith.constant 0 : i32
      %add3A_216 = arith.addi %select_n3A_30, %add3A_215 : i32
      %mul3A_217 = arith.constant 128 : i32
      %mul3A_218 = arith.muli %add3A_216, %mul3A_217 : i32
      %dma_start3A = arith.constant 0 : i32
      %dma_start3A_219 = arith.constant 0 : i32
      %dma_start3A_220 = arith.constant 0 : i32
      %dma_start3A_221 = arith.constant 0 : i32
      %dma_start3A_222 = tpu.memref_slice %arg12[%dma_start3A, %dma_start3A_220, %dma_start3A_221] : memref<3x128x256xf32, #tpu.memory_space<vmem>> -> memref<1x128x256xf32, #tpu.memory_space<vmem>>
      %dma_start3A_223 = tpu.memref_squeeze %dma_start3A_222 : memref<1x128x256xf32, #tpu.memory_space<vmem>> -> memref<128x256xf32, #tpu.memory_space<vmem>>
      %dma_start3A_224 = tpu.memref_slice %arg10[%mul3A_218] : memref<4096xi32, #tpu.memory_space<vmem>> -> memref<128xi32, #tpu.memory_space<vmem>>
      %dma_start3A_225 = arith.constant 0 : i32
      %dma_start3A_226 = arith.constant 0 : i32
      %dma_start3A_227 = tpu.memref_slice %arg2[%dma_start3A_225, %dma_start3A_226] : memref<32768x256xf32, #tpu.memory_space<hbm>> -> memref<32768x256xf32, #tpu.memory_space<hbm>>
      %dma_start3A_228 = tpu.memref_slice %arg14[%dma_start3A_219] : memref<3x!tpu.dma_semaphore, #tpu.memory_space<semaphore_mem>> -> memref<1x!tpu.dma_semaphore, #tpu.memory_space<semaphore_mem>>
      %dma_start3A_229 = tpu.memref_squeeze %dma_start3A_228 : memref<1x!tpu.dma_semaphore, #tpu.memory_space<semaphore_mem>> -> memref<!tpu.dma_semaphore, #tpu.memory_space<semaphore_mem>>
      tpu.enqueue_indirect_dma source(%dma_start3A_227 : memref<32768x256xf32, #tpu.memory_space<hbm>>) target(%dma_start3A_223 : memref<128x256xf32, #tpu.memory_space<vmem>>) offsets(%dma_start3A_224 : memref<128xi32, #tpu.memory_space<vmem>>) semaphore(%dma_start3A_229 : memref<!tpu.dma_semaphore, #tpu.memory_space<semaphore_mem>>)
    } else {
    }
    %while3A_164 = arith.constant 0 : i32
    %while3A_165 = arith.subi %min3A_119, %while3A_164 : i32
    %while3A_166 = arith.addi %while3A_164, %while3A_165 : i32
    %while3A_167 = arith.constant 1 : i32
    %while3A_168 = arith.divsi %while3A_165, %while3A_167 : i32
    %while3A_169 = arith.muli %while3A_168, %while3A_167 : i32
    %while3A_170 = arith.addi %while3A_164, %while3A_169 : i32
    %while3A_171 = arith.constant 1 : i32
    %while3A_172:2 = scf.for %while3A_215 = %while3A_164 to %while3A_170 step %while3A_171 iter_args(%while3A_216 = %select_n3A_148, %while3A_217 = %while3A_160) -> (i32, i32)  : i32 {
      %jit3A_218 = arith.constant 3 : i32
      %eq3A_219 = arith.constant 0 : i32
      %eq3A_220 = arith.cmpi eq, %jit3A_218, %eq3A_219 : i32
      %jit3A_221 = arith.constant 1 : i32
      %select_n3A_222 = arith.select %eq3A_220, %jit3A_221, %jit3A_218 : i32
      %rem3A_223 = arith.remsi %while3A_215, %select_n3A_222 : i32
      %ne3A_224 = arith.constant 0 : i32
      %ne3A_225 = arith.cmpi ne, %rem3A_223, %ne3A_224 : i32
      %lt3A_226 = arith.constant 0 : i32
      %lt3A_227 = arith.cmpi slt, %rem3A_223, %lt3A_226 : i32
      %lt3A_228 = arith.constant 0 : i32
      %lt3A_229 = arith.cmpi slt, %select_n3A_222, %lt3A_228 : i32
      %ne3A_230 = arith.xori %lt3A_227, %lt3A_229 : i1
      %and3A_231 = arith.andi %ne3A_230, %ne3A_225 : i1
      %add3A_232 = arith.addi %rem3A_223, %select_n3A_222 : i32
      %select_n3A_233 = arith.select %and3A_231, %add3A_232, %rem3A_223 : i32
      %add3A_234 = arith.constant 1 : i32
      %add3A_235 = arith.addi %while3A_215, %add3A_234 : i32
      %lt3A_236 = arith.cmpi slt, %add3A_235, %min3A_119 : i32
      %convert_element_type3A_237 = arith.extui %lt3A_236 : i1 to i32
      %cond3A_238 = arith.constant 0 : i32
      %cond3A_239 = arith.cmpi ne, %convert_element_type3A_237, %cond3A_238 : i32
      scf.if %cond3A_239 {
        %add3A_322 = arith.constant 1 : i32
        %add3A_323 = arith.addi %while3A_215, %add3A_322 : i32
        %jit3A_324 = arith.constant 3 : i32
        %eq3A_325 = arith.constant 0 : i32
        %eq3A_326 = arith.cmpi eq, %jit3A_324, %eq3A_325 : i32
        %jit3A_327 = arith.constant 1 : i32
        %select_n3A_328 = arith.select %eq3A_326, %jit3A_327, %jit3A_324 : i32
        %rem3A_329 = arith.remsi %add3A_323, %select_n3A_328 : i32
        %ne3A_330 = arith.constant 0 : i32
        %ne3A_331 = arith.cmpi ne, %rem3A_329, %ne3A_330 : i32
        %lt3A_332 = arith.constant 0 : i32
        %lt3A_333 = arith.cmpi slt, %rem3A_329, %lt3A_332 : i32
        %lt3A_334 = arith.constant 0 : i32
        %lt3A_335 = arith.cmpi slt, %select_n3A_328, %lt3A_334 : i32
        %ne3A_336 = arith.xori %lt3A_333, %lt3A_335 : i1
        %and3A_337 = arith.andi %ne3A_336, %ne3A_331 : i1
        %add3A_338 = arith.addi %rem3A_329, %select_n3A_328 : i32
        %select_n3A_339 = arith.select %and3A_337, %add3A_338, %rem3A_329 : i32
        %ge3A_340 = arith.constant 2 : i32
        %ge3A_341 = arith.cmpi sge, %while3A_215, %ge3A_340 : i32
        %convert_element_type3A_342 = arith.extui %ge3A_341 : i1 to i32
        %cond3A_343 = arith.constant 0 : i32
        %cond3A_344 = arith.cmpi ne, %convert_element_type3A_342, %cond3A_343 : i32
        scf.if %cond3A_344 {
          %add3A_362 = arith.constant 1 : i32
          %add3A_363 = arith.addi %while3A_215, %add3A_362 : i32
          %sub3A_364 = arith.constant 3 : i32
          %sub3A_365 = arith.subi %add3A_363, %sub3A_364 : i32
          %mul3A_366 = arith.constant 4096 : i32
          %mul3A_367 = arith.muli %select_n3A, %mul3A_366 : i32
          %mul3A_368 = arith.constant 2 : i32
          %mul3A_369 = arith.muli %mul3A_368, %sub3A_365 : i32
          %add3A_370 = arith.addi %select_n3A_30, %mul3A_369 : i32
          %mul3A_371 = arith.constant 128 : i32
          %mul3A_372 = arith.muli %add3A_370, %mul3A_371 : i32
          %add3A_373 = arith.addi %mul3A_367, %mul3A_372 : i32
          %dma_wait3A_374 = arith.constant 0 : i32
          %dma_wait3A_375 = arith.constant 0 : i32
          %dma_wait3A_376 = tpu.memref_slice %arg12[%select_n3A_339, %dma_wait3A_374, %dma_wait3A_375] : memref<3x128x256xf32, #tpu.memory_space<vmem>> -> memref<1x128x256xf32, #tpu.memory_space<vmem>>
          %dma_wait3A_377 = tpu.memref_squeeze %dma_wait3A_376 : memref<1x128x256xf32, #tpu.memory_space<vmem>> -> memref<128x256xf32, #tpu.memory_space<vmem>>
          %dma_wait3A_378 = arith.constant 0 : i32
          %dma_wait3A_379 = tpu.memref_slice %arg5[%add3A_373, %dma_wait3A_378] : memref<65536x256xf32, #tpu.memory_space<hbm>> -> memref<128x256xf32, #tpu.memory_space<hbm>>
          %dma_wait3A_380 = tpu.memref_slice %arg15[%select_n3A_339] : memref<3x!tpu.dma_semaphore, #tpu.memory_space<semaphore_mem>> -> memref<1x!tpu.dma_semaphore, #tpu.memory_space<semaphore_mem>>
          %dma_wait3A_381 = tpu.memref_squeeze %dma_wait3A_380 : memref<1x!tpu.dma_semaphore, #tpu.memory_space<semaphore_mem>> -> memref<!tpu.dma_semaphore, #tpu.memory_space<semaphore_mem>>
          %dma_wait3A_382 = arith.constant 0 : i32
          %dma_wait3A_383 = tpu.memref_slice %arg5[%add3A_373, %dma_wait3A_382] : memref<65536x256xf32, #tpu.memory_space<hbm>> -> memref<128x256xf32, #tpu.memory_space<hbm>>
          %dma_wait3A_384 = arith.constant 0 : i32
          %dma_wait3A_385 = arith.constant 0 : i32
          %dma_wait3A_386 = tpu.memref_slice %arg12[%select_n3A_339, %dma_wait3A_384, %dma_wait3A_385] : memref<3x128x256xf32, #tpu.memory_space<vmem>> -> memref<1x128x256xf32, #tpu.memory_space<vmem>>
          %dma_wait3A_387 = tpu.memref_squeeze %dma_wait3A_386 : memref<1x128x256xf32, #tpu.memory_space<vmem>> -> memref<128x256xf32, #tpu.memory_space<vmem>>
          tpu.wait_dma2 semaphore(%dma_wait3A_381 : memref<!tpu.dma_semaphore, #tpu.memory_space<semaphore_mem>>) src(%dma_wait3A_387 : memref<128x256xf32, #tpu.memory_space<vmem>>) dst(%dma_wait3A_383 : memref<128x256xf32, #tpu.memory_space<hbm>>)
        } else {
        }
        %add3A_345 = arith.constant 1 : i32
        %add3A_346 = arith.addi %while3A_215, %add3A_345 : i32
        %mul3A_347 = arith.constant 2 : i32
        %mul3A_348 = arith.muli %mul3A_347, %add3A_346 : i32
        %add3A_349 = arith.addi %select_n3A_30, %mul3A_348 : i32
        %mul3A_350 = arith.constant 128 : i32
        %mul3A_351 = arith.muli %add3A_349, %mul3A_350 : i32
        %dma_start3A_352 = arith.constant 0 : i32
        %dma_start3A_353 = arith.constant 0 : i32
        %dma_start3A_354 = tpu.memref_slice %arg12[%select_n3A_339, %dma_start3A_352, %dma_start3A_353] : memref<3x128x256xf32, #tpu.memory_space<vmem>> -> memref<1x128x256xf32, #tpu.memory_space<vmem>>
        %dma_start3A_355 = tpu.memref_squeeze %dma_start3A_354 : memref<1x128x256xf32, #tpu.memory_space<vmem>> -> memref<128x256xf32, #tpu.memory_space<vmem>>
        %dma_start3A_356 = tpu.memref_slice %arg10[%mul3A_351] : memref<4096xi32, #tpu.memory_space<vmem>> -> memref<128xi32, #tpu.memory_space<vmem>>
        %dma_start3A_357 = arith.constant 0 : i32
        %dma_start3A_358 = arith.constant 0 : i32
        %dma_start3A_359 = tpu.memref_slice %arg2[%dma_start3A_357, %dma_start3A_358] : memref<32768x256xf32, #tpu.memory_space<hbm>> -> memref<32768x256xf32, #tpu.memory_space<hbm>>
        %dma_start3A_360 = tpu.memref_slice %arg14[%select_n3A_339] : memref<3x!tpu.dma_semaphore, #tpu.memory_space<semaphore_mem>> -> memref<1x!tpu.dma_semaphore, #tpu.memory_space<semaphore_mem>>
        %dma_start3A_361 = tpu.memref_squeeze %dma_start3A_360 : memref<1x!tpu.dma_semaphore, #tpu.memory_space<semaphore_mem>> -> memref<!tpu.dma_semaphore, #tpu.memory_space<semaphore_mem>>
        tpu.enqueue_indirect_dma source(%dma_start3A_359 : memref<32768x256xf32, #tpu.memory_space<hbm>>) target(%dma_start3A_355 : memref<128x256xf32, #tpu.memory_space<vmem>>) offsets(%dma_start3A_356 : memref<128xi32, #tpu.memory_space<vmem>>) semaphore(%dma_start3A_361 : memref<!tpu.dma_semaphore, #tpu.memory_space<semaphore_mem>>)
      } else {
      }
      %add3A_240 = arith.constant 2 : i32
      %add3A_241 = arith.addi %while3A_215, %add3A_240 : i32
      %lt3A_242 = arith.cmpi slt, %add3A_241, %min3A_119 : i32
      %add3A_243 = arith.constant 2 : i32
      %add3A_244 = arith.addi %while3A_215, %add3A_243 : i32
      %mul3A_245 = arith.constant 2 : i32
      %mul3A_246 = arith.muli %mul3A_245, %add3A_244 : i32
      %add3A_247 = arith.addi %select_n3A_30, %mul3A_246 : i32
      %add3A_248 = arith.constant 1 : i32
      %add3A_249 = arith.addi %add3A_247, %add3A_248 : i32
      %mul3A_250 = arith.constant 8 : i32
      %mul3A_251 = arith.muli %add3A_249, %mul3A_250 : i32
      %min3A_252 = arith.constant 256 : i32
      %min3A_253 = arith.minsi %mul3A_251, %min3A_252 : i32
      %select_n3A_254 = arith.select %lt3A_242, %min3A_253, %while3A_216 : i32
      %while3A_255 = arith.subi %select_n3A_254, %while3A_216 : i32
      %while3A_256 = arith.addi %while3A_216, %while3A_255 : i32
      %while3A_257 = arith.constant 1 : i32
      %while3A_258 = arith.divsi %while3A_255, %while3A_257 : i32
      %while3A_259 = arith.muli %while3A_258, %while3A_257 : i32
      %while3A_260 = arith.addi %while3A_216, %while3A_259 : i32
      %while3A_261 = arith.constant 1 : i32
      %while3A_262 = scf.for %while3A_322 = %while3A_216 to %while3A_260 step %while3A_261 iter_args(%while3A_323 = %while3A_217) -> (i32)  : i32 {
        %mul3A_324 = arith.constant 16 : i32
        %mul3A_325 = arith.muli %while3A_322, %mul3A_324 : i32
        %get3A_326 = arith.index_cast %mul3A_325 : i32 to index
        %get3A_327 = tpu.vector_load %arg9[%get3A_326] {strides = array<i32>} : memref<4096xi32, #tpu.memory_space<vmem>>, vector<16xi32>,
        %broadcast_in_dim3A_328 = arith.constant true
        %broadcast_in_dim3A_329 = vector.broadcast %broadcast_in_dim3A_328 : i1 to vector<16xi1>
        %masked_cummax3A = arith.constant -2147483648 : i32
        %masked_cummax3A_330 = vector.broadcast %masked_cummax3A : i32 to vector<16xi32>
        %masked_cummax3A_331 = arith.xori %get3A_327, %masked_cummax3A_330 : vector<16xi32>
        %masked_cummax3A_332 = tpu.scan <max>, %masked_cummax3A_331 masked %broadcast_in_dim3A_329 : vector<16xi32>, vector<16xi1> -> vector<16xi32>
        %masked_cummax3A_333 = arith.xori %masked_cummax3A_332, %masked_cummax3A_330 : vector<16xi32>
        %max3A_334 = vector.broadcast %while3A_323 : i32 to vector<16xi32>
        %max3A_335 = arith.maxsi %masked_cummax3A_333, %max3A_334 : vector<16xi32>
        %add3A_336 = vector.broadcast %mul3A_132 : i32 to vector<16xi32>
        %add3A_337 = arith.addi %add3A_336, %max3A_335 : vector<16xi32>
        %mul3A_338 = arith.constant 16 : i32
        %mul3A_339 = arith.muli %while3A_322, %mul3A_338 : i32
        %swap3A = arith.index_cast %mul3A_339 : i32 to index
        %swap3A_340 = tpu.vector_load %arg10[%swap3A] {strides = array<i32>} : memref<4096xi32, #tpu.memory_space<vmem>>, vector<16xi32>,
        tpu.vector_store %arg10[%swap3A], %add3A_337 {strides = array<i32>} : memref<4096xi32, #tpu.memory_space<vmem>>, vector<16xi32>,
        %reduce_max3A_341 = arith.constant true
        %reduce_max3A_342 = vector.broadcast %reduce_max3A_341 : i1 to vector<16xi1>
        %reduce_max3A_343 = arith.constant -2147483648 : i32
        %reduce_max3A_344 = vector.broadcast %reduce_max3A_343 : i32 to vector<16xi32>
        %reduce_max3A_345 = arith.xori %max3A_335, %reduce_max3A_344 : vector<16xi32>
        %reduce_max3A_346 = tpu.scan <max>, %reduce_max3A_345 masked %reduce_max3A_342 : vector<16xi32>, vector<16xi1> -> vector<16xi32>
        %reduce_max3A_347 = arith.xori %reduce_max3A_346, %reduce_max3A_344 : vector<16xi32>
        %reduce_max3A_348 = vector.extract %reduce_max3A_347[15] : i32 from vector<16xi32>
        scf.yield %reduce_max3A_348 : i32
      }
      %while3A_263 = arith.constant 1 : i32
      %while3A_264 = scf.for %while3A_322 = %while3A_260 to %while3A_256 step %while3A_263 iter_args(%while3A_323 = %while3A_262) -> (i32)  : i32 {
        %mul3A_324 = arith.constant 16 : i32
        %mul3A_325 = arith.muli %while3A_322, %mul3A_324 : i32
        %get3A_326 = arith.index_cast %mul3A_325 : i32 to index
        %get3A_327 = tpu.vector_load %arg9[%get3A_326] {strides = array<i32>} : memref<4096xi32, #tpu.memory_space<vmem>>, vector<16xi32>,
        %broadcast_in_dim3A_328 = arith.constant true
        %broadcast_in_dim3A_329 = vector.broadcast %broadcast_in_dim3A_328 : i1 to vector<16xi1>
        %masked_cummax3A = arith.constant -2147483648 : i32
        %masked_cummax3A_330 = vector.broadcast %masked_cummax3A : i32 to vector<16xi32>
        %masked_cummax3A_331 = arith.xori %get3A_327, %masked_cummax3A_330 : vector<16xi32>
        %masked_cummax3A_332 = tpu.scan <max>, %masked_cummax3A_331 masked %broadcast_in_dim3A_329 : vector<16xi32>, vector<16xi1> -> vector<16xi32>
        %masked_cummax3A_333 = arith.xori %masked_cummax3A_332, %masked_cummax3A_330 : vector<16xi32>
        %max3A_334 = vector.broadcast %while3A_323 : i32 to vector<16xi32>
        %max3A_335 = arith.maxsi %masked_cummax3A_333, %max3A_334 : vector<16xi32>
        %add3A_336 = vector.broadcast %mul3A_132 : i32 to vector<16xi32>
        %add3A_337 = arith.addi %add3A_336, %max3A_335 : vector<16xi32>
        %mul3A_338 = arith.constant 16 : i32
        %mul3A_339 = arith.muli %while3A_322, %mul3A_338 : i32
        %swap3A = arith.index_cast %mul3A_339 : i32 to index
        %swap3A_340 = tpu.vector_load %arg10[%swap3A] {strides = array<i32>} : memref<4096xi32, #tpu.memory_space<vmem>>, vector<16xi32>,
        tpu.vector_store %arg10[%swap3A], %add3A_337 {strides = array<i32>} : memref<4096xi32, #tpu.memory_space<vmem>>, vector<16xi32>,
        %reduce_max3A_341 = arith.constant true
        %reduce_max3A_342 = vector.broadcast %reduce_max3A_341 : i1 to vector<16xi1>
        %reduce_max3A_343 = arith.constant -2147483648 : i32
        %reduce_max3A_344 = vector.broadcast %reduce_max3A_343 : i32 to vector<16xi32>
        %reduce_max3A_345 = arith.xori %max3A_335, %reduce_max3A_344 : vector<16xi32>
        %reduce_max3A_346 = tpu.scan <max>, %reduce_max3A_345 masked %reduce_max3A_342 : vector<16xi32>, vector<16xi1> -> vector<16xi32>
        %reduce_max3A_347 = arith.xori %reduce_max3A_346, %reduce_max3A_344 : vector<16xi32>
        %reduce_max3A_348 = vector.extract %reduce_max3A_347[15] : i32 from vector<16xi32>
        scf.yield %reduce_max3A_348 : i32
      }
      %mul3A_265 = arith.constant 2 : i32
      %mul3A_266 = arith.muli %mul3A_265, %while3A_215 : i32
      %add3A_267 = arith.addi %select_n3A_30, %mul3A_266 : i32
      %mul3A_268 = arith.constant 128 : i32
      %mul3A_269 = arith.muli %add3A_267, %mul3A_268 : i32
      %dma_wait3A = arith.constant 0 : i32
      %dma_wait3A_270 = arith.constant 0 : i32
      %dma_wait3A_271 = tpu.memref_slice %arg12[%select_n3A_233, %dma_wait3A, %dma_wait3A_270] : memref<3x128x256xf32, #tpu.memory_space<vmem>> -> memref<1x128x256xf32, #tpu.memory_space<vmem>>
      %dma_wait3A_272 = tpu.memref_squeeze %dma_wait3A_271 : memref<1x128x256xf32, #tpu.memory_space<vmem>> -> memref<128x256xf32, #tpu.memory_space<vmem>>
      %dma_wait3A_273 = tpu.memref_slice %arg10[%mul3A_269] : memref<4096xi32, #tpu.memory_space<vmem>> -> memref<128xi32, #tpu.memory_space<vmem>>
      %dma_wait3A_274 = arith.constant 0 : i32
      %dma_wait3A_275 = arith.constant 0 : i32
      %dma_wait3A_276 = tpu.memref_slice %arg2[%dma_wait3A_274, %dma_wait3A_275] : memref<32768x256xf32, #tpu.memory_space<hbm>> -> memref<32768x256xf32, #tpu.memory_space<hbm>>
      %dma_wait3A_277 = tpu.memref_slice %arg14[%select_n3A_233] : memref<3x!tpu.dma_semaphore, #tpu.memory_space<semaphore_mem>> -> memref<1x!tpu.dma_semaphore, #tpu.memory_space<semaphore_mem>>
      %dma_wait3A_278 = tpu.memref_squeeze %dma_wait3A_277 : memref<1x!tpu.dma_semaphore, #tpu.memory_space<semaphore_mem>> -> memref<!tpu.dma_semaphore, #tpu.memory_space<semaphore_mem>>
      tpu.wait_indirect_dma semaphore(%dma_wait3A_278 : memref<!tpu.dma_semaphore, #tpu.memory_space<semaphore_mem>>) src(%dma_wait3A_276 : memref<32768x256xf32, #tpu.memory_space<hbm>>) dst(%dma_wait3A_272 : memref<128x256xf32, #tpu.memory_space<vmem>>)
      %mul3A_279 = arith.constant 2 : i32
      %mul3A_280 = arith.muli %mul3A_279, %while3A_215 : i32
      %add3A_281 = arith.addi %select_n3A_30, %mul3A_280 : i32
      %mul3A_282 = arith.constant 128 : i32
      %mul3A_283 = arith.muli %add3A_281, %mul3A_282 : i32
      %sub3A_284 = arith.subi %min3A, %mul3A_283 : i32
      %jit3A_285 = arith.constant 0 : i32
      %jit3A_286 = arith.constant 128 : i32
      %max3A_287 = arith.maxsi %jit3A_285, %sub3A_284 : i32
      %min3A_288 = arith.minsi %jit3A_286, %max3A_287 : i32
      %while3A_289 = arith.constant 128 : i32
      %while3A_290 = arith.constant 0 : i32
      %while3A_291 = arith.subi %while3A_289, %min3A_288 : i32
      %while3A_292 = arith.addi %min3A_288, %while3A_291 : i32
      %while3A_293 = arith.constant 1 : i32
      %while3A_294 = arith.divsi %while3A_291, %while3A_293 : i32
      %while3A_295 = arith.muli %while3A_294, %while3A_293 : i32
      %while3A_296 = arith.addi %min3A_288, %while3A_295 : i32
      %while3A_297 = arith.constant 1 : i32
      %while3A_298 = scf.for %while3A_322 = %min3A_288 to %while3A_296 step %while3A_297 iter_args(%while3A_323 = %while3A_290) -> (i32)  : i32 {
        %swap3A = arith.index_cast %select_n3A_233 : i32 to index
        %swap3A_324 = arith.index_cast %while3A_322 : i32 to index
        %swap3A_325 = arith.constant 0 : index
        %swap3A_326 = tpu.vector_load %arg12[%swap3A, %swap3A_324, %swap3A_325] {strides = array<i32>} : memref<3x128x256xf32, #tpu.memory_space<vmem>>, vector<16xf32>,
        tpu.vector_store %arg12[%swap3A, %swap3A_324, %swap3A_325], %broadcast_in_dim3A_41 {strides = array<i32>} : memref<3x128x256xf32, #tpu.memory_space<vmem>>, vector<16xf32>,
        %swap3A_327 = arith.index_cast %select_n3A_233 : i32 to index
        %swap3A_328 = arith.index_cast %while3A_322 : i32 to index
        %swap3A_329 = arith.constant 16 : index
        %swap3A_330 = tpu.vector_load %arg12[%swap3A_327, %swap3A_328, %swap3A_329] {strides = array<i32>} : memref<3x128x256xf32, #tpu.memory_space<vmem>>, vector<16xf32>,
        tpu.vector_store %arg12[%swap3A_327, %swap3A_328, %swap3A_329], %broadcast_in_dim3A_41 {strides = array<i32>} : memref<3x128x256xf32, #tpu.memory_space<vmem>>, vector<16xf32>,
        %swap3A_331 = arith.index_cast %select_n3A_233 : i32 to index
        %swap3A_332 = arith.index_cast %while3A_322 : i32 to index
        %swap3A_333 = arith.constant 32 : index
        %swap3A_334 = tpu.vector_load %arg12[%swap3A_331, %swap3A_332, %swap3A_333] {strides = array<i32>} : memref<3x128x256xf32, #tpu.memory_space<vmem>>, vector<16xf32>,
        tpu.vector_store %arg12[%swap3A_331, %swap3A_332, %swap3A_333], %broadcast_in_dim3A_41 {strides = array<i32>} : memref<3x128x256xf32, #tpu.memory_space<vmem>>, vector<16xf32>,
        %swap3A_335 = arith.index_cast %select_n3A_233 : i32 to index
        %swap3A_336 = arith.index_cast %while3A_322 : i32 to index
        %swap3A_337 = arith.constant 48 : index
        %swap3A_338 = tpu.vector_load %arg12[%swap3A_335, %swap3A_336, %swap3A_337] {strides = array<i32>} : memref<3x128x256xf32, #tpu.memory_space<vmem>>, vector<16xf32>,
        tpu.vector_store %arg12[%swap3A_335, %swap3A_336, %swap3A_337], %broadcast_in_dim3A_41 {strides = array<i32>} : memref<3x128x256xf32, #tpu.memory_space<vmem>>, vector<16xf32>,
        %swap3A_339 = arith.index_cast %select_n3A_233 : i32 to index
        %swap3A_340 = arith.index_cast %while3A_322 : i32 to index
        %swap3A_341 = arith.constant 64 : index
        %swap3A_342 = tpu.vector_load %arg12[%swap3A_339, %swap3A_340, %swap3A_341] {strides = array<i32>} : memref<3x128x256xf32, #tpu.memory_space<vmem>>, vector<16xf32>,
        tpu.vector_store %arg12[%swap3A_339, %swap3A_340, %swap3A_341], %broadcast_in_dim3A_41 {strides = array<i32>} : memref<3x128x256xf32, #tpu.memory_space<vmem>>, vector<16xf32>,
        %swap3A_343 = arith.index_cast %select_n3A_233 : i32 to index
        %swap3A_344 = arith.index_cast %while3A_322 : i32 to index
        %swap3A_345 = arith.constant 80 : index
        %swap3A_346 = tpu.vector_load %arg12[%swap3A_343, %swap3A_344, %swap3A_345] {strides = array<i32>} : memref<3x128x256xf32, #tpu.memory_space<vmem>>, vector<16xf32>,
        tpu.vector_store %arg12[%swap3A_343, %swap3A_344, %swap3A_345], %broadcast_in_dim3A_41 {strides = array<i32>} : memref<3x128x256xf32, #tpu.memory_space<vmem>>, vector<16xf32>,
        %swap3A_347 = arith.index_cast %select_n3A_233 : i32 to index
        %swap3A_348 = arith.index_cast %while3A_322 : i32 to index
        %swap3A_349 = arith.constant 96 : index
        %swap3A_350 = tpu.vector_load %arg12[%swap3A_347, %swap3A_348, %swap3A_349] {strides = array<i32>} : memref<3x128x256xf32, #tpu.memory_space<vmem>>, vector<16xf32>,
        tpu.vector_store %arg12[%swap3A_347, %swap3A_348, %swap3A_349], %broadcast_in_dim3A_41 {strides = array<i32>} : memref<3x128x256xf32, #tpu.memory_space<vmem>>, vector<16xf32>,
        %swap3A_351 = arith.index_cast %select_n3A_233 : i32 to index
        %swap3A_352 = arith.index_cast %while3A_322 : i32 to index
        %swap3A_353 = arith.constant 112 : index
        %swap3A_354 = tpu.vector_load %arg12[%swap3A_351, %swap3A_352, %swap3A_353] {strides = array<i32>} : memref<3x128x256xf32, #tpu.memory_space<vmem>>, vector<16xf32>,
        tpu.vector_store %arg12[%swap3A_351, %swap3A_352, %swap3A_353], %broadcast_in_dim3A_41 {strides = array<i32>} : memref<3x128x256xf32, #tpu.memory_space<vmem>>, vector<16xf32>,
        %swap3A_355 = arith.index_cast %select_n3A_233 : i32 to index
        %swap3A_356 = arith.index_cast %while3A_322 : i32 to index
        %swap3A_357 = arith.constant 128 : index
        %swap3A_358 = tpu.vector_load %arg12[%swap3A_355, %swap3A_356, %swap3A_357] {strides = array<i32>} : memref<3x128x256xf32, #tpu.memory_space<vmem>>, vector<16xf32>,
        tpu.vector_store %arg12[%swap3A_355, %swap3A_356, %swap3A_357], %broadcast_in_dim3A_41 {strides = array<i32>} : memref<3x128x256xf32, #tpu.memory_space<vmem>>, vector<16xf32>,
        %swap3A_359 = arith.index_cast %select_n3A_233 : i32 to index
        %swap3A_360 = arith.index_cast %while3A_322 : i32 to index
        %swap3A_361 = arith.constant 144 : index
        %swap3A_362 = tpu.vector_load %arg12[%swap3A_359, %swap3A_360, %swap3A_361] {strides = array<i32>} : memref<3x128x256xf32, #tpu.memory_space<vmem>>, vector<16xf32>,
        tpu.vector_store %arg12[%swap3A_359, %swap3A_360, %swap3A_361], %broadcast_in_dim3A_41 {strides = array<i32>} : memref<3x128x256xf32, #tpu.memory_space<vmem>>, vector<16xf32>,
        %swap3A_363 = arith.index_cast %select_n3A_233 : i32 to index
        %swap3A_364 = arith.index_cast %while3A_322 : i32 to index
        %swap3A_365 = arith.constant 160 : index
        %swap3A_366 = tpu.vector_load %arg12[%swap3A_363, %swap3A_364, %swap3A_365] {strides = array<i32>} : memref<3x128x256xf32, #tpu.memory_space<vmem>>, vector<16xf32>,
        tpu.vector_store %arg12[%swap3A_363, %swap3A_364, %swap3A_365], %broadcast_in_dim3A_41 {strides = array<i32>} : memref<3x128x256xf32, #tpu.memory_space<vmem>>, vector<16xf32>,
        %swap3A_367 = arith.index_cast %select_n3A_233 : i32 to index
        %swap3A_368 = arith.index_cast %while3A_322 : i32 to index
        %swap3A_369 = arith.constant 176 : index
        %swap3A_370 = tpu.vector_load %arg12[%swap3A_367, %swap3A_368, %swap3A_369] {strides = array<i32>} : memref<3x128x256xf32, #tpu.memory_space<vmem>>, vector<16xf32>,
        tpu.vector_store %arg12[%swap3A_367, %swap3A_368, %swap3A_369], %broadcast_in_dim3A_41 {strides = array<i32>} : memref<3x128x256xf32, #tpu.memory_space<vmem>>, vector<16xf32>,
        %swap3A_371 = arith.index_cast %select_n3A_233 : i32 to index
        %swap3A_372 = arith.index_cast %while3A_322 : i32 to index
        %swap3A_373 = arith.constant 192 : index
        %swap3A_374 = tpu.vector_load %arg12[%swap3A_371, %swap3A_372, %swap3A_373] {strides = array<i32>} : memref<3x128x256xf32, #tpu.memory_space<vmem>>, vector<16xf32>,
        tpu.vector_store %arg12[%swap3A_371, %swap3A_372, %swap3A_373], %broadcast_in_dim3A_41 {strides = array<i32>} : memref<3x128x256xf32, #tpu.memory_space<vmem>>, vector<16xf32>,
        %swap3A_375 = arith.index_cast %select_n3A_233 : i32 to index
        %swap3A_376 = arith.index_cast %while3A_322 : i32 to index
        %swap3A_377 = arith.constant 208 : index
        %swap3A_378 = tpu.vector_load %arg12[%swap3A_375, %swap3A_376, %swap3A_377] {strides = array<i32>} : memref<3x128x256xf32, #tpu.memory_space<vmem>>, vector<16xf32>,
        tpu.vector_store %arg12[%swap3A_375, %swap3A_376, %swap3A_377], %broadcast_in_dim3A_41 {strides = array<i32>} : memref<3x128x256xf32, #tpu.memory_space<vmem>>, vector<16xf32>,
        %swap3A_379 = arith.index_cast %select_n3A_233 : i32 to index
        %swap3A_380 = arith.index_cast %while3A_322 : i32 to index
        %swap3A_381 = arith.constant 224 : index
        %swap3A_382 = tpu.vector_load %arg12[%swap3A_379, %swap3A_380, %swap3A_381] {strides = array<i32>} : memref<3x128x256xf32, #tpu.memory_space<vmem>>, vector<16xf32>,
        tpu.vector_store %arg12[%swap3A_379, %swap3A_380, %swap3A_381], %broadcast_in_dim3A_41 {strides = array<i32>} : memref<3x128x256xf32, #tpu.memory_space<vmem>>, vector<16xf32>,
        %swap3A_383 = arith.index_cast %select_n3A_233 : i32 to index
        %swap3A_384 = arith.index_cast %while3A_322 : i32 to index
        %swap3A_385 = arith.constant 240 : index
        %swap3A_386 = tpu.vector_load %arg12[%swap3A_383, %swap3A_384, %swap3A_385] {strides = array<i32>} : memref<3x128x256xf32, #tpu.memory_space<vmem>>, vector<16xf32>,
        tpu.vector_store %arg12[%swap3A_383, %swap3A_384, %swap3A_385], %broadcast_in_dim3A_41 {strides = array<i32>} : memref<3x128x256xf32, #tpu.memory_space<vmem>>, vector<16xf32>,
        %while3A_387 = arith.constant 0 : i32
        scf.yield %while3A_387 : i32
      }
      %while3A_299 = arith.constant 1 : i32
      %while3A_300 = scf.for %while3A_322 = %while3A_296 to %while3A_292 step %while3A_299 iter_args(%while3A_323 = %while3A_298) -> (i32)  : i32 {
        %swap3A = arith.index_cast %select_n3A_233 : i32 to index
        %swap3A_324 = arith.index_cast %while3A_322 : i32 to index
        %swap3A_325 = arith.constant 0 : index
        %swap3A_326 = tpu.vector_load %arg12[%swap3A, %swap3A_324, %swap3A_325] {strides = array<i32>} : memref<3x128x256xf32, #tpu.memory_space<vmem>>, vector<16xf32>,
        tpu.vector_store %arg12[%swap3A, %swap3A_324, %swap3A_325], %broadcast_in_dim3A_41 {strides = array<i32>} : memref<3x128x256xf32, #tpu.memory_space<vmem>>, vector<16xf32>,
        %swap3A_327 = arith.index_cast %select_n3A_233 : i32 to index
        %swap3A_328 = arith.index_cast %while3A_322 : i32 to index
        %swap3A_329 = arith.constant 16 : index
        %swap3A_330 = tpu.vector_load %arg12[%swap3A_327, %swap3A_328, %swap3A_329] {strides = array<i32>} : memref<3x128x256xf32, #tpu.memory_space<vmem>>, vector<16xf32>,
        tpu.vector_store %arg12[%swap3A_327, %swap3A_328, %swap3A_329], %broadcast_in_dim3A_41 {strides = array<i32>} : memref<3x128x256xf32, #tpu.memory_space<vmem>>, vector<16xf32>,
        %swap3A_331 = arith.index_cast %select_n3A_233 : i32 to index
        %swap3A_332 = arith.index_cast %while3A_322 : i32 to index
        %swap3A_333 = arith.constant 32 : index
        %swap3A_334 = tpu.vector_load %arg12[%swap3A_331, %swap3A_332, %swap3A_333] {strides = array<i32>} : memref<3x128x256xf32, #tpu.memory_space<vmem>>, vector<16xf32>,
        tpu.vector_store %arg12[%swap3A_331, %swap3A_332, %swap3A_333], %broadcast_in_dim3A_41 {strides = array<i32>} : memref<3x128x256xf32, #tpu.memory_space<vmem>>, vector<16xf32>,
        %swap3A_335 = arith.index_cast %select_n3A_233 : i32 to index
        %swap3A_336 = arith.index_cast %while3A_322 : i32 to index
        %swap3A_337 = arith.constant 48 : index
        %swap3A_338 = tpu.vector_load %arg12[%swap3A_335, %swap3A_336, %swap3A_337] {strides = array<i32>} : memref<3x128x256xf32, #tpu.memory_space<vmem>>, vector<16xf32>,
        tpu.vector_store %arg12[%swap3A_335, %swap3A_336, %swap3A_337], %broadcast_in_dim3A_41 {strides = array<i32>} : memref<3x128x256xf32, #tpu.memory_space<vmem>>, vector<16xf32>,
        %swap3A_339 = arith.index_cast %select_n3A_233 : i32 to index
        %swap3A_340 = arith.index_cast %while3A_322 : i32 to index
        %swap3A_341 = arith.constant 64 : index
        %swap3A_342 = tpu.vector_load %arg12[%swap3A_339, %swap3A_340, %swap3A_341] {strides = array<i32>} : memref<3x128x256xf32, #tpu.memory_space<vmem>>, vector<16xf32>,
        tpu.vector_store %arg12[%swap3A_339, %swap3A_340, %swap3A_341], %broadcast_in_dim3A_41 {strides = array<i32>} : memref<3x128x256xf32, #tpu.memory_space<vmem>>, vector<16xf32>,
        %swap3A_343 = arith.index_cast %select_n3A_233 : i32 to index
        %swap3A_344 = arith.index_cast %while3A_322 : i32 to index
        %swap3A_345 = arith.constant 80 : index
        %swap3A_346 = tpu.vector_load %arg12[%swap3A_343, %swap3A_344, %swap3A_345] {strides = array<i32>} : memref<3x128x256xf32, #tpu.memory_space<vmem>>, vector<16xf32>,
        tpu.vector_store %arg12[%swap3A_343, %swap3A_344, %swap3A_345], %broadcast_in_dim3A_41 {strides = array<i32>} : memref<3x128x256xf32, #tpu.memory_space<vmem>>, vector<16xf32>,
        %swap3A_347 = arith.index_cast %select_n3A_233 : i32 to index
        %swap3A_348 = arith.index_cast %while3A_322 : i32 to index
        %swap3A_349 = arith.constant 96 : index
        %swap3A_350 = tpu.vector_load %arg12[%swap3A_347, %swap3A_348, %swap3A_349] {strides = array<i32>} : memref<3x128x256xf32, #tpu.memory_space<vmem>>, vector<16xf32>,
        tpu.vector_store %arg12[%swap3A_347, %swap3A_348, %swap3A_349], %broadcast_in_dim3A_41 {strides = array<i32>} : memref<3x128x256xf32, #tpu.memory_space<vmem>>, vector<16xf32>,
        %swap3A_351 = arith.index_cast %select_n3A_233 : i32 to index
        %swap3A_352 = arith.index_cast %while3A_322 : i32 to index
        %swap3A_353 = arith.constant 112 : index
        %swap3A_354 = tpu.vector_load %arg12[%swap3A_351, %swap3A_352, %swap3A_353] {strides = array<i32>} : memref<3x128x256xf32, #tpu.memory_space<vmem>>, vector<16xf32>,
        tpu.vector_store %arg12[%swap3A_351, %swap3A_352, %swap3A_353], %broadcast_in_dim3A_41 {strides = array<i32>} : memref<3x128x256xf32, #tpu.memory_space<vmem>>, vector<16xf32>,
        %swap3A_355 = arith.index_cast %select_n3A_233 : i32 to index
        %swap3A_356 = arith.index_cast %while3A_322 : i32 to index
        %swap3A_357 = arith.constant 128 : index
        %swap3A_358 = tpu.vector_load %arg12[%swap3A_355, %swap3A_356, %swap3A_357] {strides = array<i32>} : memref<3x128x256xf32, #tpu.memory_space<vmem>>, vector<16xf32>,
        tpu.vector_store %arg12[%swap3A_355, %swap3A_356, %swap3A_357], %broadcast_in_dim3A_41 {strides = array<i32>} : memref<3x128x256xf32, #tpu.memory_space<vmem>>, vector<16xf32>,
        %swap3A_359 = arith.index_cast %select_n3A_233 : i32 to index
        %swap3A_360 = arith.index_cast %while3A_322 : i32 to index
        %swap3A_361 = arith.constant 144 : index
        %swap3A_362 = tpu.vector_load %arg12[%swap3A_359, %swap3A_360, %swap3A_361] {strides = array<i32>} : memref<3x128x256xf32, #tpu.memory_space<vmem>>, vector<16xf32>,
        tpu.vector_store %arg12[%swap3A_359, %swap3A_360, %swap3A_361], %broadcast_in_dim3A_41 {strides = array<i32>} : memref<3x128x256xf32, #tpu.memory_space<vmem>>, vector<16xf32>,
        %swap3A_363 = arith.index_cast %select_n3A_233 : i32 to index
        %swap3A_364 = arith.index_cast %while3A_322 : i32 to index
        %swap3A_365 = arith.constant 160 : index
        %swap3A_366 = tpu.vector_load %arg12[%swap3A_363, %swap3A_364, %swap3A_365] {strides = array<i32>} : memref<3x128x256xf32, #tpu.memory_space<vmem>>, vector<16xf32>,
        tpu.vector_store %arg12[%swap3A_363, %swap3A_364, %swap3A_365], %broadcast_in_dim3A_41 {strides = array<i32>} : memref<3x128x256xf32, #tpu.memory_space<vmem>>, vector<16xf32>,
        %swap3A_367 = arith.index_cast %select_n3A_233 : i32 to index
        %swap3A_368 = arith.index_cast %while3A_322 : i32 to index
        %swap3A_369 = arith.constant 176 : index
        %swap3A_370 = tpu.vector_load %arg12[%swap3A_367, %swap3A_368, %swap3A_369] {strides = array<i32>} : memref<3x128x256xf32, #tpu.memory_space<vmem>>, vector<16xf32>,
        tpu.vector_store %arg12[%swap3A_367, %swap3A_368, %swap3A_369], %broadcast_in_dim3A_41 {strides = array<i32>} : memref<3x128x256xf32, #tpu.memory_space<vmem>>, vector<16xf32>,
        %swap3A_371 = arith.index_cast %select_n3A_233 : i32 to index
        %swap3A_372 = arith.index_cast %while3A_322 : i32 to index
        %swap3A_373 = arith.constant 192 : index
        %swap3A_374 = tpu.vector_load %arg12[%swap3A_371, %swap3A_372, %swap3A_373] {strides = array<i32>} : memref<3x128x256xf32, #tpu.memory_space<vmem>>, vector<16xf32>,
        tpu.vector_store %arg12[%swap3A_371, %swap3A_372, %swap3A_373], %broadcast_in_dim3A_41 {strides = array<i32>} : memref<3x128x256xf32, #tpu.memory_space<vmem>>, vector<16xf32>,
        %swap3A_375 = arith.index_cast %select_n3A_233 : i32 to index
        %swap3A_376 = arith.index_cast %while3A_322 : i32 to index
        %swap3A_377 = arith.constant 208 : index
        %swap3A_378 = tpu.vector_load %arg12[%swap3A_375, %swap3A_376, %swap3A_377] {strides = array<i32>} : memref<3x128x256xf32, #tpu.memory_space<vmem>>, vector<16xf32>,
        tpu.vector_store %arg12[%swap3A_375, %swap3A_376, %swap3A_377], %broadcast_in_dim3A_41 {strides = array<i32>} : memref<3x128x256xf32, #tpu.memory_space<vmem>>, vector<16xf32>,
        %swap3A_379 = arith.index_cast %select_n3A_233 : i32 to index
        %swap3A_380 = arith.index_cast %while3A_322 : i32 to index
        %swap3A_381 = arith.constant 224 : index
        %swap3A_382 = tpu.vector_load %arg12[%swap3A_379, %swap3A_380, %swap3A_381] {strides = array<i32>} : memref<3x128x256xf32, #tpu.memory_space<vmem>>, vector<16xf32>,
        tpu.vector_store %arg12[%swap3A_379, %swap3A_380, %swap3A_381], %broadcast_in_dim3A_41 {strides = array<i32>} : memref<3x128x256xf32, #tpu.memory_space<vmem>>, vector<16xf32>,
        %swap3A_383 = arith.index_cast %select_n3A_233 : i32 to index
        %swap3A_384 = arith.index_cast %while3A_322 : i32 to index
        %swap3A_385 = arith.constant 240 : index
        %swap3A_386 = tpu.vector_load %arg12[%swap3A_383, %swap3A_384, %swap3A_385] {strides = array<i32>} : memref<3x128x256xf32, #tpu.memory_space<vmem>>, vector<16xf32>,
        tpu.vector_store %arg12[%swap3A_383, %swap3A_384, %swap3A_385], %broadcast_in_dim3A_41 {strides = array<i32>} : memref<3x128x256xf32, #tpu.memory_space<vmem>>, vector<16xf32>,
        %while3A_387 = arith.constant 0 : i32
        scf.yield %while3A_387 : i32
      }
      %mul3A_301 = arith.constant 4096 : i32
      %mul3A_302 = arith.muli %select_n3A, %mul3A_301 : i32
      %mul3A_303 = arith.constant 2 : i32
      %mul3A_304 = arith.muli %mul3A_303, %while3A_215 : i32
      %add3A_305 = arith.addi %select_n3A_30, %mul3A_304 : i32
      %mul3A_306 = arith.constant 128 : i32
      %mul3A_307 = arith.muli %add3A_305, %mul3A_306 : i32
      %add3A_308 = arith.addi %mul3A_302, %mul3A_307 : i32
      %dma_start3A = arith.constant 0 : i32
      %dma_start3A_309 = arith.constant 0 : i32
      %dma_start3A_310 = tpu.memref_slice %arg12[%select_n3A_233, %dma_start3A, %dma_start3A_309] : memref<3x128x256xf32, #tpu.memory_space<vmem>> -> memref<1x128x256xf32, #tpu.memory_space<vmem>>
      %dma_start3A_311 = tpu.memref_squeeze %dma_start3A_310 : memref<1x128x256xf32, #tpu.memory_space<vmem>> -> memref<128x256xf32, #tpu.memory_space<vmem>>
      %dma_start3A_312 = arith.constant 0 : i32
      %dma_start3A_313 = tpu.memref_slice %arg5[%add3A_308, %dma_start3A_312] : memref<65536x256xf32, #tpu.memory_space<hbm>> -> memref<128x256xf32, #tpu.memory_space<hbm>>
      %dma_start3A_314 = tpu.memref_slice %arg15[%select_n3A_233] : memref<3x!tpu.dma_semaphore, #tpu.memory_space<semaphore_mem>> -> memref<1x!tpu.dma_semaphore, #tpu.memory_space<semaphore_mem>>
      %dma_start3A_315 = tpu.memref_squeeze %dma_start3A_314 : memref<1x!tpu.dma_semaphore, #tpu.memory_space<semaphore_mem>> -> memref<!tpu.dma_semaphore, #tpu.memory_space<semaphore_mem>>
      %dma_start3A_316 = arith.constant 0 : i32
      %dma_start3A_317 = tpu.memref_slice %arg5[%add3A_308, %dma_start3A_316] : memref<65536x256xf32, #tpu.memory_space<hbm>> -> memref<128x256xf32, #tpu.memory_space<hbm>>
      %dma_start3A_318 = arith.constant 0 : i32
      %dma_start3A_319 = arith.constant 0 : i32
      %dma_start3A_320 = tpu.memref_slice %arg12[%select_n3A_233, %dma_start3A_318, %dma_start3A_319] : memref<3x128x256xf32, #tpu.memory_space<vmem>> -> memref<1x128x256xf32, #tpu.memory_space<vmem>>
      %dma_start3A_321 = tpu.memref_squeeze %dma_start3A_320 : memref<1x128x256xf32, #tpu.memory_space<vmem>> -> memref<128x256xf32, #tpu.memory_space<vmem>>
      tpu.enqueue_dma source(%dma_start3A_321 : memref<128x256xf32, #tpu.memory_space<vmem>>) target(%dma_start3A_317 : memref<128x256xf32, #tpu.memory_space<hbm>>) target_semaphore(%dma_start3A_315 : memref<!tpu.dma_semaphore, #tpu.memory_space<semaphore_mem>>)
      scf.yield %select_n3A_254, %while3A_264 : i32, i32
    }
    %while3A_173 = arith.constant 1 : i32
    %while3A_174:2 = scf.for %while3A_215 = %while3A_170 to %while3A_166 step %while3A_173 iter_args(%while3A_216 = %while3A_172#0, %while3A_217 = %while3A_172#1) -> (i32, i32)  : i32 {
      %jit3A_218 = arith.constant 3 : i32
      %eq3A_219 = arith.constant 0 : i32
      %eq3A_220 = arith.cmpi eq, %jit3A_218, %eq3A_219 : i32
      %jit3A_221 = arith.constant 1 : i32
      %select_n3A_222 = arith.select %eq3A_220, %jit3A_221, %jit3A_218 : i32
      %rem3A_223 = arith.remsi %while3A_215, %select_n3A_222 : i32
      %ne3A_224 = arith.constant 0 : i32
      %ne3A_225 = arith.cmpi ne, %rem3A_223, %ne3A_224 : i32
      %lt3A_226 = arith.constant 0 : i32
      %lt3A_227 = arith.cmpi slt, %rem3A_223, %lt3A_226 : i32
      %lt3A_228 = arith.constant 0 : i32
      %lt3A_229 = arith.cmpi slt, %select_n3A_222, %lt3A_228 : i32
      %ne3A_230 = arith.xori %lt3A_227, %lt3A_229 : i1
      %and3A_231 = arith.andi %ne3A_230, %ne3A_225 : i1
      %add3A_232 = arith.addi %rem3A_223, %select_n3A_222 : i32
      %select_n3A_233 = arith.select %and3A_231, %add3A_232, %rem3A_223 : i32
      %add3A_234 = arith.constant 1 : i32
      %add3A_235 = arith.addi %while3A_215, %add3A_234 : i32
      %lt3A_236 = arith.cmpi slt, %add3A_235, %min3A_119 : i32
      %convert_element_type3A_237 = arith.extui %lt3A_236 : i1 to i32
      %cond3A_238 = arith.constant 0 : i32
      %cond3A_239 = arith.cmpi ne, %convert_element_type3A_237, %cond3A_238 : i32
      scf.if %cond3A_239 {
        %add3A_322 = arith.constant 1 : i32
        %add3A_323 = arith.addi %while3A_215, %add3A_322 : i32
        %jit3A_324 = arith.constant 3 : i32
        %eq3A_325 = arith.constant 0 : i32
        %eq3A_326 = arith.cmpi eq, %jit3A_324, %eq3A_325 : i32
        %jit3A_327 = arith.constant 1 : i32
        %select_n3A_328 = arith.select %eq3A_326, %jit3A_327, %jit3A_324 : i32
        %rem3A_329 = arith.remsi %add3A_323, %select_n3A_328 : i32
        %ne3A_330 = arith.constant 0 : i32
        %ne3A_331 = arith.cmpi ne, %rem3A_329, %ne3A_330 : i32
        %lt3A_332 = arith.constant 0 : i32
        %lt3A_333 = arith.cmpi slt, %rem3A_329, %lt3A_332 : i32
        %lt3A_334 = arith.constant 0 : i32
        %lt3A_335 = arith.cmpi slt, %select_n3A_328, %lt3A_334 : i32
        %ne3A_336 = arith.xori %lt3A_333, %lt3A_335 : i1
        %and3A_337 = arith.andi %ne3A_336, %ne3A_331 : i1
        %add3A_338 = arith.addi %rem3A_329, %select_n3A_328 : i32
        %select_n3A_339 = arith.select %and3A_337, %add3A_338, %rem3A_329 : i32
        %ge3A_340 = arith.constant 2 : i32
        %ge3A_341 = arith.cmpi sge, %while3A_215, %ge3A_340 : i32
        %convert_element_type3A_342 = arith.extui %ge3A_341 : i1 to i32
        %cond3A_343 = arith.constant 0 : i32
        %cond3A_344 = arith.cmpi ne, %convert_element_type3A_342, %cond3A_343 : i32
        scf.if %cond3A_344 {
          %add3A_362 = arith.constant 1 : i32
          %add3A_363 = arith.addi %while3A_215, %add3A_362 : i32
          %sub3A_364 = arith.constant 3 : i32
          %sub3A_365 = arith.subi %add3A_363, %sub3A_364 : i32
          %mul3A_366 = arith.constant 4096 : i32
          %mul3A_367 = arith.muli %select_n3A, %mul3A_366 : i32
          %mul3A_368 = arith.constant 2 : i32
          %mul3A_369 = arith.muli %mul3A_368, %sub3A_365 : i32
          %add3A_370 = arith.addi %select_n3A_30, %mul3A_369 : i32
          %mul3A_371 = arith.constant 128 : i32
          %mul3A_372 = arith.muli %add3A_370, %mul3A_371 : i32
          %add3A_373 = arith.addi %mul3A_367, %mul3A_372 : i32
          %dma_wait3A_374 = arith.constant 0 : i32
          %dma_wait3A_375 = arith.constant 0 : i32
          %dma_wait3A_376 = tpu.memref_slice %arg12[%select_n3A_339, %dma_wait3A_374, %dma_wait3A_375] : memref<3x128x256xf32, #tpu.memory_space<vmem>> -> memref<1x128x256xf32, #tpu.memory_space<vmem>>
          %dma_wait3A_377 = tpu.memref_squeeze %dma_wait3A_376 : memref<1x128x256xf32, #tpu.memory_space<vmem>> -> memref<128x256xf32, #tpu.memory_space<vmem>>
          %dma_wait3A_378 = arith.constant 0 : i32
          %dma_wait3A_379 = tpu.memref_slice %arg5[%add3A_373, %dma_wait3A_378] : memref<65536x256xf32, #tpu.memory_space<hbm>> -> memref<128x256xf32, #tpu.memory_space<hbm>>
          %dma_wait3A_380 = tpu.memref_slice %arg15[%select_n3A_339] : memref<3x!tpu.dma_semaphore, #tpu.memory_space<semaphore_mem>> -> memref<1x!tpu.dma_semaphore, #tpu.memory_space<semaphore_mem>>
          %dma_wait3A_381 = tpu.memref_squeeze %dma_wait3A_380 : memref<1x!tpu.dma_semaphore, #tpu.memory_space<semaphore_mem>> -> memref<!tpu.dma_semaphore, #tpu.memory_space<semaphore_mem>>
          %dma_wait3A_382 = arith.constant 0 : i32
          %dma_wait3A_383 = tpu.memref_slice %arg5[%add3A_373, %dma_wait3A_382] : memref<65536x256xf32, #tpu.memory_space<hbm>> -> memref<128x256xf32, #tpu.memory_space<hbm>>
          %dma_wait3A_384 = arith.constant 0 : i32
          %dma_wait3A_385 = arith.constant 0 : i32
          %dma_wait3A_386 = tpu.memref_slice %arg12[%select_n3A_339, %dma_wait3A_384, %dma_wait3A_385] : memref<3x128x256xf32, #tpu.memory_space<vmem>> -> memref<1x128x256xf32, #tpu.memory_space<vmem>>
          %dma_wait3A_387 = tpu.memref_squeeze %dma_wait3A_386 : memref<1x128x256xf32, #tpu.memory_space<vmem>> -> memref<128x256xf32, #tpu.memory_space<vmem>>
          tpu.wait_dma2 semaphore(%dma_wait3A_381 : memref<!tpu.dma_semaphore, #tpu.memory_space<semaphore_mem>>) src(%dma_wait3A_387 : memref<128x256xf32, #tpu.memory_space<vmem>>) dst(%dma_wait3A_383 : memref<128x256xf32, #tpu.memory_space<hbm>>)
        } else {
        }
        %add3A_345 = arith.constant 1 : i32
        %add3A_346 = arith.addi %while3A_215, %add3A_345 : i32
        %mul3A_347 = arith.constant 2 : i32
        %mul3A_348 = arith.muli %mul3A_347, %add3A_346 : i32
        %add3A_349 = arith.addi %select_n3A_30, %mul3A_348 : i32
        %mul3A_350 = arith.constant 128 : i32
        %mul3A_351 = arith.muli %add3A_349, %mul3A_350 : i32
        %dma_start3A_352 = arith.constant 0 : i32
        %dma_start3A_353 = arith.constant 0 : i32
        %dma_start3A_354 = tpu.memref_slice %arg12[%select_n3A_339, %dma_start3A_352, %dma_start3A_353] : memref<3x128x256xf32, #tpu.memory_space<vmem>> -> memref<1x128x256xf32, #tpu.memory_space<vmem>>
        %dma_start3A_355 = tpu.memref_squeeze %dma_start3A_354 : memref<1x128x256xf32, #tpu.memory_space<vmem>> -> memref<128x256xf32, #tpu.memory_space<vmem>>
        %dma_start3A_356 = tpu.memref_slice %arg10[%mul3A_351] : memref<4096xi32, #tpu.memory_space<vmem>> -> memref<128xi32, #tpu.memory_space<vmem>>
        %dma_start3A_357 = arith.constant 0 : i32
        %dma_start3A_358 = arith.constant 0 : i32
        %dma_start3A_359 = tpu.memref_slice %arg2[%dma_start3A_357, %dma_start3A_358] : memref<32768x256xf32, #tpu.memory_space<hbm>> -> memref<32768x256xf32, #tpu.memory_space<hbm>>
        %dma_start3A_360 = tpu.memref_slice %arg14[%select_n3A_339] : memref<3x!tpu.dma_semaphore, #tpu.memory_space<semaphore_mem>> -> memref<1x!tpu.dma_semaphore, #tpu.memory_space<semaphore_mem>>
        %dma_start3A_361 = tpu.memref_squeeze %dma_start3A_360 : memref<1x!tpu.dma_semaphore, #tpu.memory_space<semaphore_mem>> -> memref<!tpu.dma_semaphore, #tpu.memory_space<semaphore_mem>>
        tpu.enqueue_indirect_dma source(%dma_start3A_359 : memref<32768x256xf32, #tpu.memory_space<hbm>>) target(%dma_start3A_355 : memref<128x256xf32, #tpu.memory_space<vmem>>) offsets(%dma_start3A_356 : memref<128xi32, #tpu.memory_space<vmem>>) semaphore(%dma_start3A_361 : memref<!tpu.dma_semaphore, #tpu.memory_space<semaphore_mem>>)
      } else {
      }
      %add3A_240 = arith.constant 2 : i32
      %add3A_241 = arith.addi %while3A_215, %add3A_240 : i32
      %lt3A_242 = arith.cmpi slt, %add3A_241, %min3A_119 : i32
      %add3A_243 = arith.constant 2 : i32
      %add3A_244 = arith.addi %while3A_215, %add3A_243 : i32
      %mul3A_245 = arith.constant 2 : i32
      %mul3A_246 = arith.muli %mul3A_245, %add3A_244 : i32
      %add3A_247 = arith.addi %select_n3A_30, %mul3A_246 : i32
      %add3A_248 = arith.constant 1 : i32
      %add3A_249 = arith.addi %add3A_247, %add3A_248 : i32
      %mul3A_250 = arith.constant 8 : i32
      %mul3A_251 = arith.muli %add3A_249, %mul3A_250 : i32
      %min3A_252 = arith.constant 256 : i32
      %min3A_253 = arith.minsi %mul3A_251, %min3A_252 : i32
      %select_n3A_254 = arith.select %lt3A_242, %min3A_253, %while3A_216 : i32
      %while3A_255 = arith.subi %select_n3A_254, %while3A_216 : i32
      %while3A_256 = arith.addi %while3A_216, %while3A_255 : i32
      %while3A_257 = arith.constant 1 : i32
      %while3A_258 = arith.divsi %while3A_255, %while3A_257 : i32
      %while3A_259 = arith.muli %while3A_258, %while3A_257 : i32
      %while3A_260 = arith.addi %while3A_216, %while3A_259 : i32
      %while3A_261 = arith.constant 1 : i32
      %while3A_262 = scf.for %while3A_322 = %while3A_216 to %while3A_260 step %while3A_261 iter_args(%while3A_323 = %while3A_217) -> (i32)  : i32 {
        %mul3A_324 = arith.constant 16 : i32
        %mul3A_325 = arith.muli %while3A_322, %mul3A_324 : i32
        %get3A_326 = arith.index_cast %mul3A_325 : i32 to index
        %get3A_327 = tpu.vector_load %arg9[%get3A_326] {strides = array<i32>} : memref<4096xi32, #tpu.memory_space<vmem>>, vector<16xi32>,
        %broadcast_in_dim3A_328 = arith.constant true
        %broadcast_in_dim3A_329 = vector.broadcast %broadcast_in_dim3A_328 : i1 to vector<16xi1>
        %masked_cummax3A = arith.constant -2147483648 : i32
        %masked_cummax3A_330 = vector.broadcast %masked_cummax3A : i32 to vector<16xi32>
        %masked_cummax3A_331 = arith.xori %get3A_327, %masked_cummax3A_330 : vector<16xi32>
        %masked_cummax3A_332 = tpu.scan <max>, %masked_cummax3A_331 masked %broadcast_in_dim3A_329 : vector<16xi32>, vector<16xi1> -> vector<16xi32>
        %masked_cummax3A_333 = arith.xori %masked_cummax3A_332, %masked_cummax3A_330 : vector<16xi32>
        %max3A_334 = vector.broadcast %while3A_323 : i32 to vector<16xi32>
        %max3A_335 = arith.maxsi %masked_cummax3A_333, %max3A_334 : vector<16xi32>
        %add3A_336 = vector.broadcast %mul3A_132 : i32 to vector<16xi32>
        %add3A_337 = arith.addi %add3A_336, %max3A_335 : vector<16xi32>
        %mul3A_338 = arith.constant 16 : i32
        %mul3A_339 = arith.muli %while3A_322, %mul3A_338 : i32
        %swap3A = arith.index_cast %mul3A_339 : i32 to index
        %swap3A_340 = tpu.vector_load %arg10[%swap3A] {strides = array<i32>} : memref<4096xi32, #tpu.memory_space<vmem>>, vector<16xi32>,
        tpu.vector_store %arg10[%swap3A], %add3A_337 {strides = array<i32>} : memref<4096xi32, #tpu.memory_space<vmem>>, vector<16xi32>,
        %reduce_max3A_341 = arith.constant true
        %reduce_max3A_342 = vector.broadcast %reduce_max3A_341 : i1 to vector<16xi1>
        %reduce_max3A_343 = arith.constant -2147483648 : i32
        %reduce_max3A_344 = vector.broadcast %reduce_max3A_343 : i32 to vector<16xi32>
        %reduce_max3A_345 = arith.xori %max3A_335, %reduce_max3A_344 : vector<16xi32>
        %reduce_max3A_346 = tpu.scan <max>, %reduce_max3A_345 masked %reduce_max3A_342 : vector<16xi32>, vector<16xi1> -> vector<16xi32>
        %reduce_max3A_347 = arith.xori %reduce_max3A_346, %reduce_max3A_344 : vector<16xi32>
        %reduce_max3A_348 = vector.extract %reduce_max3A_347[15] : i32 from vector<16xi32>
        scf.yield %reduce_max3A_348 : i32
      }
      %while3A_263 = arith.constant 1 : i32
      %while3A_264 = scf.for %while3A_322 = %while3A_260 to %while3A_256 step %while3A_263 iter_args(%while3A_323 = %while3A_262) -> (i32)  : i32 {
        %mul3A_324 = arith.constant 16 : i32
        %mul3A_325 = arith.muli %while3A_322, %mul3A_324 : i32
        %get3A_326 = arith.index_cast %mul3A_325 : i32 to index
        %get3A_327 = tpu.vector_load %arg9[%get3A_326] {strides = array<i32>} : memref<4096xi32, #tpu.memory_space<vmem>>, vector<16xi32>,
        %broadcast_in_dim3A_328 = arith.constant true
        %broadcast_in_dim3A_329 = vector.broadcast %broadcast_in_dim3A_328 : i1 to vector<16xi1>
        %masked_cummax3A = arith.constant -2147483648 : i32
        %masked_cummax3A_330 = vector.broadcast %masked_cummax3A : i32 to vector<16xi32>
        %masked_cummax3A_331 = arith.xori %get3A_327, %masked_cummax3A_330 : vector<16xi32>
        %masked_cummax3A_332 = tpu.scan <max>, %masked_cummax3A_331 masked %broadcast_in_dim3A_329 : vector<16xi32>, vector<16xi1> -> vector<16xi32>
        %masked_cummax3A_333 = arith.xori %masked_cummax3A_332, %masked_cummax3A_330 : vector<16xi32>
        %max3A_334 = vector.broadcast %while3A_323 : i32 to vector<16xi32>
        %max3A_335 = arith.maxsi %masked_cummax3A_333, %max3A_334 : vector<16xi32>
        %add3A_336 = vector.broadcast %mul3A_132 : i32 to vector<16xi32>
        %add3A_337 = arith.addi %add3A_336, %max3A_335 : vector<16xi32>
        %mul3A_338 = arith.constant 16 : i32
        %mul3A_339 = arith.muli %while3A_322, %mul3A_338 : i32
        %swap3A = arith.index_cast %mul3A_339 : i32 to index
        %swap3A_340 = tpu.vector_load %arg10[%swap3A] {strides = array<i32>} : memref<4096xi32, #tpu.memory_space<vmem>>, vector<16xi32>,
        tpu.vector_store %arg10[%swap3A], %add3A_337 {strides = array<i32>} : memref<4096xi32, #tpu.memory_space<vmem>>, vector<16xi32>,
        %reduce_max3A_341 = arith.constant true
        %reduce_max3A_342 = vector.broadcast %reduce_max3A_341 : i1 to vector<16xi1>
        %reduce_max3A_343 = arith.constant -2147483648 : i32
        %reduce_max3A_344 = vector.broadcast %reduce_max3A_343 : i32 to vector<16xi32>
        %reduce_max3A_345 = arith.xori %max3A_335, %reduce_max3A_344 : vector<16xi32>
        %reduce_max3A_346 = tpu.scan <max>, %reduce_max3A_345 masked %reduce_max3A_342 : vector<16xi32>, vector<16xi1> -> vector<16xi32>
        %reduce_max3A_347 = arith.xori %reduce_max3A_346, %reduce_max3A_344 : vector<16xi32>
        %reduce_max3A_348 = vector.extract %reduce_max3A_347[15] : i32 from vector<16xi32>
        scf.yield %reduce_max3A_348 : i32
      }
      %mul3A_265 = arith.constant 2 : i32
      %mul3A_266 = arith.muli %mul3A_265, %while3A_215 : i32
      %add3A_267 = arith.addi %select_n3A_30, %mul3A_266 : i32
      %mul3A_268 = arith.constant 128 : i32
      %mul3A_269 = arith.muli %add3A_267, %mul3A_268 : i32
      %dma_wait3A = arith.constant 0 : i32
      %dma_wait3A_270 = arith.constant 0 : i32
      %dma_wait3A_271 = tpu.memref_slice %arg12[%select_n3A_233, %dma_wait3A, %dma_wait3A_270] : memref<3x128x256xf32, #tpu.memory_space<vmem>> -> memref<1x128x256xf32, #tpu.memory_space<vmem>>
      %dma_wait3A_272 = tpu.memref_squeeze %dma_wait3A_271 : memref<1x128x256xf32, #tpu.memory_space<vmem>> -> memref<128x256xf32, #tpu.memory_space<vmem>>
      %dma_wait3A_273 = tpu.memref_slice %arg10[%mul3A_269] : memref<4096xi32, #tpu.memory_space<vmem>> -> memref<128xi32, #tpu.memory_space<vmem>>
      %dma_wait3A_274 = arith.constant 0 : i32
      %dma_wait3A_275 = arith.constant 0 : i32
      %dma_wait3A_276 = tpu.memref_slice %arg2[%dma_wait3A_274, %dma_wait3A_275] : memref<32768x256xf32, #tpu.memory_space<hbm>> -> memref<32768x256xf32, #tpu.memory_space<hbm>>
      %dma_wait3A_277 = tpu.memref_slice %arg14[%select_n3A_233] : memref<3x!tpu.dma_semaphore, #tpu.memory_space<semaphore_mem>> -> memref<1x!tpu.dma_semaphore, #tpu.memory_space<semaphore_mem>>
      %dma_wait3A_278 = tpu.memref_squeeze %dma_wait3A_277 : memref<1x!tpu.dma_semaphore, #tpu.memory_space<semaphore_mem>> -> memref<!tpu.dma_semaphore, #tpu.memory_space<semaphore_mem>>
      tpu.wait_indirect_dma semaphore(%dma_wait3A_278 : memref<!tpu.dma_semaphore, #tpu.memory_space<semaphore_mem>>) src(%dma_wait3A_276 : memref<32768x256xf32, #tpu.memory_space<hbm>>) dst(%dma_wait3A_272 : memref<128x256xf32, #tpu.memory_space<vmem>>)
      %mul3A_279 = arith.constant 2 : i32
      %mul3A_280 = arith.muli %mul3A_279, %while3A_215 : i32
      %add3A_281 = arith.addi %select_n3A_30, %mul3A_280 : i32
      %mul3A_282 = arith.constant 128 : i32
      %mul3A_283 = arith.muli %add3A_281, %mul3A_282 : i32
      %sub3A_284 = arith.subi %min3A, %mul3A_283 : i32
      %jit3A_285 = arith.constant 0 : i32
      %jit3A_286 = arith.constant 128 : i32
      %max3A_287 = arith.maxsi %jit3A_285, %sub3A_284 : i32
      %min3A_288 = arith.minsi %jit3A_286, %max3A_287 : i32
      %while3A_289 = arith.constant 128 : i32
      %while3A_290 = arith.constant 0 : i32
      %while3A_291 = arith.subi %while3A_289, %min3A_288 : i32
      %while3A_292 = arith.addi %min3A_288, %while3A_291 : i32
      %while3A_293 = arith.constant 1 : i32
      %while3A_294 = arith.divsi %while3A_291, %while3A_293 : i32
      %while3A_295 = arith.muli %while3A_294, %while3A_293 : i32
      %while3A_296 = arith.addi %min3A_288, %while3A_295 : i32
      %while3A_297 = arith.constant 1 : i32
      %while3A_298 = scf.for %while3A_322 = %min3A_288 to %while3A_296 step %while3A_297 iter_args(%while3A_323 = %while3A_290) -> (i32)  : i32 {
        %swap3A = arith.index_cast %select_n3A_233 : i32 to index
        %swap3A_324 = arith.index_cast %while3A_322 : i32 to index
        %swap3A_325 = arith.constant 0 : index
        %swap3A_326 = tpu.vector_load %arg12[%swap3A, %swap3A_324, %swap3A_325] {strides = array<i32>} : memref<3x128x256xf32, #tpu.memory_space<vmem>>, vector<16xf32>,
        tpu.vector_store %arg12[%swap3A, %swap3A_324, %swap3A_325], %broadcast_in_dim3A_41 {strides = array<i32>} : memref<3x128x256xf32, #tpu.memory_space<vmem>>, vector<16xf32>,
        %swap3A_327 = arith.index_cast %select_n3A_233 : i32 to index
        %swap3A_328 = arith.index_cast %while3A_322 : i32 to index
        %swap3A_329 = arith.constant 16 : index
        %swap3A_330 = tpu.vector_load %arg12[%swap3A_327, %swap3A_328, %swap3A_329] {strides = array<i32>} : memref<3x128x256xf32, #tpu.memory_space<vmem>>, vector<16xf32>,
        tpu.vector_store %arg12[%swap3A_327, %swap3A_328, %swap3A_329], %broadcast_in_dim3A_41 {strides = array<i32>} : memref<3x128x256xf32, #tpu.memory_space<vmem>>, vector<16xf32>,
        %swap3A_331 = arith.index_cast %select_n3A_233 : i32 to index
        %swap3A_332 = arith.index_cast %while3A_322 : i32 to index
        %swap3A_333 = arith.constant 32 : index
        %swap3A_334 = tpu.vector_load %arg12[%swap3A_331, %swap3A_332, %swap3A_333] {strides = array<i32>} : memref<3x128x256xf32, #tpu.memory_space<vmem>>, vector<16xf32>,
        tpu.vector_store %arg12[%swap3A_331, %swap3A_332, %swap3A_333], %broadcast_in_dim3A_41 {strides = array<i32>} : memref<3x128x256xf32, #tpu.memory_space<vmem>>, vector<16xf32>,
        %swap3A_335 = arith.index_cast %select_n3A_233 : i32 to index
        %swap3A_336 = arith.index_cast %while3A_322 : i32 to index
        %swap3A_337 = arith.constant 48 : index
        %swap3A_338 = tpu.vector_load %arg12[%swap3A_335, %swap3A_336, %swap3A_337] {strides = array<i32>} : memref<3x128x256xf32, #tpu.memory_space<vmem>>, vector<16xf32>,
        tpu.vector_store %arg12[%swap3A_335, %swap3A_336, %swap3A_337], %broadcast_in_dim3A_41 {strides = array<i32>} : memref<3x128x256xf32, #tpu.memory_space<vmem>>, vector<16xf32>,
        %swap3A_339 = arith.index_cast %select_n3A_233 : i32 to index
        %swap3A_340 = arith.index_cast %while3A_322 : i32 to index
        %swap3A_341 = arith.constant 64 : index
        %swap3A_342 = tpu.vector_load %arg12[%swap3A_339, %swap3A_340, %swap3A_341] {strides = array<i32>} : memref<3x128x256xf32, #tpu.memory_space<vmem>>, vector<16xf32>,
        tpu.vector_store %arg12[%swap3A_339, %swap3A_340, %swap3A_341], %broadcast_in_dim3A_41 {strides = array<i32>} : memref<3x128x256xf32, #tpu.memory_space<vmem>>, vector<16xf32>,
        %swap3A_343 = arith.index_cast %select_n3A_233 : i32 to index
        %swap3A_344 = arith.index_cast %while3A_322 : i32 to index
        %swap3A_345 = arith.constant 80 : index
        %swap3A_346 = tpu.vector_load %arg12[%swap3A_343, %swap3A_344, %swap3A_345] {strides = array<i32>} : memref<3x128x256xf32, #tpu.memory_space<vmem>>, vector<16xf32>,
        tpu.vector_store %arg12[%swap3A_343, %swap3A_344, %swap3A_345], %broadcast_in_dim3A_41 {strides = array<i32>} : memref<3x128x256xf32, #tpu.memory_space<vmem>>, vector<16xf32>,
        %swap3A_347 = arith.index_cast %select_n3A_233 : i32 to index
        %swap3A_348 = arith.index_cast %while3A_322 : i32 to index
        %swap3A_349 = arith.constant 96 : index
        %swap3A_350 = tpu.vector_load %arg12[%swap3A_347, %swap3A_348, %swap3A_349] {strides = array<i32>} : memref<3x128x256xf32, #tpu.memory_space<vmem>>, vector<16xf32>,
        tpu.vector_store %arg12[%swap3A_347, %swap3A_348, %swap3A_349], %broadcast_in_dim3A_41 {strides = array<i32>} : memref<3x128x256xf32, #tpu.memory_space<vmem>>, vector<16xf32>,
        %swap3A_351 = arith.index_cast %select_n3A_233 : i32 to index
        %swap3A_352 = arith.index_cast %while3A_322 : i32 to index
        %swap3A_353 = arith.constant 112 : index
        %swap3A_354 = tpu.vector_load %arg12[%swap3A_351, %swap3A_352, %swap3A_353] {strides = array<i32>} : memref<3x128x256xf32, #tpu.memory_space<vmem>>, vector<16xf32>,
        tpu.vector_store %arg12[%swap3A_351, %swap3A_352, %swap3A_353], %broadcast_in_dim3A_41 {strides = array<i32>} : memref<3x128x256xf32, #tpu.memory_space<vmem>>, vector<16xf32>,
        %swap3A_355 = arith.index_cast %select_n3A_233 : i32 to index
        %swap3A_356 = arith.index_cast %while3A_322 : i32 to index
        %swap3A_357 = arith.constant 128 : index
        %swap3A_358 = tpu.vector_load %arg12[%swap3A_355, %swap3A_356, %swap3A_357] {strides = array<i32>} : memref<3x128x256xf32, #tpu.memory_space<vmem>>, vector<16xf32>,
        tpu.vector_store %arg12[%swap3A_355, %swap3A_356, %swap3A_357], %broadcast_in_dim3A_41 {strides = array<i32>} : memref<3x128x256xf32, #tpu.memory_space<vmem>>, vector<16xf32>,
        %swap3A_359 = arith.index_cast %select_n3A_233 : i32 to index
        %swap3A_360 = arith.index_cast %while3A_322 : i32 to index
        %swap3A_361 = arith.constant 144 : index
        %swap3A_362 = tpu.vector_load %arg12[%swap3A_359, %swap3A_360, %swap3A_361] {strides = array<i32>} : memref<3x128x256xf32, #tpu.memory_space<vmem>>, vector<16xf32>,
        tpu.vector_store %arg12[%swap3A_359, %swap3A_360, %swap3A_361], %broadcast_in_dim3A_41 {strides = array<i32>} : memref<3x128x256xf32, #tpu.memory_space<vmem>>, vector<16xf32>,
        %swap3A_363 = arith.index_cast %select_n3A_233 : i32 to index
        %swap3A_364 = arith.index_cast %while3A_322 : i32 to index
        %swap3A_365 = arith.constant 160 : index
        %swap3A_366 = tpu.vector_load %arg12[%swap3A_363, %swap3A_364, %swap3A_365] {strides = array<i32>} : memref<3x128x256xf32, #tpu.memory_space<vmem>>, vector<16xf32>,
        tpu.vector_store %arg12[%swap3A_363, %swap3A_364, %swap3A_365], %broadcast_in_dim3A_41 {strides = array<i32>} : memref<3x128x256xf32, #tpu.memory_space<vmem>>, vector<16xf32>,
        %swap3A_367 = arith.index_cast %select_n3A_233 : i32 to index
        %swap3A_368 = arith.index_cast %while3A_322 : i32 to index
        %swap3A_369 = arith.constant 176 : index
        %swap3A_370 = tpu.vector_load %arg12[%swap3A_367, %swap3A_368, %swap3A_369] {strides = array<i32>} : memref<3x128x256xf32, #tpu.memory_space<vmem>>, vector<16xf32>,
        tpu.vector_store %arg12[%swap3A_367, %swap3A_368, %swap3A_369], %broadcast_in_dim3A_41 {strides = array<i32>} : memref<3x128x256xf32, #tpu.memory_space<vmem>>, vector<16xf32>,
        %swap3A_371 = arith.index_cast %select_n3A_233 : i32 to index
        %swap3A_372 = arith.index_cast %while3A_322 : i32 to index
        %swap3A_373 = arith.constant 192 : index
        %swap3A_374 = tpu.vector_load %arg12[%swap3A_371, %swap3A_372, %swap3A_373] {strides = array<i32>} : memref<3x128x256xf32, #tpu.memory_space<vmem>>, vector<16xf32>,
        tpu.vector_store %arg12[%swap3A_371, %swap3A_372, %swap3A_373], %broadcast_in_dim3A_41 {strides = array<i32>} : memref<3x128x256xf32, #tpu.memory_space<vmem>>, vector<16xf32>,
        %swap3A_375 = arith.index_cast %select_n3A_233 : i32 to index
        %swap3A_376 = arith.index_cast %while3A_322 : i32 to index
        %swap3A_377 = arith.constant 208 : index
        %swap3A_378 = tpu.vector_load %arg12[%swap3A_375, %swap3A_376, %swap3A_377] {strides = array<i32>} : memref<3x128x256xf32, #tpu.memory_space<vmem>>, vector<16xf32>,
        tpu.vector_store %arg12[%swap3A_375, %swap3A_376, %swap3A_377], %broadcast_in_dim3A_41 {strides = array<i32>} : memref<3x128x256xf32, #tpu.memory_space<vmem>>, vector<16xf32>,
        %swap3A_379 = arith.index_cast %select_n3A_233 : i32 to index
        %swap3A_380 = arith.index_cast %while3A_322 : i32 to index
        %swap3A_381 = arith.constant 224 : index
        %swap3A_382 = tpu.vector_load %arg12[%swap3A_379, %swap3A_380, %swap3A_381] {strides = array<i32>} : memref<3x128x256xf32, #tpu.memory_space<vmem>>, vector<16xf32>,
        tpu.vector_store %arg12[%swap3A_379, %swap3A_380, %swap3A_381], %broadcast_in_dim3A_41 {strides = array<i32>} : memref<3x128x256xf32, #tpu.memory_space<vmem>>, vector<16xf32>,
        %swap3A_383 = arith.index_cast %select_n3A_233 : i32 to index
        %swap3A_384 = arith.index_cast %while3A_322 : i32 to index
        %swap3A_385 = arith.constant 240 : index
        %swap3A_386 = tpu.vector_load %arg12[%swap3A_383, %swap3A_384, %swap3A_385] {strides = array<i32>} : memref<3x128x256xf32, #tpu.memory_space<vmem>>, vector<16xf32>,
        tpu.vector_store %arg12[%swap3A_383, %swap3A_384, %swap3A_385], %broadcast_in_dim3A_41 {strides = array<i32>} : memref<3x128x256xf32, #tpu.memory_space<vmem>>, vector<16xf32>,
        %while3A_387 = arith.constant 0 : i32
        scf.yield %while3A_387 : i32
      }
      %while3A_299 = arith.constant 1 : i32
      %while3A_300 = scf.for %while3A_322 = %while3A_296 to %while3A_292 step %while3A_299 iter_args(%while3A_323 = %while3A_298) -> (i32)  : i32 {
        %swap3A = arith.index_cast %select_n3A_233 : i32 to index
        %swap3A_324 = arith.index_cast %while3A_322 : i32 to index
        %swap3A_325 = arith.constant 0 : index
        %swap3A_326 = tpu.vector_load %arg12[%swap3A, %swap3A_324, %swap3A_325] {strides = array<i32>} : memref<3x128x256xf32, #tpu.memory_space<vmem>>, vector<16xf32>,
        tpu.vector_store %arg12[%swap3A, %swap3A_324, %swap3A_325], %broadcast_in_dim3A_41 {strides = array<i32>} : memref<3x128x256xf32, #tpu.memory_space<vmem>>, vector<16xf32>,
        %swap3A_327 = arith.index_cast %select_n3A_233 : i32 to index
        %swap3A_328 = arith.index_cast %while3A_322 : i32 to index
        %swap3A_329 = arith.constant 16 : index
        %swap3A_330 = tpu.vector_load %arg12[%swap3A_327, %swap3A_328, %swap3A_329] {strides = array<i32>} : memref<3x128x256xf32, #tpu.memory_space<vmem>>, vector<16xf32>,
        tpu.vector_store %arg12[%swap3A_327, %swap3A_328, %swap3A_329], %broadcast_in_dim3A_41 {strides = array<i32>} : memref<3x128x256xf32, #tpu.memory_space<vmem>>, vector<16xf32>,
        %swap3A_331 = arith.index_cast %select_n3A_233 : i32 to index
        %swap3A_332 = arith.index_cast %while3A_322 : i32 to index
        %swap3A_333 = arith.constant 32 : index
        %swap3A_334 = tpu.vector_load %arg12[%swap3A_331, %swap3A_332, %swap3A_333] {strides = array<i32>} : memref<3x128x256xf32, #tpu.memory_space<vmem>>, vector<16xf32>,
        tpu.vector_store %arg12[%swap3A_331, %swap3A_332, %swap3A_333], %broadcast_in_dim3A_41 {strides = array<i32>} : memref<3x128x256xf32, #tpu.memory_space<vmem>>, vector<16xf32>,
        %swap3A_335 = arith.index_cast %select_n3A_233 : i32 to index
        %swap3A_336 = arith.index_cast %while3A_322 : i32 to index
        %swap3A_337 = arith.constant 48 : index
        %swap3A_338 = tpu.vector_load %arg12[%swap3A_335, %swap3A_336, %swap3A_337] {strides = array<i32>} : memref<3x128x256xf32, #tpu.memory_space<vmem>>, vector<16xf32>,
        tpu.vector_store %arg12[%swap3A_335, %swap3A_336, %swap3A_337], %broadcast_in_dim3A_41 {strides = array<i32>} : memref<3x128x256xf32, #tpu.memory_space<vmem>>, vector<16xf32>,
        %swap3A_339 = arith.index_cast %select_n3A_233 : i32 to index
        %swap3A_340 = arith.index_cast %while3A_322 : i32 to index
        %swap3A_341 = arith.constant 64 : index
        %swap3A_342 = tpu.vector_load %arg12[%swap3A_339, %swap3A_340, %swap3A_341] {strides = array<i32>} : memref<3x128x256xf32, #tpu.memory_space<vmem>>, vector<16xf32>,
        tpu.vector_store %arg12[%swap3A_339, %swap3A_340, %swap3A_341], %broadcast_in_dim3A_41 {strides = array<i32>} : memref<3x128x256xf32, #tpu.memory_space<vmem>>, vector<16xf32>,
        %swap3A_343 = arith.index_cast %select_n3A_233 : i32 to index
        %swap3A_344 = arith.index_cast %while3A_322 : i32 to index
        %swap3A_345 = arith.constant 80 : index
        %swap3A_346 = tpu.vector_load %arg12[%swap3A_343, %swap3A_344, %swap3A_345] {strides = array<i32>} : memref<3x128x256xf32, #tpu.memory_space<vmem>>, vector<16xf32>,
        tpu.vector_store %arg12[%swap3A_343, %swap3A_344, %swap3A_345], %broadcast_in_dim3A_41 {strides = array<i32>} : memref<3x128x256xf32, #tpu.memory_space<vmem>>, vector<16xf32>,
        %swap3A_347 = arith.index_cast %select_n3A_233 : i32 to index
        %swap3A_348 = arith.index_cast %while3A_322 : i32 to index
        %swap3A_349 = arith.constant 96 : index
        %swap3A_350 = tpu.vector_load %arg12[%swap3A_347, %swap3A_348, %swap3A_349] {strides = array<i32>} : memref<3x128x256xf32, #tpu.memory_space<vmem>>, vector<16xf32>,
        tpu.vector_store %arg12[%swap3A_347, %swap3A_348, %swap3A_349], %broadcast_in_dim3A_41 {strides = array<i32>} : memref<3x128x256xf32, #tpu.memory_space<vmem>>, vector<16xf32>,
        %swap3A_351 = arith.index_cast %select_n3A_233 : i32 to index
        %swap3A_352 = arith.index_cast %while3A_322 : i32 to index
        %swap3A_353 = arith.constant 112 : index
        %swap3A_354 = tpu.vector_load %arg12[%swap3A_351, %swap3A_352, %swap3A_353] {strides = array<i32>} : memref<3x128x256xf32, #tpu.memory_space<vmem>>, vector<16xf32>,
        tpu.vector_store %arg12[%swap3A_351, %swap3A_352, %swap3A_353], %broadcast_in_dim3A_41 {strides = array<i32>} : memref<3x128x256xf32, #tpu.memory_space<vmem>>, vector<16xf32>,
        %swap3A_355 = arith.index_cast %select_n3A_233 : i32 to index
        %swap3A_356 = arith.index_cast %while3A_322 : i32 to index
        %swap3A_357 = arith.constant 128 : index
        %swap3A_358 = tpu.vector_load %arg12[%swap3A_355, %swap3A_356, %swap3A_357] {strides = array<i32>} : memref<3x128x256xf32, #tpu.memory_space<vmem>>, vector<16xf32>,
        tpu.vector_store %arg12[%swap3A_355, %swap3A_356, %swap3A_357], %broadcast_in_dim3A_41 {strides = array<i32>} : memref<3x128x256xf32, #tpu.memory_space<vmem>>, vector<16xf32>,
        %swap3A_359 = arith.index_cast %select_n3A_233 : i32 to index
        %swap3A_360 = arith.index_cast %while3A_322 : i32 to index
        %swap3A_361 = arith.constant 144 : index
        %swap3A_362 = tpu.vector_load %arg12[%swap3A_359, %swap3A_360, %swap3A_361] {strides = array<i32>} : memref<3x128x256xf32, #tpu.memory_space<vmem>>, vector<16xf32>,
        tpu.vector_store %arg12[%swap3A_359, %swap3A_360, %swap3A_361], %broadcast_in_dim3A_41 {strides = array<i32>} : memref<3x128x256xf32, #tpu.memory_space<vmem>>, vector<16xf32>,
        %swap3A_363 = arith.index_cast %select_n3A_233 : i32 to index
        %swap3A_364 = arith.index_cast %while3A_322 : i32 to index
        %swap3A_365 = arith.constant 160 : index
        %swap3A_366 = tpu.vector_load %arg12[%swap3A_363, %swap3A_364, %swap3A_365] {strides = array<i32>} : memref<3x128x256xf32, #tpu.memory_space<vmem>>, vector<16xf32>,
        tpu.vector_store %arg12[%swap3A_363, %swap3A_364, %swap3A_365], %broadcast_in_dim3A_41 {strides = array<i32>} : memref<3x128x256xf32, #tpu.memory_space<vmem>>, vector<16xf32>,
        %swap3A_367 = arith.index_cast %select_n3A_233 : i32 to index
        %swap3A_368 = arith.index_cast %while3A_322 : i32 to index
        %swap3A_369 = arith.constant 176 : index
        %swap3A_370 = tpu.vector_load %arg12[%swap3A_367, %swap3A_368, %swap3A_369] {strides = array<i32>} : memref<3x128x256xf32, #tpu.memory_space<vmem>>, vector<16xf32>,
        tpu.vector_store %arg12[%swap3A_367, %swap3A_368, %swap3A_369], %broadcast_in_dim3A_41 {strides = array<i32>} : memref<3x128x256xf32, #tpu.memory_space<vmem>>, vector<16xf32>,
        %swap3A_371 = arith.index_cast %select_n3A_233 : i32 to index
        %swap3A_372 = arith.index_cast %while3A_322 : i32 to index
        %swap3A_373 = arith.constant 192 : index
        %swap3A_374 = tpu.vector_load %arg12[%swap3A_371, %swap3A_372, %swap3A_373] {strides = array<i32>} : memref<3x128x256xf32, #tpu.memory_space<vmem>>, vector<16xf32>,
        tpu.vector_store %arg12[%swap3A_371, %swap3A_372, %swap3A_373], %broadcast_in_dim3A_41 {strides = array<i32>} : memref<3x128x256xf32, #tpu.memory_space<vmem>>, vector<16xf32>,
        %swap3A_375 = arith.index_cast %select_n3A_233 : i32 to index
        %swap3A_376 = arith.index_cast %while3A_322 : i32 to index
        %swap3A_377 = arith.constant 208 : index
        %swap3A_378 = tpu.vector_load %arg12[%swap3A_375, %swap3A_376, %swap3A_377] {strides = array<i32>} : memref<3x128x256xf32, #tpu.memory_space<vmem>>, vector<16xf32>,
        tpu.vector_store %arg12[%swap3A_375, %swap3A_376, %swap3A_377], %broadcast_in_dim3A_41 {strides = array<i32>} : memref<3x128x256xf32, #tpu.memory_space<vmem>>, vector<16xf32>,
        %swap3A_379 = arith.index_cast %select_n3A_233 : i32 to index
        %swap3A_380 = arith.index_cast %while3A_322 : i32 to index
        %swap3A_381 = arith.constant 224 : index
        %swap3A_382 = tpu.vector_load %arg12[%swap3A_379, %swap3A_380, %swap3A_381] {strides = array<i32>} : memref<3x128x256xf32, #tpu.memory_space<vmem>>, vector<16xf32>,
        tpu.vector_store %arg12[%swap3A_379, %swap3A_380, %swap3A_381], %broadcast_in_dim3A_41 {strides = array<i32>} : memref<3x128x256xf32, #tpu.memory_space<vmem>>, vector<16xf32>,
        %swap3A_383 = arith.index_cast %select_n3A_233 : i32 to index
        %swap3A_384 = arith.index_cast %while3A_322 : i32 to index
        %swap3A_385 = arith.constant 240 : index
        %swap3A_386 = tpu.vector_load %arg12[%swap3A_383, %swap3A_384, %swap3A_385] {strides = array<i32>} : memref<3x128x256xf32, #tpu.memory_space<vmem>>, vector<16xf32>,
        tpu.vector_store %arg12[%swap3A_383, %swap3A_384, %swap3A_385], %broadcast_in_dim3A_41 {strides = array<i32>} : memref<3x128x256xf32, #tpu.memory_space<vmem>>, vector<16xf32>,
        %while3A_387 = arith.constant 0 : i32
        scf.yield %while3A_387 : i32
      }
      %mul3A_301 = arith.constant 4096 : i32
      %mul3A_302 = arith.muli %select_n3A, %mul3A_301 : i32
      %mul3A_303 = arith.constant 2 : i32
      %mul3A_304 = arith.muli %mul3A_303, %while3A_215 : i32
      %add3A_305 = arith.addi %select_n3A_30, %mul3A_304 : i32
      %mul3A_306 = arith.constant 128 : i32
      %mul3A_307 = arith.muli %add3A_305, %mul3A_306 : i32
      %add3A_308 = arith.addi %mul3A_302, %mul3A_307 : i32
      %dma_start3A = arith.constant 0 : i32
      %dma_start3A_309 = arith.constant 0 : i32
      %dma_start3A_310 = tpu.memref_slice %arg12[%select_n3A_233, %dma_start3A, %dma_start3A_309] : memref<3x128x256xf32, #tpu.memory_space<vmem>> -> memref<1x128x256xf32, #tpu.memory_space<vmem>>
      %dma_start3A_311 = tpu.memref_squeeze %dma_start3A_310 : memref<1x128x256xf32, #tpu.memory_space<vmem>> -> memref<128x256xf32, #tpu.memory_space<vmem>>
      %dma_start3A_312 = arith.constant 0 : i32
      %dma_start3A_313 = tpu.memref_slice %arg5[%add3A_308, %dma_start3A_312] : memref<65536x256xf32, #tpu.memory_space<hbm>> -> memref<128x256xf32, #tpu.memory_space<hbm>>
      %dma_start3A_314 = tpu.memref_slice %arg15[%select_n3A_233] : memref<3x!tpu.dma_semaphore, #tpu.memory_space<semaphore_mem>> -> memref<1x!tpu.dma_semaphore, #tpu.memory_space<semaphore_mem>>
      %dma_start3A_315 = tpu.memref_squeeze %dma_start3A_314 : memref<1x!tpu.dma_semaphore, #tpu.memory_space<semaphore_mem>> -> memref<!tpu.dma_semaphore, #tpu.memory_space<semaphore_mem>>
      %dma_start3A_316 = arith.constant 0 : i32
      %dma_start3A_317 = tpu.memref_slice %arg5[%add3A_308, %dma_start3A_316] : memref<65536x256xf32, #tpu.memory_space<hbm>> -> memref<128x256xf32, #tpu.memory_space<hbm>>
      %dma_start3A_318 = arith.constant 0 : i32
      %dma_start3A_319 = arith.constant 0 : i32
      %dma_start3A_320 = tpu.memref_slice %arg12[%select_n3A_233, %dma_start3A_318, %dma_start3A_319] : memref<3x128x256xf32, #tpu.memory_space<vmem>> -> memref<1x128x256xf32, #tpu.memory_space<vmem>>
      %dma_start3A_321 = tpu.memref_squeeze %dma_start3A_320 : memref<1x128x256xf32, #tpu.memory_space<vmem>> -> memref<128x256xf32, #tpu.memory_space<vmem>>
      tpu.enqueue_dma source(%dma_start3A_321 : memref<128x256xf32, #tpu.memory_space<vmem>>) target(%dma_start3A_317 : memref<128x256xf32, #tpu.memory_space<hbm>>) target_semaphore(%dma_start3A_315 : memref<!tpu.dma_semaphore, #tpu.memory_space<semaphore_mem>>)
      scf.yield %select_n3A_254, %while3A_264 : i32, i32
    }
    %scan3A_175 = arith.constant 0 : i32
    %scan3A_176 = arith.constant 0 : i32
    %scan3A_177 = arith.constant 128 : i32
    %scan3A_178 = arith.addi %scan3A_176, %scan3A_177 : i32
    %scan3A_179 = arith.constant 1 : i32
    %scan3A_180 = scf.for %scan3A_215 = %scan3A_176 to %scan3A_178 step %scan3A_179 iter_args(%scan3A_216 = %scan3A_175) -> (i32)  : i32 {
      %mul3A_217 = arith.constant 2048 : i32
      %mul3A_218 = arith.muli %select_n3A_30, %mul3A_217 : i32
      %mul3A_219 = arith.constant 16 : i32
      %mul3A_220 = arith.muli %scan3A_215, %mul3A_219 : i32
      %add3A_221 = arith.addi %mul3A_218, %mul3A_220 : i32
      %add3A_222 = vector.broadcast %add3A_221 : i32 to vector<16xi32>
      %add3A_223 = arith.addi %add3A_222, %iota3A : vector<16xi32>
      %lt3A_224 = vector.broadcast %min3A : i32 to vector<16xi32>
      %lt3A_225 = arith.cmpi slt, %add3A_223, %lt3A_224 : vector<16xi32>
      %convert_element_type3A_226 = arith.extui %lt3A_225 : vector<16xi1> to vector<16xi32>
      %mul3A_227 = arith.constant 16 : i32
      %mul3A_228 = arith.muli %scan3A_215, %mul3A_227 : i32
      %swap3A = arith.index_cast %mul3A_228 : i32 to index
      %swap3A_229 = tpu.vector_load %arg11[%swap3A] {strides = array<i32>} : memref<2048xi32, #tpu.memory_space<vmem>>, vector<16xi32>,
      tpu.vector_store %arg11[%swap3A], %convert_element_type3A_226 {strides = array<i32>} : memref<2048xi32, #tpu.memory_space<vmem>>, vector<16xi32>,
      %scan3A_230 = arith.constant 0 : i32
      scf.yield %scan3A_230 : i32
    }
    %scan3A_181 = arith.constant 128 : i32
    %mul3A_182 = arith.constant 4096 : i32
    %mul3A_183 = arith.muli %select_n3A, %mul3A_182 : i32
    %mul3A_184 = arith.constant 2048 : i32
    %mul3A_185 = arith.muli %select_n3A_30, %mul3A_184 : i32
    %add3A_186 = arith.addi %mul3A_183, %mul3A_185 : i32
    "tpu.region"() ({
      %run_scoped3A = tpu.sem_alloc : memref<!tpu.dma_semaphore, #tpu.memory_space<semaphore_mem>>
      %dma_start3A = tpu.memref_slice %arg6[%add3A_186] : memref<65536xi32, #tpu.memory_space<hbm>> -> memref<2048xi32, #tpu.memory_space<hbm>>
      %dma_start3A_215 = tpu.memref_slice %arg6[%add3A_186] : memref<65536xi32, #tpu.memory_space<hbm>> -> memref<2048xi32, #tpu.memory_space<hbm>>
      tpu.enqueue_dma source(%arg11 : memref<2048xi32, #tpu.memory_space<vmem>>) target(%dma_start3A_215 : memref<2048xi32, #tpu.memory_space<hbm>>) target_semaphore(%run_scoped3A : memref<!tpu.dma_semaphore, #tpu.memory_space<semaphore_mem>>)
      %dma_wait3A = tpu.memref_slice %arg6[%add3A_186] : memref<65536xi32, #tpu.memory_space<hbm>> -> memref<2048xi32, #tpu.memory_space<hbm>>
      %dma_wait3A_216 = tpu.memref_slice %arg6[%add3A_186] : memref<65536xi32, #tpu.memory_space<hbm>> -> memref<2048xi32, #tpu.memory_space<hbm>>
      tpu.wait_dma2 semaphore(%run_scoped3A : memref<!tpu.dma_semaphore, #tpu.memory_space<semaphore_mem>>) src(%arg11 : memref<2048xi32, #tpu.memory_space<vmem>>) dst(%dma_wait3A_216 : memref<2048xi32, #tpu.memory_space<hbm>>)
      tpu.yield
    }) : () -> ()
    %ge3A = arith.constant 3 : i32
    %ge3A_187 = arith.cmpi sge, %min3A_119, %ge3A : i32
    %convert_element_type3A_188 = arith.extui %ge3A_187 : i1 to i32
    %cond3A_189 = arith.constant 0 : i32
    %cond3A_190 = arith.cmpi ne, %convert_element_type3A_188, %cond3A_189 : i32
    scf.if %cond3A_190 {
      %sub3A_215 = arith.constant 3 : i32
      %sub3A_216 = arith.subi %min3A_119, %sub3A_215 : i32
      %sub3A_217 = arith.constant 3 : i32
      %sub3A_218 = arith.subi %min3A_119, %sub3A_217 : i32
      %jit3A_219 = arith.constant 3 : i32
      %eq3A_220 = arith.constant 0 : i32
      %eq3A_221 = arith.cmpi eq, %jit3A_219, %eq3A_220 : i32
      %jit3A_222 = arith.constant 1 : i32
      %select_n3A_223 = arith.select %eq3A_221, %jit3A_222, %jit3A_219 : i32
      %rem3A_224 = arith.remsi %sub3A_218, %select_n3A_223 : i32
      %ne3A_225 = arith.constant 0 : i32
      %ne3A_226 = arith.cmpi ne, %rem3A_224, %ne3A_225 : i32
      %lt3A_227 = arith.constant 0 : i32
      %lt3A_228 = arith.cmpi slt, %rem3A_224, %lt3A_227 : i32
      %lt3A_229 = arith.constant 0 : i32
      %lt3A_230 = arith.cmpi slt, %select_n3A_223, %lt3A_229 : i32
      %ne3A_231 = arith.xori %lt3A_228, %lt3A_230 : i1
      %and3A_232 = arith.andi %ne3A_231, %ne3A_226 : i1
      %add3A_233 = arith.addi %rem3A_224, %select_n3A_223 : i32
      %select_n3A_234 = arith.select %and3A_232, %add3A_233, %rem3A_224 : i32
      %mul3A_235 = arith.constant 4096 : i32
      %mul3A_236 = arith.muli %select_n3A, %mul3A_235 : i32
      %mul3A_237 = arith.constant 2 : i32
      %mul3A_238 = arith.muli %mul3A_237, %sub3A_216 : i32
      %add3A_239 = arith.addi %select_n3A_30, %mul3A_238 : i32
      %mul3A_240 = arith.constant 128 : i32
      %mul3A_241 = arith.muli %add3A_239, %mul3A_240 : i32
      %add3A_242 = arith.addi %mul3A_236, %mul3A_241 : i32
      %dma_wait3A = arith.constant 0 : i32
      %dma_wait3A_243 = arith.constant 0 : i32
      %dma_wait3A_244 = tpu.memref_slice %arg12[%select_n3A_234, %dma_wait3A, %dma_wait3A_243] : memref<3x128x256xf32, #tpu.memory_space<vmem>> -> memref<1x128x256xf32, #tpu.memory_space<vmem>>
      %dma_wait3A_245 = tpu.memref_squeeze %dma_wait3A_244 : memref<1x128x256xf32, #tpu.memory_space<vmem>> -> memref<128x256xf32, #tpu.memory_space<vmem>>
      %dma_wait3A_246 = arith.constant 0 : i32
      %dma_wait3A_247 = tpu.memref_slice %arg5[%add3A_242, %dma_wait3A_246] : memref<65536x256xf32, #tpu.memory_space<hbm>> -> memref<128x256xf32, #tpu.memory_space<hbm>>
      %dma_wait3A_248 = tpu.memref_slice %arg15[%select_n3A_234] : memref<3x!tpu.dma_semaphore, #tpu.memory_space<semaphore_mem>> -> memref<1x!tpu.dma_semaphore, #tpu.memory_space<semaphore_mem>>
      %dma_wait3A_249 = tpu.memref_squeeze %dma_wait3A_248 : memref<1x!tpu.dma_semaphore, #tpu.memory_space<semaphore_mem>> -> memref<!tpu.dma_semaphore, #tpu.memory_space<semaphore_mem>>
      %dma_wait3A_250 = arith.constant 0 : i32
      %dma_wait3A_251 = tpu.memref_slice %arg5[%add3A_242, %dma_wait3A_250] : memref<65536x256xf32, #tpu.memory_space<hbm>> -> memref<128x256xf32, #tpu.memory_space<hbm>>
      %dma_wait3A_252 = arith.constant 0 : i32
      %dma_wait3A_253 = arith.constant 0 : i32
      %dma_wait3A_254 = tpu.memref_slice %arg12[%select_n3A_234, %dma_wait3A_252, %dma_wait3A_253] : memref<3x128x256xf32, #tpu.memory_space<vmem>> -> memref<1x128x256xf32, #tpu.memory_space<vmem>>
      %dma_wait3A_255 = tpu.memref_squeeze %dma_wait3A_254 : memref<1x128x256xf32, #tpu.memory_space<vmem>> -> memref<128x256xf32, #tpu.memory_space<vmem>>
      tpu.wait_dma2 semaphore(%dma_wait3A_249 : memref<!tpu.dma_semaphore, #tpu.memory_space<semaphore_mem>>) src(%dma_wait3A_255 : memref<128x256xf32, #tpu.memory_space<vmem>>) dst(%dma_wait3A_251 : memref<128x256xf32, #tpu.memory_space<hbm>>)
    } else {
    }
    %ge3A_191 = arith.constant 2 : i32
    %ge3A_192 = arith.cmpi sge, %min3A_119, %ge3A_191 : i32
    %convert_element_type3A_193 = arith.extui %ge3A_192 : i1 to i32
    %cond3A_194 = arith.constant 0 : i32
    %cond3A_195 = arith.cmpi ne, %convert_element_type3A_193, %cond3A_194 : i32
    scf.if %cond3A_195 {
      %sub3A_215 = arith.constant 2 : i32
      %sub3A_216 = arith.subi %min3A_119, %sub3A_215 : i32
      %sub3A_217 = arith.constant 2 : i32
      %sub3A_218 = arith.subi %min3A_119, %sub3A_217 : i32
      %jit3A_219 = arith.constant 3 : i32
      %eq3A_220 = arith.constant 0 : i32
      %eq3A_221 = arith.cmpi eq, %jit3A_219, %eq3A_220 : i32
      %jit3A_222 = arith.constant 1 : i32
      %select_n3A_223 = arith.select %eq3A_221, %jit3A_222, %jit3A_219 : i32
      %rem3A_224 = arith.remsi %sub3A_218, %select_n3A_223 : i32
      %ne3A_225 = arith.constant 0 : i32
      %ne3A_226 = arith.cmpi ne, %rem3A_224, %ne3A_225 : i32
      %lt3A_227 = arith.constant 0 : i32
      %lt3A_228 = arith.cmpi slt, %rem3A_224, %lt3A_227 : i32
      %lt3A_229 = arith.constant 0 : i32
      %lt3A_230 = arith.cmpi slt, %select_n3A_223, %lt3A_229 : i32
      %ne3A_231 = arith.xori %lt3A_228, %lt3A_230 : i1
      %and3A_232 = arith.andi %ne3A_231, %ne3A_226 : i1
      %add3A_233 = arith.addi %rem3A_224, %select_n3A_223 : i32
      %select_n3A_234 = arith.select %and3A_232, %add3A_233, %rem3A_224 : i32
      %mul3A_235 = arith.constant 4096 : i32
      %mul3A_236 = arith.muli %select_n3A, %mul3A_235 : i32
      %mul3A_237 = arith.constant 2 : i32
      %mul3A_238 = arith.muli %mul3A_237, %sub3A_216 : i32
      %add3A_239 = arith.addi %select_n3A_30, %mul3A_238 : i32
      %mul3A_240 = arith.constant 128 : i32
      %mul3A_241 = arith.muli %add3A_239, %mul3A_240 : i32
      %add3A_242 = arith.addi %mul3A_236, %mul3A_241 : i32
      %dma_wait3A = arith.constant 0 : i32
      %dma_wait3A_243 = arith.constant 0 : i32
      %dma_wait3A_244 = tpu.memref_slice %arg12[%select_n3A_234, %dma_wait3A, %dma_wait3A_243] : memref<3x128x256xf32, #tpu.memory_space<vmem>> -> memref<1x128x256xf32, #tpu.memory_space<vmem>>
      %dma_wait3A_245 = tpu.memref_squeeze %dma_wait3A_244 : memref<1x128x256xf32, #tpu.memory_space<vmem>> -> memref<128x256xf32, #tpu.memory_space<vmem>>
      %dma_wait3A_246 = arith.constant 0 : i32
      %dma_wait3A_247 = tpu.memref_slice %arg5[%add3A_242, %dma_wait3A_246] : memref<65536x256xf32, #tpu.memory_space<hbm>> -> memref<128x256xf32, #tpu.memory_space<hbm>>
      %dma_wait3A_248 = tpu.memref_slice %arg15[%select_n3A_234] : memref<3x!tpu.dma_semaphore, #tpu.memory_space<semaphore_mem>> -> memref<1x!tpu.dma_semaphore, #tpu.memory_space<semaphore_mem>>
      %dma_wait3A_249 = tpu.memref_squeeze %dma_wait3A_248 : memref<1x!tpu.dma_semaphore, #tpu.memory_space<semaphore_mem>> -> memref<!tpu.dma_semaphore, #tpu.memory_space<semaphore_mem>>
      %dma_wait3A_250 = arith.constant 0 : i32
      %dma_wait3A_251 = tpu.memref_slice %arg5[%add3A_242, %dma_wait3A_250] : memref<65536x256xf32, #tpu.memory_space<hbm>> -> memref<128x256xf32, #tpu.memory_space<hbm>>
      %dma_wait3A_252 = arith.constant 0 : i32
      %dma_wait3A_253 = arith.constant 0 : i32
      %dma_wait3A_254 = tpu.memref_slice %arg12[%select_n3A_234, %dma_wait3A_252, %dma_wait3A_253] : memref<3x128x256xf32, #tpu.memory_space<vmem>> -> memref<1x128x256xf32, #tpu.memory_space<vmem>>
      %dma_wait3A_255 = tpu.memref_squeeze %dma_wait3A_254 : memref<1x128x256xf32, #tpu.memory_space<vmem>> -> memref<128x256xf32, #tpu.memory_space<vmem>>
      tpu.wait_dma2 semaphore(%dma_wait3A_249 : memref<!tpu.dma_semaphore, #tpu.memory_space<semaphore_mem>>) src(%dma_wait3A_255 : memref<128x256xf32, #tpu.memory_space<vmem>>) dst(%dma_wait3A_251 : memref<128x256xf32, #tpu.memory_space<hbm>>)
    } else {
    }
    %ge3A_196 = arith.constant 1 : i32
    %ge3A_197 = arith.cmpi sge, %min3A_119, %ge3A_196 : i32
    %convert_element_type3A_198 = arith.extui %ge3A_197 : i1 to i32
    %cond3A_199 = arith.constant 0 : i32
    %cond3A_200 = arith.cmpi ne, %convert_element_type3A_198, %cond3A_199 : i32
    scf.if %cond3A_200 {
      %sub3A_215 = arith.constant 1 : i32
      %sub3A_216 = arith.subi %min3A_119, %sub3A_215 : i32
      %sub3A_217 = arith.constant 1 : i32
      %sub3A_218 = arith.subi %min3A_119, %sub3A_217 : i32
      %jit3A_219 = arith.constant 3 : i32
      %eq3A_220 = arith.constant 0 : i32
      %eq3A_221 = arith.cmpi eq, %jit3A_219, %eq3A_220 : i32
      %jit3A_222 = arith.constant 1 : i32
      %select_n3A_223 = arith.select %eq3A_221, %jit3A_222, %jit3A_219 : i32
      %rem3A_224 = arith.remsi %sub3A_218, %select_n3A_223 : i32
      %ne3A_225 = arith.constant 0 : i32
      %ne3A_226 = arith.cmpi ne, %rem3A_224, %ne3A_225 : i32
      %lt3A_227 = arith.constant 0 : i32
      %lt3A_228 = arith.cmpi slt, %rem3A_224, %lt3A_227 : i32
      %lt3A_229 = arith.constant 0 : i32
      %lt3A_230 = arith.cmpi slt, %select_n3A_223, %lt3A_229 : i32
      %ne3A_231 = arith.xori %lt3A_228, %lt3A_230 : i1
      %and3A_232 = arith.andi %ne3A_231, %ne3A_226 : i1
      %add3A_233 = arith.addi %rem3A_224, %select_n3A_223 : i32
      %select_n3A_234 = arith.select %and3A_232, %add3A_233, %rem3A_224 : i32
      %mul3A_235 = arith.constant 4096 : i32
      %mul3A_236 = arith.muli %select_n3A, %mul3A_235 : i32
      %mul3A_237 = arith.constant 2 : i32
      %mul3A_238 = arith.muli %mul3A_237, %sub3A_216 : i32
      %add3A_239 = arith.addi %select_n3A_30, %mul3A_238 : i32
      %mul3A_240 = arith.constant 128 : i32
      %mul3A_241 = arith.muli %add3A_239, %mul3A_240 : i32
      %add3A_242 = arith.addi %mul3A_236, %mul3A_241 : i32
      %dma_wait3A = arith.constant 0 : i32
      %dma_wait3A_243 = arith.constant 0 : i32
      %dma_wait3A_244 = tpu.memref_slice %arg12[%select_n3A_234, %dma_wait3A, %dma_wait3A_243] : memref<3x128x256xf32, #tpu.memory_space<vmem>> -> memref<1x128x256xf32, #tpu.memory_space<vmem>>
      %dma_wait3A_245 = tpu.memref_squeeze %dma_wait3A_244 : memref<1x128x256xf32, #tpu.memory_space<vmem>> -> memref<128x256xf32, #tpu.memory_space<vmem>>
      %dma_wait3A_246 = arith.constant 0 : i32
      %dma_wait3A_247 = tpu.memref_slice %arg5[%add3A_242, %dma_wait3A_246] : memref<65536x256xf32, #tpu.memory_space<hbm>> -> memref<128x256xf32, #tpu.memory_space<hbm>>
      %dma_wait3A_248 = tpu.memref_slice %arg15[%select_n3A_234] : memref<3x!tpu.dma_semaphore, #tpu.memory_space<semaphore_mem>> -> memref<1x!tpu.dma_semaphore, #tpu.memory_space<semaphore_mem>>
      %dma_wait3A_249 = tpu.memref_squeeze %dma_wait3A_248 : memref<1x!tpu.dma_semaphore, #tpu.memory_space<semaphore_mem>> -> memref<!tpu.dma_semaphore, #tpu.memory_space<semaphore_mem>>
      %dma_wait3A_250 = arith.constant 0 : i32
      %dma_wait3A_251 = tpu.memref_slice %arg5[%add3A_242, %dma_wait3A_250] : memref<65536x256xf32, #tpu.memory_space<hbm>> -> memref<128x256xf32, #tpu.memory_space<hbm>>
      %dma_wait3A_252 = arith.constant 0 : i32
      %dma_wait3A_253 = arith.constant 0 : i32
      %dma_wait3A_254 = tpu.memref_slice %arg12[%select_n3A_234, %dma_wait3A_252, %dma_wait3A_253] : memref<3x128x256xf32, #tpu.memory_space<vmem>> -> memref<1x128x256xf32, #tpu.memory_space<vmem>>
      %dma_wait3A_255 = tpu.memref_squeeze %dma_wait3A_254 : memref<1x128x256xf32, #tpu.memory_space<vmem>> -> memref<128x256xf32, #tpu.memory_space<vmem>>
      tpu.wait_dma2 semaphore(%dma_wait3A_249 : memref<!tpu.dma_semaphore, #tpu.memory_space<semaphore_mem>>) src(%dma_wait3A_255 : memref<128x256xf32, #tpu.memory_space<vmem>>) dst(%dma_wait3A_251 : memref<128x256xf32, #tpu.memory_space<hbm>>)
    } else {
    }
    %sub3A_201 = arith.constant 16 : i32
    %sub3A_202 = arith.subi %sub3A_201, %min3A_119 : i32
    %while3A_203 = arith.constant 0 : i32
    %while3A_204 = arith.constant 0 : i32
    %while3A_205 = arith.subi %sub3A_202, %while3A_203 : i32
    %while3A_206 = arith.addi %while3A_203, %while3A_205 : i32
    %while3A_207 = arith.constant 1 : i32
    %while3A_208 = arith.divsi %while3A_205, %while3A_207 : i32
    %while3A_209 = arith.muli %while3A_208, %while3A_207 : i32
    %while3A_210 = arith.addi %while3A_203, %while3A_209 : i32
    %while3A_211 = arith.constant 1 : i32
    %while3A_212 = scf.for %while3A_215 = %while3A_203 to %while3A_210 step %while3A_211 iter_args(%while3A_216 = %while3A_204) -> (i32)  : i32 {
      %mul3A_217 = arith.constant 4096 : i32
      %mul3A_218 = arith.muli %select_n3A, %mul3A_217 : i32
      %add3A_219 = arith.addi %min3A_119, %while3A_215 : i32
      %mul3A_220 = arith.constant 2 : i32
      %mul3A_221 = arith.muli %mul3A_220, %add3A_219 : i32
      %add3A_222 = arith.addi %select_n3A_30, %mul3A_221 : i32
      %mul3A_223 = arith.constant 128 : i32
      %mul3A_224 = arith.muli %add3A_222, %mul3A_223 : i32
      %add3A_225 = arith.addi %mul3A_218, %mul3A_224 : i32
      %add3A_226 = arith.constant 0 : i32
      %add3A_227 = arith.addi %add3A_225, %add3A_226 : i32
      %dma_wait3A = arith.constant 0 : i32
      %dma_wait3A_228 = tpu.memref_slice %arg5[%add3A_227, %dma_wait3A] : memref<65536x256xf32, #tpu.memory_space<hbm>> -> memref<32x256xf32, #tpu.memory_space<hbm>>
      %dma_wait3A_229 = arith.constant 0 : i32
      %dma_wait3A_230 = tpu.memref_slice %arg5[%add3A_227, %dma_wait3A_229] : memref<65536x256xf32, #tpu.memory_space<hbm>> -> memref<32x256xf32, #tpu.memory_space<hbm>>
      tpu.wait_dma2 semaphore(%arg16 : memref<!tpu.dma_semaphore, #tpu.memory_space<semaphore_mem>>) src(%arg13 : memref<32x256xf32, #tpu.memory_space<vmem>>) dst(%dma_wait3A_230 : memref<32x256xf32, #tpu.memory_space<hbm>>)
      %mul3A_231 = arith.constant 4096 : i32
      %mul3A_232 = arith.muli %select_n3A, %mul3A_231 : i32
      %add3A_233 = arith.addi %min3A_119, %while3A_215 : i32
      %mul3A_234 = arith.constant 2 : i32
      %mul3A_235 = arith.muli %mul3A_234, %add3A_233 : i32
      %add3A_236 = arith.addi %select_n3A_30, %mul3A_235 : i32
      %mul3A_237 = arith.constant 128 : i32
      %mul3A_238 = arith.muli %add3A_236, %mul3A_237 : i32
      %add3A_239 = arith.addi %mul3A_232, %mul3A_238 : i32
      %add3A_240 = arith.constant 32 : i32
      %add3A_241 = arith.addi %add3A_239, %add3A_240 : i32
      %dma_wait3A_242 = arith.constant 0 : i32
      %dma_wait3A_243 = tpu.memref_slice %arg5[%add3A_241, %dma_wait3A_242] : memref<65536x256xf32, #tpu.memory_space<hbm>> -> memref<32x256xf32, #tpu.memory_space<hbm>>
      %dma_wait3A_244 = arith.constant 0 : i32
      %dma_wait3A_245 = tpu.memref_slice %arg5[%add3A_241, %dma_wait3A_244] : memref<65536x256xf32, #tpu.memory_space<hbm>> -> memref<32x256xf32, #tpu.memory_space<hbm>>
      tpu.wait_dma2 semaphore(%arg16 : memref<!tpu.dma_semaphore, #tpu.memory_space<semaphore_mem>>) src(%arg13 : memref<32x256xf32, #tpu.memory_space<vmem>>) dst(%dma_wait3A_245 : memref<32x256xf32, #tpu.memory_space<hbm>>)
      %mul3A_246 = arith.constant 4096 : i32
      %mul3A_247 = arith.muli %select_n3A, %mul3A_246 : i32
      %add3A_248 = arith.addi %min3A_119, %while3A_215 : i32
      %mul3A_249 = arith.constant 2 : i32
      %mul3A_250 = arith.muli %mul3A_249, %add3A_248 : i32
      %add3A_251 = arith.addi %select_n3A_30, %mul3A_250 : i32
      %mul3A_252 = arith.constant 128 : i32
      %mul3A_253 = arith.muli %add3A_251, %mul3A_252 : i32
      %add3A_254 = arith.addi %mul3A_247, %mul3A_253 : i32
      %add3A_255 = arith.constant 64 : i32
      %add3A_256 = arith.addi %add3A_254, %add3A_255 : i32
      %dma_wait3A_257 = arith.constant 0 : i32
      %dma_wait3A_258 = tpu.memref_slice %arg5[%add3A_256, %dma_wait3A_257] : memref<65536x256xf32, #tpu.memory_space<hbm>> -> memref<32x256xf32, #tpu.memory_space<hbm>>
      %dma_wait3A_259 = arith.constant 0 : i32
      %dma_wait3A_260 = tpu.memref_slice %arg5[%add3A_256, %dma_wait3A_259] : memref<65536x256xf32, #tpu.memory_space<hbm>> -> memref<32x256xf32, #tpu.memory_space<hbm>>
      tpu.wait_dma2 semaphore(%arg16 : memref<!tpu.dma_semaphore, #tpu.memory_space<semaphore_mem>>) src(%arg13 : memref<32x256xf32, #tpu.memory_space<vmem>>) dst(%dma_wait3A_260 : memref<32x256xf32, #tpu.memory_space<hbm>>)
      %mul3A_261 = arith.constant 4096 : i32
      %mul3A_262 = arith.muli %select_n3A, %mul3A_261 : i32
      %add3A_263 = arith.addi %min3A_119, %while3A_215 : i32
      %mul3A_264 = arith.constant 2 : i32
      %mul3A_265 = arith.muli %mul3A_264, %add3A_263 : i32
      %add3A_266 = arith.addi %select_n3A_30, %mul3A_265 : i32
      %mul3A_267 = arith.constant 128 : i32
      %mul3A_268 = arith.muli %add3A_266, %mul3A_267 : i32
      %add3A_269 = arith.addi %mul3A_262, %mul3A_268 : i32
      %add3A_270 = arith.constant 96 : i32
      %add3A_271 = arith.addi %add3A_269, %add3A_270 : i32
      %dma_wait3A_272 = arith.constant 0 : i32
      %dma_wait3A_273 = tpu.memref_slice %arg5[%add3A_271, %dma_wait3A_272] : memref<65536x256xf32, #tpu.memory_space<hbm>> -> memref<32x256xf32, #tpu.memory_space<hbm>>
      %dma_wait3A_274 = arith.constant 0 : i32
      %dma_wait3A_275 = tpu.memref_slice %arg5[%add3A_271, %dma_wait3A_274] : memref<65536x256xf32, #tpu.memory_space<hbm>> -> memref<32x256xf32, #tpu.memory_space<hbm>>
      tpu.wait_dma2 semaphore(%arg16 : memref<!tpu.dma_semaphore, #tpu.memory_space<semaphore_mem>>) src(%arg13 : memref<32x256xf32, #tpu.memory_space<vmem>>) dst(%dma_wait3A_275 : memref<32x256xf32, #tpu.memory_space<hbm>>)
      %while3A_276 = arith.constant 0 : i32
      scf.yield %while3A_276 : i32
    }
    %while3A_213 = arith.constant 1 : i32
    %while3A_214 = scf.for %while3A_215 = %while3A_210 to %while3A_206 step %while3A_213 iter_args(%while3A_216 = %while3A_212) -> (i32)  : i32 {
      %mul3A_217 = arith.constant 4096 : i32
      %mul3A_218 = arith.muli %select_n3A, %mul3A_217 : i32
      %add3A_219 = arith.addi %min3A_119, %while3A_215 : i32
      %mul3A_220 = arith.constant 2 : i32
      %mul3A_221 = arith.muli %mul3A_220, %add3A_219 : i32
      %add3A_222 = arith.addi %select_n3A_30, %mul3A_221 : i32
      %mul3A_223 = arith.constant 128 : i32
      %mul3A_224 = arith.muli %add3A_222, %mul3A_223 : i32
      %add3A_225 = arith.addi %mul3A_218, %mul3A_224 : i32
      %add3A_226 = arith.constant 0 : i32
      %add3A_227 = arith.addi %add3A_225, %add3A_226 : i32
      %dma_wait3A = arith.constant 0 : i32
      %dma_wait3A_228 = tpu.memref_slice %arg5[%add3A_227, %dma_wait3A] : memref<65536x256xf32, #tpu.memory_space<hbm>> -> memref<32x256xf32, #tpu.memory_space<hbm>>
      %dma_wait3A_229 = arith.constant 0 : i32
      %dma_wait3A_230 = tpu.memref_slice %arg5[%add3A_227, %dma_wait3A_229] : memref<65536x256xf32, #tpu.memory_space<hbm>> -> memref<32x256xf32, #tpu.memory_space<hbm>>
      tpu.wait_dma2 semaphore(%arg16 : memref<!tpu.dma_semaphore, #tpu.memory_space<semaphore_mem>>) src(%arg13 : memref<32x256xf32, #tpu.memory_space<vmem>>) dst(%dma_wait3A_230 : memref<32x256xf32, #tpu.memory_space<hbm>>)
      %mul3A_231 = arith.constant 4096 : i32
      %mul3A_232 = arith.muli %select_n3A, %mul3A_231 : i32
      %add3A_233 = arith.addi %min3A_119, %while3A_215 : i32
      %mul3A_234 = arith.constant 2 : i32
      %mul3A_235 = arith.muli %mul3A_234, %add3A_233 : i32
      %add3A_236 = arith.addi %select_n3A_30, %mul3A_235 : i32
      %mul3A_237 = arith.constant 128 : i32
      %mul3A_238 = arith.muli %add3A_236, %mul3A_237 : i32
      %add3A_239 = arith.addi %mul3A_232, %mul3A_238 : i32
      %add3A_240 = arith.constant 32 : i32
      %add3A_241 = arith.addi %add3A_239, %add3A_240 : i32
      %dma_wait3A_242 = arith.constant 0 : i32
      %dma_wait3A_243 = tpu.memref_slice %arg5[%add3A_241, %dma_wait3A_242] : memref<65536x256xf32, #tpu.memory_space<hbm>> -> memref<32x256xf32, #tpu.memory_space<hbm>>
      %dma_wait3A_244 = arith.constant 0 : i32
      %dma_wait3A_245 = tpu.memref_slice %arg5[%add3A_241, %dma_wait3A_244] : memref<65536x256xf32, #tpu.memory_space<hbm>> -> memref<32x256xf32, #tpu.memory_space<hbm>>
      tpu.wait_dma2 semaphore(%arg16 : memref<!tpu.dma_semaphore, #tpu.memory_space<semaphore_mem>>) src(%arg13 : memref<32x256xf32, #tpu.memory_space<vmem>>) dst(%dma_wait3A_245 : memref<32x256xf32, #tpu.memory_space<hbm>>)
      %mul3A_246 = arith.constant 4096 : i32
      %mul3A_247 = arith.muli %select_n3A, %mul3A_246 : i32
      %add3A_248 = arith.addi %min3A_119, %while3A_215 : i32
      %mul3A_249 = arith.constant 2 : i32
      %mul3A_250 = arith.muli %mul3A_249, %add3A_248 : i32
      %add3A_251 = arith.addi %select_n3A_30, %mul3A_250 : i32
      %mul3A_252 = arith.constant 128 : i32
      %mul3A_253 = arith.muli %add3A_251, %mul3A_252 : i32
      %add3A_254 = arith.addi %mul3A_247, %mul3A_253 : i32
      %add3A_255 = arith.constant 64 : i32
      %add3A_256 = arith.addi %add3A_254, %add3A_255 : i32
      %dma_wait3A_257 = arith.constant 0 : i32
      %dma_wait3A_258 = tpu.memref_slice %arg5[%add3A_256, %dma_wait3A_257] : memref<65536x256xf32, #tpu.memory_space<hbm>> -> memref<32x256xf32, #tpu.memory_space<hbm>>
      %dma_wait3A_259 = arith.constant 0 : i32
      %dma_wait3A_260 = tpu.memref_slice %arg5[%add3A_256, %dma_wait3A_259] : memref<65536x256xf32, #tpu.memory_space<hbm>> -> memref<32x256xf32, #tpu.memory_space<hbm>>
      tpu.wait_dma2 semaphore(%arg16 : memref<!tpu.dma_semaphore, #tpu.memory_space<semaphore_mem>>) src(%arg13 : memref<32x256xf32, #tpu.memory_space<vmem>>) dst(%dma_wait3A_260 : memref<32x256xf32, #tpu.memory_space<hbm>>)
      %mul3A_261 = arith.constant 4096 : i32
      %mul3A_262 = arith.muli %select_n3A, %mul3A_261 : i32
      %add3A_263 = arith.addi %min3A_119, %while3A_215 : i32
      %mul3A_264 = arith.constant 2 : i32
      %mul3A_265 = arith.muli %mul3A_264, %add3A_263 : i32
      %add3A_266 = arith.addi %select_n3A_30, %mul3A_265 : i32
      %mul3A_267 = arith.constant 128 : i32
      %mul3A_268 = arith.muli %add3A_266, %mul3A_267 : i32
      %add3A_269 = arith.addi %mul3A_262, %mul3A_268 : i32
      %add3A_270 = arith.constant 96 : i32
      %add3A_271 = arith.addi %add3A_269, %add3A_270 : i32
      %dma_wait3A_272 = arith.constant 0 : i32
      %dma_wait3A_273 = tpu.memref_slice %arg5[%add3A_271, %dma_wait3A_272] : memref<65536x256xf32, #tpu.memory_space<hbm>> -> memref<32x256xf32, #tpu.memory_space<hbm>>
      %dma_wait3A_274 = arith.constant 0 : i32
      %dma_wait3A_275 = tpu.memref_slice %arg5[%add3A_271, %dma_wait3A_274] : memref<65536x256xf32, #tpu.memory_space<hbm>> -> memref<32x256xf32, #tpu.memory_space<hbm>>
      tpu.wait_dma2 semaphore(%arg16 : memref<!tpu.dma_semaphore, #tpu.memory_space<semaphore_mem>>) src(%arg13 : memref<32x256xf32, #tpu.memory_space<vmem>>) dst(%dma_wait3A_275 : memref<32x256xf32, #tpu.memory_space<hbm>>)
      %while3A_276 = arith.constant 0 : i32
      scf.yield %while3A_276 : i32
    }
    return
  }
}

</mosaic_0001>

<sc_bundles>
// kernel: kernel.3.cloned.1.call-start
scs
__scs_entry_jumppad:
0x0: {  	(pc) =	sbr.rel $0x88, $3  }
0x1: {  	(tag) =	ssettag $0x0;
	lr =	simm.s32 $0x1  }
0x2: {  	[smem:$0x3F9E] =	sst lr;
	_ =	strace $0xD0000000  }
0x3: {  	_ = 	snop  }
0x4: {  	_ = 	snop  }
0x5: {  	_ = 	snop  }
0x6: {  	_ = 	snop  }
0x7: {  	_ = 	snop  }
__scs_overlays_trampoline_lowered:
0x8: {  	[smem:$0x3FAD] =	sst s0  }
0x9: {  	[smem:$0x3FAE] =	sst s1  }
0xa: {  	[smem:$0x3FAF] =	sst s2  }
0xb: {  	[smem:$0x3FB0] =	sst s3  }
0xc: {  	[smem:$0x3FB1] =	sst s4  }
0xd: {  	[smem:$0x3FB2] =	sst s5  }
0xe: {  	[smem:$0x3FB3] =	sst s6  }
0xf: {  	[smem:$0x3FB4] =	sst s7  }
0x10: {  	[smem:$0x3FB5] =	sst s8  }
0x11: {  	[smem:$0x3FB6] =	sst s9;
	s0 =	simm.s32 @!p0 $0x0  }
0x12: {  	s1 =	sld [smem:$0x3F9C];
	s0 =	simm.s32 @p0 $0x1  }
0x13: {  	[smem:$0x3FB7] =	sst s0;
	s0 =	simm.s32 @!p1 $0x0  }
0x14: {  	s2 =	sld [smem:$0x3F9B];
	s0 =	simm.s32 @p1 $0x1  }
0x15: {  	[smem:$0x3FB8] =	sst s0;
	s0 =	simm.s32 @!p2 $0x0  }
0x16: {  	s3 =	sld [smem:$0x3FDB];
	s0 =	simm.s32 @p2 $0x1  }
0x17: {  	s4 =	simm.s32 $0x1BF5;
	[smem:$0x3FBA] =	sst s0  }
0x18: {  	s0 =	sld [smem:$0x3F9D];
	_ =	swait.ge [sflag:s4], $0x0  }
0x19: {  	s7 =	sld [smem:$0x3F9E]  }
0x1a: {  	s8 =	sadd.s32 $0xFFFFE003, lr  }
0x1b: {  	s9 =	sadd.s32 $0xFFFFFEF7, lr;
	s5 =	simm.s32 $0xFFFFFFFF;
	p2 =	slt.u32 s8, $0xFFFFF086  }
0x1c: {  	p1 =	slt.u32 s9, $0xF7A;
	s5 =	simm.s32 @!p2 $0x0  }
0x1d: {  	s5 =	simm.s32 @p1 $0x1;
	p0 =	seq.s32 s7, s2  }
0x1e: {  	s7 =	smul.u32 @!p0 $0xF7A, s2;
	p2 =	seq.s32 @!p0 s5, $0x0  }
0x1f: {  	s9 =	smul.u32 $0xF7A, s1;
	s8 =	simm.s32 @!p0 $0x1BF5;
	p2 =	por !p2, p0  }
0x20: {  	[sflag:s8] =	ssyncset.s32 @!p0 $0xFFFFF086;
	s6 =	sadd.s32 @!p0 s3, s7;
	s7 =	simm.s32 @!p0 $0x108  }
0x21: {  	s3 =	sadd.s32 s3, s9;
	s6 =	sadd.s32 @!p0 $0x88, s6;
	s7 =	simm.s32 @p2 $0x1082  }
0x22: {  	[simem:s7], [sflag:s8] =	dma.local @!p0 [hbm:s6], $0xF7A  }
0x23: {  	s9 =	sor.u32 $0xD0000000, s2;
	s6 =	simm.s32 $0x108;
	_ =	swait.ge @!p0 [sflag:s8], $0x0  }
0x24: {  	s3 =	sadd.s32 $0x88, s3;
	s6 =	simm.s32 @!p1 $0x1082;
	[sflag:s4] =	ssyncset.s32 $0xFFFFF086  }
0x25: {  	[simem:s6], [sflag:s4] =	dma.local [hbm:s3], $0xF7A  }
0x26: {  	[smem:$0x3F9E] =	sst s1;
	(tag) =	ssettag s2;
	_ =	strace s9  }
0x27: {  	s1 =	sld [smem:$0x3FAE]  }
0x28: {  	s2 =	sld [smem:$0x3FAF]  }
0x29: {  	s4 =	sld [smem:$0x3FB1]  }
0x2a: {  	p0 =	seq.s32 s5, $0x0;
	s5 =	sld [smem:$0x3FB2]  }
0x2b: {  	s6 =	sld [smem:$0x3FB3]  }
0x2c: {  	s7 =	sld [smem:$0x3FB4]  }
0x2d: {  	s3 =	simm.s32 $0x108;
	s8 =	sld [smem:$0x3FB5]  }
0x2e: {  	s3 =	simm.s32 @!p0 $0x1082;
	s9 =	sld [smem:$0x3FB6]  }
0x2f: {  	lr =	sadd.s32 s0, s3;
	s0 =	sld [smem:$0x3FAD]  }
0x30: {  	s3 =	sld [smem:$0x3FB0]  }
0x31: {  	[smem:$0x3FB9] =	sst s10  }
0x32: {  	s10 =	sld [smem:$0x3FB7];
	_ =	sdelay $0x3  }
0x33: {  	p0 =	seq.s32 s10, $0x1;
	s10 =	sld [smem:$0x3FB9];
	_ =	sdelay $0x3  }
0x34: {  	[smem:$0x3FB9] =	sst s10  }
0x35: {  	s10 =	sld [smem:$0x3FB8];
	_ =	sdelay $0x3  }
0x36: {  	p1 =	seq.s32 s10, $0x1;
	s10 =	sld [smem:$0x3FB9];
	_ =	sdelay $0x3  }
0x37: {  	[smem:$0x3FB9] =	sst s10  }
0x38: {  	s10 =	sld [smem:$0x3FBA]  }
0x39: {  	_ = 	snop;
	(pc) =	sbr.ind lr, $3  }
0x3a: {  	_ = 	snop  }
0x3b: {  	_ = 	snop  }
0x3c: {  	p2 =	seq.s32 s10, $0x1;
	s10 =	sld [smem:$0x3FB9]  }
0x3d: {  	_ =	shalt  }
0x3e: {  	_ =	shalt  }
0x3f: {  	_ =	shalt  }
0x40: {  	_ =	shalt  }
0x41: {  	_ =	shalt  }
0x42: {  	_ =	shalt  }
0x43: {  	_ =	shalt  }
0x44: {  	_ =	shalt  }
0x45: {  	_ =	shalt  }
0x46: {  	_ =	shalt  }
0x47: {  	_ =	shalt  }
0x48: {  	_ =	shalt  }
0x49: {  	_ =	shalt  }
0x4a: {  	_ =	shalt  }
0x4b: {  	_ =	shalt  }
0x4c: {  	_ =	shalt  }
0x4d: {  	_ =	shalt  }
0x4e: {  	_ =	shalt  }
0x4f: {  	_ =	shalt  }
0x50: {  	_ =	shalt  }
0x51: {  	_ =	shalt  }
0x52: {  	_ =	shalt  }
0x53: {  	_ =	shalt  }
0x54: {  	_ =	shalt  }
0x55: {  	_ =	shalt  }
0x56: {  	_ =	shalt  }
0x57: {  	_ =	shalt  }
0x58: {  	_ =	shalt  }
0x59: {  	_ =	shalt  }
0x5a: {  	_ =	shalt  }
0x5b: {  	_ =	shalt  }
0x5c: {  	_ =	shalt  }
0x5d: {  	_ =	shalt  }
0x5e: {  	_ =	shalt  }
0x5f: {  	_ =	shalt  }
0x60: {  	_ =	shalt  }
0x61: {  	_ =	shalt  }
0x62: {  	_ =	shalt  }
0x63: {  	_ =	shalt  }
0x64: {  	_ =	shalt  }
0x65: {  	_ =	shalt  }
0x66: {  	_ =	shalt  }
0x67: {  	_ =	shalt  }
0x68: {  	_ =	shalt  }
0x69: {  	_ =	shalt  }
0x6a: {  	_ =	shalt  }
0x6b: {  	_ =	shalt  }
0x6c: {  	_ =	shalt  }
0x6d: {  	_ =	shalt  }
0x6e: {  	_ =	shalt  }
0x6f: {  	_ =	shalt  }
0x70: {  	_ =	shalt  }
0x71: {  	_ =	shalt  }
0x72: {  	_ =	shalt  }
0x73: {  	_ =	shalt  }
0x74: {  	_ =	shalt  }
0x75: {  	_ =	shalt  }
0x76: {  	_ =	shalt  }
0x77: {  	_ =	shalt  }
0x78: {  	_ =	shalt  }
0x79: {  	_ =	shalt  }
0x7a: {  	_ =	shalt  }
0x7b: {  	_ =	shalt  }
0x7c: {  	_ =	shalt  }
0x7d: {  	_ =	shalt  }
0x7e: {  	_ =	shalt  }
0x7f: {  	_ =	shalt  }
0x80: {  	_ =	shalt  }
0x81: {  	_ =	shalt  }
0x82: {  	_ =	shalt  }
0x83: {  	_ =	shalt  }
0x84: {  	_ =	shalt  }
0x85: {  	_ =	shalt  }
0x86: {  	_ =	shalt  }
0x87: {  	_ =	shalt  }
.Lfunc_end0:
.L_simem_size_0:
called_computation_lowered:
.L_overlay_start_0:
0x88: {  	s2 =	sld [smem:$0x3FD9]  }
0x89: {  	s3 =	sld [smem:$0x3FFE];
	_ =	sdelay $0x1  }
0x8a: {  	s1 =	srdreg.scid  }
0x8b: {  	s0 =	sand.u32 $0x1, s1  }
0x8c: {  	s14 =	sshll.u32 s0, $0xA;
	s2 =	sadd.s32 s3, s2  }
0x8d: {  	s2 =	sadd.s32 s2, s14  }
0x8e: {  	[smem:$0x3FC5] =	sst s2  }
0x8f: {  	_ = 	snop  }
0x90: {  	s2 =	sld [smem:$0x3FD0];
	_ =	sdelay $0x1  }
0x91: {  	s15 =	sld [smem:$0x3FC9]  }
0x92: {  	s5 =	simm.s32 $0xA;
	s6 =	simm.s32 $0x10;
	s4 =	sld [smem:$0x3FC8]  }
0x93: {  	[smem:s6], [sflag:s5] =	dma.local [hbm:s2], $0x1  }
0x94: {  	_ =	swait.eq [sflag:s5], $0x1  }
0x95: {  	[sflag:s5] =	ssyncset.done $0x0  }
0x96: {  	s16 =	sld [smem:$0x10];
	[sflag:s5] =	ssyncadd.s32 $0xFFFFFFFF  }
0x97: {  	s17 =	sld [smem:$0x11];
	(tm) =	ssettm $0x1  }
0x98: {  	s18 =	sld [smem:$0x3FFB];
	_ =	sdelay $0x3  }
0x99: {  	_ =	strace s18  }
0x9a: {  	s6 =	sld [smem:$0x3FFC];
	_ =	sdelay $0x3  }
0x9b: {  	_ =	strace s6  }
0x9c: {  	s6 =	sld [smem:$0x3FFD];
	_ =	sdelay $0x3  }
0x9d: {  	_ =	strace s6  }
0x9e: {  	_ =	strace $0x8FFFFFFF  }
0x9f: {  	s19 =	sld [smem:$0x3FDB];
	_ =	sdelay $0x1  }
0xa0: {  	s7 =	simm.s32 $_scs_section_size  }
0xa1: {  	s8 =	simm.s32 $_size__tile_overlayer_lowered;
	s9 =	simm.s32 $_tile_overlayer_lowered  }
0xa2: {  	s22 =	simm.s32 $0x1BFF;
	s21 =	sshll.u32 s9, $0x1;
	s6 =	sadd.s32 s7, s19  }
0xa3: {  	s10 =	simm.s32 $0x0;
	s20 =	sshll.u32 s8, $0x1;
	s8 =	sadd.s32 s21, s6  }
0xa4: {  	[timem:s10], [sflag:s22] =	dma.local [hbm:s8], s20  }
0xa5: {  	_ =	swait.ge [sflag:s22], s20  }
0xa6: {  	s7 =	ssub.s32 $0x0, s20;
	[sflag:s22] =	ssyncset.done $0x0  }
0xa7: {  	[sflag:s22] =	ssyncadd.s32 s7;
	_ =	sdelay $0x1  }
0xa8: {  	s23 =	simm.s32 $0x1B8B  }
0xa9: {  	_ =	swait.ge [sflag:s23], $0x1  }
0xaa: {  	[sflag:s23] =	ssyncset.done $0x0  }
0xab: {  	s25 =	simm.s32 $0x1B8E;
	s24 =	sld [smem:$0x3FFE];
	[sflag:s23] =	ssyncadd.s32 $0xFFFFFFFF  }
0xac: {  	s26 =	simm.s32 $execute0_lowered;
	[smem:$0x3FD2] =	sst s25  }
0xad: {  	s8 =	sshll.u32 s26, $0x1;
	_ =	strace $0x80000046;
	[dreg:$0x1] =	wrdreg $0xFFFFFFFF  }
0xae: {  	s28 =	simm.s32 $_size_execute0_lowered;
	s6 =	sadd.s32 s6, s8;
	[dreg:$0x0] =	wrdreg $0x0  }
0xaf: {  	s8 =	sshll.u32 s28, $0x1;
	[dreg:$0x2] =	wrdreg s6  }
0xb0: {  	[dreg:$0x3] =	wrdreg s8  }
0xb1: {  	[dreg:$0x4] =	wrdreg $0xC0  }
0xb2: {  	_ =	task [dreg:s10], $0x5FFFF  }
0xb3: {  	[dreg:$0x1] =	wrdreg $0xFFFFFFFF  }
0xb4: {  	[dreg:$0x0] =	wrdreg $0x60  }
0xb5: {  	[dreg:$0x2] =	wrdreg s15  }
0xb6: {  	[dreg:$0x3] =	wrdreg s4  }
0xb7: {  	[dreg:$0x4] =	wrdreg s17  }
0xb8: {  	[dreg:$0x5] =	wrdreg s16  }
0xb9: {  	[dreg:$0x6] =	wrdreg s24  }
0xba: {  	[dreg:$0x7] =	wrdreg $0x9  }
0xbb: {  	_ =	task.clear_ibuf [dreg:s10], $0x8FFFF;
	_ =	strace $0x90000046  }
0xbc: {  	s29 =	simm.s32 $0x9;
	_ =	strace $0x80000048  }
0xbd: {  	_ =	swait.ge [sflag:s29], $0x1  }
0xbe: {  	[sflag:s29] =	ssyncadd.s32 $0xFFFFFFFF  }
0xbf: {  	_ =	strace $0x90000048  }
0xc0: {  	_ =	sfence  }
0xc1: {  	s30 =	sld [smem:$0x0];
	_ =	sdelay $0x2  }
0xc2: {  	s31 =	sshll.u32 s1, $0xD;
	s1 =	sshrl.u32 s1, $0x2  }
0xc3: {  	s3 =	sand.u32 $0x4000, s31;
	s1 =	sadd.s32 s1, s30  }
0xc4: {  	s0 =	sor.u32 s3, s0;
	s1 =	sshll.u32 s1, $0x11  }
0xc5: {  	s0 =	sor.u32 s1, s0  }
0xc6: {  	s0 =	sadd.s32 $0x8F2B, s0  }
0xc7: {  	[sflag:s0] =	ssyncadd.remote.s32 $0x1  }
0xc8: {  	_ =	sfence.sel $0xFFFF  }
0xc9: {  	[dreg:$0x0] =	wrdreg $0xFFFFFFFF;
	(pc) =	sbr.abs _section_cstart, $3  }
0xca: {  	[dreg:$0x1] =	wrdreg $0xFFFFFFFF  }
0xcb: {  	_ =	task.clear_ibuf [dreg:s10], $0x2FFFF;
	_ =	strace $0x9FFFFFFF  }
0xcc: {  	(tm) =	ssettm $0x7FFFFFFF  }
0xcd: {  	_ =	shalt  }
tec
execute0_lowered:
.L_overlay_start_1:
0x0: {  	(tag) =	ssettag $0x1  }
0x1: {  	s0 =	rddreg [dreg:$0x0]  }
0x2: {  	s1 =	rddreg [dreg:$0x1]  }
0x3: {  	s2 =	srdreg.scid;
	s5 =	rddreg [dreg:$0x3]  }
0x4: {  	s3 =	stileid.u32;
	s4 =	rddreg [dreg:$0x4]  }
0x5: {  	s6 =	simm.s32 $0x0;
	s23 =	simm.s32 $0x880;
	s12 =	sand.u32 $0x1, s2  }
0x6: {  	[smem:$0x7FF] =	sst s6;
	s2 =	sor.u32 s12, s3;
	p1 =	seq.s32 s12, $0x1  }
0x7: {  	_ =	strace $0x80000047;
	s24 =	sshll.u32 s12, $0xB;
	s11 =	ssub.s32 $0x2, s12  }
0x8: {  	s28 =	sshll.u32 s12, $0xC;
	s13 =	sshll.u32 s12, $0x3;
	[dreg:$0x6] =	wrdreg s12  }
0x9: {  	p0 =	seq.s32 s2, $0x0;
	s2 =	simm.s32 $0x1;
	[dreg:$0x7] =	wrdreg s24  }
0xa: {  	s25 =	sshrl.u32 s11, $0x1;
	s13 =	sadd.s32 $0x8, s13;
	p0 =	por !p0, !p1  }
0xb: {  	s15 =	ssub.s32 s11, s25;
	s11 =	sshll.u32 s12, $0x7;
	p0 =	por !p0, !p0  }
0xc: {  	s12 =	sadd.s32 $0xC00, s5;
	s30 =	smax.u32 s15, $0x1;
	s2 =	simm.s32 @!p0 $0x0  }
0xd: {  	s31 =	ssub.s32 $0x0, s11;
	[dreg:$0xa] =	wrdreg s30;
	s2 =	ssub.s32 s3, s2  }
0xe: {  	s16 =	sadd.s32 $0x1880, s11;
	[dreg:$0xc] =	wrdreg s31;
	s7 =	sshll.u32 s2, $0xB  }
0xf: {  	s8 =	sshll.u32 s2, $0x7;
	s9 =	sshll.u32 s2, $0xC;
	s26 =	sshll.u32 s2, $0x11  }
0x10: {  	s14 =	sshll.u32 s2, $0x14;
	s10 =	sand.u32 $0xFFFFC000, s7;
	s8 =	sand.u32 $0x380, s8  }
0x11: {  	s9 =	sor.u32 s24, s9;
	s24 =	simm.s32 $0x1B080;
	s8 =	sor.u32 s8, s10  }
.Ltmp0:
0x12: {  	s9 =	sshrl.u32 s9, $0x3;
	s8 =	sshrl.u32 s8, $0x3;
	(pc) =	sbr.rel .LBB2_1-.Ltmp0, $4  }
0x13: {  	v2 =	vimm.s32 $0x0;
	s10 =	sadd.s32 $0x800, s5;
	s4 =	sadd.s32 s9, s4;
	s1 =	sadd.s32 s1, s8  }
0x14: {  	v3 =	vlaneseq.u32;
	v4 =	vimm.f32 $0.0e+00;
	vm0 =	vmmov $0xffff;
	s9 =	sadd.s32 $0x400, s5;
	s29 =	sadd.s32 $0x800, s4;
	[dreg:$0x8] =	wrdreg s1  }
0x15: {  	v5 =	vand.u32 $0x7, v3;
	v6 =	vshrl.u32 v3, $0x3;
	v7 =	vor.u32 $0x8, v3;
	s8 =	simm.s32 $0x8;
	[dreg:$0x9] =	wrdreg s29;
	s1 =	sor.u32 s28, s26  }
0x16: {  	v6 =	vmul.u32 $0x8, v6;
	v1 =	vmov s16;
	v0 =	vmov s7;
	s4 =	simm.s32 $0x0;
	s26 =	simm.s32 $0x7;
	[dreg:$0xb] =	wrdreg s1  }
.LBB2_49:
0x17: {  	[sflag:s26] =	ssyncadd.s32 $0xFFFFE000  }
.LBB2_50:
0x18: {  	s4 =	sadd.s32 $0x1, s4;
	s1 =	rddreg [dreg:$0xa]  }
0x19: {  	p0 =	sne.s32 s4, s1  }
.Ltmp1:
0x1a: {  	_ = 	snop;
	(pc) =	sbr.rel @!p0 .LBB2_51-.Ltmp1, $1  }
0x1b: {  	_ =	sdelay $0x3  }
.LBB2_1:
0x1c: {  	s1 =	rddreg [dreg:$0x8];
	s2 =	simm.s32 $0x80;
	s3 =	simm.s32 $0x400  }
0x1d: {  	[tilespmem:s6], [sflag:$0x8] =	stream.strided.gather [hbm4b:s1+s2], $0x800, s3, s2, $0x38;
	[tilespmem:$0x1D080] =	vst v63  }
0x1e: {  	_ =	swait.ge [sflag:s8], $0x800  }
0x1f: {  	[sflag:s8] =	ssyncset.done $0x0  }
0x20: {  	[sflag:s8] =	ssyncadd.s32 $0xFFFFF800  }
0x21: {  	s31 =	simm.s32 $0x800;
	s30 =	rddreg [dreg:$0x2]  }
0x22: {  	[tilespmem:s31], [sflag:$0x8] =	stream.linear.gather [hbm4b:s30+s6], $0x80, $0x38;
	[tilespmem:$0x1D080] =	vst v63  }
0x23: {  	_ =	swait.ge [sflag:s8], $0x80  }
0x24: {  	[sflag:s8] =	ssyncset.done $0x0  }
0x25: {  	[sflag:s8] =	ssyncadd.s32 $0xFFFFFF80  }
0x26: {  	s1 =	simm.s32 $0x0;
	v8 =	vld [tilespmem:$0x800]  }
.LBB2_2:
0x27: {  	p0 =	seq.s32 s1, $0x3FC0  }
.Ltmp2:
0x28: {  	_ = 	snop;
	(pc) =	sbr.rel @!p0 .LBB2_2-.Ltmp2, $3  }
0x29: {  	_ =	sdelay $0x1  }
0x2a: {  	s2 =	sshra.s32 s1, $0x2  }
0x2b: {  	s1 =	sadd.s32 $0x40, s1;
	[tilespmem:s2+$0x880] =	vst v2  }
0x2c: {  	s1 =	simm.s32 $0x0  }
0x2d: {  	s2 =	sand.u32 $0x1800, s1;
	s1 =	sand.u32 $0x380, s1  }
0x2e: {  	s2 =	sor.u32 s1, s2  }
0x2f: {  	s1 =	sadd.s32 $0x1B080, s2;
	[tilespmem:s2+$0x1B080] =	vst v4  }
0x30: {  	[tilespmem:s1+$0x10] =	vst v4  }
0x31: {  	[tilespmem:s1+$0x20] =	vst v4  }
0x32: {  	[tilespmem:s1+$0x30] =	vst v4  }
0x33: {  	[tilespmem:s1+$0x40] =	vst v4  }
0x34: {  	[tilespmem:s1+$0x50] =	vst v4  }
0x35: {  	[tilespmem:s1+$0x60] =	vst v4  }
0x36: {  	[tilespmem:s1+$0x70] =	vst v4  }
0x37: {  	[tilespmem:s1+$0x400] =	vst v4  }
0x38: {  	[tilespmem:s1+$0x410] =	vst v4  }
0x39: {  	[tilespmem:s1+$0x420] =	vst v4  }
0x3a: {  	[tilespmem:s1+$0x430] =	vst v4  }
0x3b: {  	[tilespmem:s1+$0x440] =	vst v4  }
0x3c: {  	s7 =	simm.s32 $0x100;
	s2 =	simm.s32 $0x80;
	[tilespmem:s1+$0x450] =	vst v4  }
0x3d: {  	s8 =	sand.u32 $0x1800, s7;
	s7 =	simm.s32 $0x200;
	s15 =	sand.u32 $0x380, s2;
	[tilespmem:s1+$0x460] =	vst v4  }
.LBB2_4:
0x3e: {  	p0 =	seq.s32 s7, $0x1F00;
	s8 =	sor.u32 s15, s8;
	[tilespmem:s1+$0x470] =	vst v4  }
0x3f: {  	s1 =	sadd.s32 $0x1B080, s8;
	[tilespmem:s8+$0x1B080] =	vst v4  }
0x40: {  	[tilespmem:s1+$0x10] =	vst v4  }
0x41: {  	[tilespmem:s1+$0x20] =	vst v4  }
0x42: {  	[tilespmem:s1+$0x30] =	vst v4  }
0x43: {  	[tilespmem:s1+$0x40] =	vst v4  }
0x44: {  	[tilespmem:s1+$0x50] =	vst v4  }
0x45: {  	[tilespmem:s1+$0x60] =	vst v4  }
0x46: {  	[tilespmem:s1+$0x70] =	vst v4  }
0x47: {  	[tilespmem:s1+$0x400] =	vst v4  }
0x48: {  	[tilespmem:s1+$0x410] =	vst v4  }
.Ltmp3:
0x49: {  	[tilespmem:s1+$0x420] =	vst v4;
	(pc) =	sbr.rel @!p0 .LBB2_4-.Ltmp3, $4  }
0x4a: {  	[tilespmem:s1+$0x430] =	vst v4  }
0x4b: {  	[tilespmem:s1+$0x440] =	vst v4  }
0x4c: {  	s2 =	sadd.s32 $0x80, s2;
	[tilespmem:s1+$0x450] =	vst v4  }
0x4d: {  	s8 =	sand.u32 $0x1800, s7;
	s15 =	sand.u32 $0x380, s2;
	s7 =	sadd.s32 $0x100, s7;
	[tilespmem:s1+$0x460] =	vst v4  }
0x4e: {  	s2 =	sor.u32 s15, s8;
	[tilespmem:s1+$0x470] =	vst v4  }
0x4f: {  	s30 =	sadd.s32 $0x1B080, s2;
	[tilespmem:s2+$0x1B080] =	vst v4  }
0x50: {  	[tilespmem:s30+$0x10] =	vst v4  }
0x51: {  	[tilespmem:s30+$0x20] =	vst v4  }
0x52: {  	v8 =	vxor.u32 $0x80000000, v8;
	[tilespmem:s30+$0x30] =	vst v4  }
0x53: {  	(xrf0) =	vmax.scan.msk.u32 $0xffff, v8;
	[tilespmem:s30+$0x40] =	vst v4  }
0x54: {  	[tilespmem:s30+$0x50] =	vst v4  }
0x55: {  	[tilespmem:s30+$0x60] =	vst v4  }
0x56: {  	[tilespmem:s30+$0x70] =	vst v4  }
0x57: {  	[tilespmem:s30+$0x400] =	vst v4  }
0x58: {  	[tilespmem:s30+$0x410] =	vst v4  }
0x59: {  	[tilespmem:s30+$0x420] =	vst v4;
	v8, _, _ =	vpop (xrf0)  }
0x5a: {  	[tilespmem:s30+$0x430] =	vst v4;
	(v2sf) =	vpush v8, $0xF  }
0x5b: {  	[tilespmem:s30+$0x440] =	vst v4  }
0x5c: {  	[tilespmem:s30+$0x450] =	vst v4  }
0x5d: {  	[tilespmem:s30+$0x460] =	vst v4  }
0x5e: {  	s17 =	simm.s32 $0x0;
	[tilespmem:s30+$0x470] =	vst v4  }
0x5f: {  	v9 =	vld [tilespmem:s17+$0x0];
	_ =	sdelay $0x4  }
0x60: {  	(xrf0) =	vadd.scan.msk.s32 $0xffff, v9;
	_ =	sdelay $0x4  }
0x61: {  	s31 =	spop (v2sf)  }
0x62: {  	v10, _, _ =	vpop (xrf0);
	s1 =	sxor.u32 $0x80000000, s31  }
0x63: {  	s8 =	simm.s32 $0x20;
	s18 =	simm.s32 $0x0;
	s2 =	simm.s32 $0x10;
	v10 =	vadd.s32 s17, v10;
	v8 =	vmov s1  }
.LBB2_6:
0x64: {  	p0 =	sne.s32 s8, $0x7F0;
	v9 =	vsub.s32 v10, v9;
	v11 =	vxor.u32 $0x80000000, v10  }
0x65: {  	vm1 =	vlt.s32 v10, v8;
	vm2 =	vlt.s32 v9, v8;
	(xrf0) =	vmax.scan.msk.u32 $0xffff, v11  }
0x66: {  	v10 =	vsel vm1, v10, v8;
	v11 =	vsel vm2, v9, v8  }
0x67: {  	vm1 =	vlt.s32 v9, v10;
	vm2 =	vlt.s32 v11, $0x1000  }
0x68: {  	vm1 =	vmand vm1, vm2;
	vm2 =	vlt.s32 v11, $0xFFF  }
0x69: {  	v9 =	vnsel vm2, $0xFFF, v11;
	_ =	sdelay $0x1  }
0x6a: {  	v10, _, _ =	vpop (xrf0)  }
0x6b: {  	(v2sf) =	vpush v10, $0xF  }
0x6c: {  	v10 =	vor.u32 s17, v3;
	s17 =	smov.u32 s2;
	s2 =	smov.u32 s8  }
0x6d: {  	[tilespmem:v9+s23+$0x0] =	vst.idx.msk vm1, v10;
	_ =	sdelay $0x1  }
0x6e: {  	s18 =	sadd.s32 $0x10, s18  }
0x6f: {  	v9 =	vld [tilespmem:s18+$0x0];
	_ =	sdelay $0x4  }
0x70: {  	(xrf0) =	vadd.scan.msk.s32 $0xffff, v9;
	_ =	sdelay $0x2  }
.Ltmp4:
0x71: {  	(pc) =	sbr.rel @p0 .LBB2_6-.Ltmp4, $4  }
0x72: {  	_ = 	snop  }
0x73: {  	s7 =	spop (v2sf)  }
0x74: {  	v10, _, _ =	vpop (xrf0);
	s7 =	sxor.u32 $0x80000000, s7  }
0x75: {  	s8 =	sadd.s32 $0x10, s8;
	v10 =	vadd.s32 s7, v10  }
0x76: {  	v11 =	vxor.u32 $0x80000000, v10  }
0x77: {  	(xrf0) =	vmax.scan.msk.u32 $0xffff, v11  }
0x78: {  	v9 =	vsub.s32 v10, v9  }
0x79: {  	vm1 =	vlt.s32 v10, v8;
	vm2 =	vlt.s32 v9, v8  }
0x7a: {  	v10 =	vsel vm1, v10, v8;
	v57 =	vsel vm2, v9, v8  }
0x7b: {  	vm1 =	vlt.s32 v9, v10;
	vm2 =	vlt.s32 v57, $0x1000  }
0x7c: {  	vm1 =	vmand vm1, vm2;
	vm2 =	vlt.s32 v57, $0xFFF  }
0x7d: {  	v58 =	vnsel vm2, $0xFFF, v57;
	v59, _, _ =	vpop (xrf0)  }
0x7e: {  	(v2sf) =	vpush v59, $0xF;
	_ =	sdelay $0x2  }
0x7f: {  	v60 =	vor.u32 s17, v3  }
0x80: {  	s7 =	sadd.s32 $0x10, s18;
	[tilespmem:v58+s23+$0x0] =	vst.idx.msk vm1, v60  }
0x81: {  	v9 =	vld [tilespmem:s7+$0x0];
	_ =	sdelay $0x4  }
0x82: {  	(xrf0) =	vadd.scan.msk.s32 $0xffff, v9;
	_ =	sdelay $0x4  }
0x83: {  	s19 =	spop (v2sf)  }
0x84: {  	v61, _, _ =	vpop (xrf0);
	s7 =	sxor.u32 $0x80000000, s19  }
0x85: {  	v10 =	vadd.s32 s7, v61  }
0x86: {  	v62 =	vxor.u32 $0x80000000, v10  }
0x87: {  	(xrf0) =	vmax.scan.msk.u32 $0xffff, v62;
	_ =	sdelay $0x5  }
0x88: {  	v11, _, _ =	vpop (xrf0)  }
0x89: {  	(v2sf) =	vpush v11, $0xF;
	_ =	sdelay $0xe  }
0x8a: {  	s20 =	spop (v2sf)  }
0x8b: {  	s7 =	sxor.u32 $0x80000000, s20  }
0x8c: {  	p0 =	slt.s32 s7, s1  }
0x8d: {  	s1 =	smov.u32 @p0 s7  }
0x8e: {  	s7 =	sadd.s32 $0x7F, s1  }
0x8f: {  	s8 =	sand.u32 $0x7F, s7  }
0x90: {  	s15 =	sshra.s32 s7, $0x1F;
	p4 =	slt.s32 s7, $0x1;
	p1 =	sne.s32 s8, $0x0  }
0x91: {  	s21 =	sshrl.u32 s15, $0x19;
	p0 =	por !p4, !p1  }
0x92: {  	s8 =	simm.s32 $0x1;
	s7 =	sadd.s32 s21, s7;
	p0 =	por !p0, !p0  }
0x93: {  	s7 =	sshra.s32 s7, $0x7;
	s8 =	simm.s32 @!p0 $0x0  }
0x94: {  	s7 =	ssub.s32 s7, s8  }
0x95: {  	s3 =	rddreg [dreg:$0x6];
	s7 =	sadd.s32 $0x1, s7  }
0x96: {  	s22 =	ssub.s32 s7, s3;
	p0 =	sne.s32 s7, s3;
	s7 =	simm.s32 $0x1  }
0x97: {  	s25 =	sshra.s32 s22, $0x1F;
	s7 =	simm.s32 @!p0 $0x0  }
0x98: {  	s30 =	sand.u32 $0x1, s22;
	s7 =	sor.u32 s7, s25  }
0x99: {  	p6 =	seq.s32 s30, $0x1;
	p5 =	sne.s32 s7, $0x1  }
0x9a: {  	v9 =	vsub.s32 v10, v9;
	s31 =	sshrl.u32 s22, $0x1F;
	p0 =	por !p5, !p6  }
0x9b: {  	vm1 =	vlt.s32 v10, v8;
	vm2 =	vlt.s32 v9, v8;
	s8 =	simm.s32 $0x1;
	s7 =	sadd.s32 s31, s22;
	p0 =	por !p0, !p0  }
0x9c: {  	v10 =	vsel vm1, v10, v8;
	v8 =	vsel vm2, v9, v8;
	s7 =	sshra.s32 s7, $0x1;
	s8 =	simm.s32 @!p0 $0x0  }
0x9d: {  	vm1 =	vlt.s32 v9, v10;
	vm2 =	vlt.s32 v8, $0x1000;
	s29 =	ssub.s32 s7, s8  }
0x9e: {  	vm1 =	vmand vm1, vm2;
	vm2 =	vlt.s32 v8, $0xFFF;
	p0 =	sgt.s32 s29, $0x0;
	s7 =	smov.u32 s29  }
0x9f: {  	v8 =	vnsel vm2, $0xFFF, v8;
	s7 =	simm.s32 @!p0 $0x0;
	p0 =	sgt.s32 s29, $0xF  }
.Ltmp5:
0xa0: {  	_ = 	snop;
	(pc) =	sbr.rel @p0 .LBB2_11-.Ltmp5, $3  }
0xa1: {  	_ =	sdelay $0x1  }
0xa2: {  	v63 =	vor.u32 s2, v3  }
0xa3: {  	[tilespmem:v8+s23+$0x0] =	vst.idx.msk vm1, v63;
	s28 =	smin.u32 s7, $0x10  }
0xa4: {  	s2 =	sshll.u32 s28, $0xD;
	s3 =	rddreg [dreg:$0xb];
	s25 =	smax.u32 s28, $0xF  }
0xa5: {  	s7 =	sadd.s32 s2, s3;
	s2 =	ssub.s32 s25, s28  }
0xa6: {  	s8 =	sadd.s32 s7, s5;
	s2 =	sadd.s32 $0x1, s2  }
0xa7: {  	[hbm4b:s8+s6] =	stream.linear.scatter [tilespmem:s24], [sflag:$0x7], $0x2000, $0x38;
	[tilespmem:$0x1D080] =	vst v63  }
0xa8: {  	p0 =	sne.s32 s2, $0x1  }
.Ltmp6:
0xa9: {  	s15 =	sand.u32 $0x1FFFF000, s7;
	(pc) =	sbr.rel @!p0 .LBB2_10-.Ltmp6, $4  }
0xaa: {  	s7 =	sadd.s32 $0x2000, s7;
	s30 =	sadd.s32 s15, s9  }
0xab: {  	[hbm4b:s30+s6] =	stream.linear.scatter [tilespmem:s24], [sflag:$0x7], $0x2000, $0x38;
	[tilespmem:$0x1D080] =	vst v63  }
0xac: {  	s31 =	sadd.s32 s15, s10;
	s2 =	sadd.s32 $0xFFFFFFFF, s2;
	s8 =	sadd.s32 s15, s12  }
0xad: {  	[hbm4b:s31+s6] =	stream.linear.scatter [tilespmem:s24], [sflag:$0x7], $0x2000, $0x38;
	[tilespmem:$0x1D080] =	vst v63  }
.LBB2_9:
0xae: {  	[hbm4b:s8+s6] =	stream.linear.scatter [tilespmem:s24], [sflag:$0x7], $0x2000, $0x38;
	[tilespmem:$0x1D080] =	vst v63  }
0xaf: {  	s8 =	sadd.s32 s7, s5;
	s15 =	sand.u32 $0x1FFFF000, s7;
	p0 =	sne.s32 s2, $0x1  }
0xb0: {  	[hbm4b:s8+s6] =	stream.linear.scatter [tilespmem:s24], [sflag:$0x7], $0x2000, $0x38;
	[tilespmem:$0x1D080] =	vst v63  }
.Ltmp7:
0xb1: {  	s2 =	sadd.s32 $0xFFFFFFFF, s2;
	s8 =	sadd.s32 s15, s9;
	(pc) =	sbr.rel @p0 .LBB2_9-.Ltmp7, $4  }
0xb2: {  	[hbm4b:s8+s6] =	stream.linear.scatter [tilespmem:s24], [sflag:$0x7], $0x2000, $0x38;
	[tilespmem:$0x1D080] =	vst v63  }
0xb3: {  	s8 =	sadd.s32 s15, s10  }
0xb4: {  	[hbm4b:s8+s6] =	stream.linear.scatter [tilespmem:s24], [sflag:$0x7], $0x2000, $0x38;
	[tilespmem:$0x1D080] =	vst v63  }
0xb5: {  	s7 =	sadd.s32 $0x2000, s7;
	s8 =	sadd.s32 s15, s12  }
.LBB2_10:
0xb6: {  	[hbm4b:s8+s6] =	stream.linear.scatter [tilespmem:s24], [sflag:$0x7], $0x2000, $0x38;
	[tilespmem:$0x1D080] =	vst v63  }
.LBB2_11:
0xb7: {  	s30 =	sadd.s32 $0xFFFFFFFF, s28  }
0xb8: {  	p0 =	slt.s32 s30, $0x1;
	s2 =	smov.u32 s30  }
0xb9: {  	s2 =	simm.s32 @!p0 $0x1  }
0xba: {  	s2 =	sshll.u32 s2, $0x4  }
0xbb: {  	s25 =	sadd.s32 s2, s13  }
0xbc: {  	p0 =	slt.s32 s25, $0x100  }
0xbd: {  	s25 =	simm.s32 @!p0 $0x100  }
0xbe: {  	p0 =	slt.s32 s29, $0x1;
	s7 =	smov.u32 s25  }
0xbf: {  	s7 =	simm.s32 @p0 $0x0  }
0xc0: {  	p1 =	slt.s32 s7, $0x1  }
.Ltmp8:
0xc1: {  	_ = 	snop;
	(pc) =	sbr.rel @p1 .LBB2_20-.Ltmp8, $2  }
0xc2: {  	_ =	sdelay $0x2  }
0xc3: {  	s31 =	simm.s32 $0x0  }
0xc4: {  	p3 =	sne.s32 s7, $0x1  }
.Ltmp9:
0xc5: {  	_ = 	snop;
	(pc) =	sbr.rel @!p3 .LBB2_13-.Ltmp9, $3  }
0xc6: {  	_ =	sdelay $0x1  }
0xc7: {  	s19 =	simm.s32 $0x880;
	s2 =	simm.s32 $0x1880  }
0xc8: {  	s7 =	sadd.s32 $0xFFFFFFFF, s7;
	p1 =	por $0x0, $0x0;
	p2 =	por $0x0, $0x0  }
0xc9: {  	p3 =	sne.s32 s7, $0x1  }
.Ltmp10:
0xca: {  	_ = 	snop;
	(pc) =	sbr.rel @!p3 .LBB2_15-.Ltmp10, $2  }
0xcb: {  	_ =	sdelay $0x2  }
0xcc: {  	v8 =	vld [tilespmem:s19+$0x0];
	s7 =	sadd.s32 $0xFFFFFFFF, s7;
	p1 =	por $0x1, $0x1  }
0xcd: {  	_ =	sdelay $0x3  }
0xce: {  	v8 =	vxor.u32 $0x80000000, v8  }
0xcf: {  	(xrf0) =	vmax.scan.msk.u32 $0xffff, v8;
	_ =	sdelay $0x5  }
0xd0: {  	v8, _, _ =	vpop (xrf0)  }
0xd1: {  	v8 =	vxor.u32 $0x80000000, v8  }
0xd2: {  	vm1 =	vgt.s32 v8, s31  }
0xd3: {  	v8 =	vnsel vm1, s31, v8  }
0xd4: {  	v9 =	vxor.u32 $0x80000000, v8  }
0xd5: {  	(xrf0) =	vmax.scan.msk.u32 $0xffff, v9;
	_ =	sdelay $0x2  }
0xd6: {  	v8 =	vadd.s32 v0, v8;
	_ =	sdelay $0x2  }
0xd7: {  	[tilespmem:s2+$0x0] =	vst v8;
	v8, _, _ =	vpop (xrf0)  }
0xd8: {  	(v2sf) =	vpush v8, $0xF;
	_ =	sdelay $0x1  }
0xd9: {  	p3 =	sne.s32 s7, $0x1;
	s17 =	simm.s32 $0x890  }
.Ltmp11:
0xda: {  	v8 =	vld [tilespmem:s17+$0x0];
	(pc) =	sbr.rel @!p3 .LBB2_17-.Ltmp11, $2  }
0xdb: {  	_ =	sdelay $0x2  }
0xdc: {  	s8 =	sadd.s32 $0xFFFFFFFF, s7;
	p2 =	por $0x1, $0x1;
	s18 =	simm.s32 $0x1880  }
.LBB2_18:
0xdd: {  	p3 =	sne.s32 s8, $0x1;
	v8 =	vxor.u32 $0x80000000, v8  }
0xde: {  	(xrf0) =	vmax.scan.msk.u32 $0xffff, v8;
	_ =	sdelay $0x5  }
0xdf: {  	v8, _, _ =	vpop (xrf0);
	s7 =	spop (v2sf)  }
0xe0: {  	v8 =	vxor.u32 $0x80000000, v8;
	s7 =	sxor.u32 $0x80000000, s7  }
0xe1: {  	vm1 =	vgt.s32 v8, s7  }
0xe2: {  	v8 =	vnsel vm1, s7, v8  }
0xe3: {  	s18 =	sadd.s32 $0x10, s18;
	v9 =	vadd.s32 v0, v8;
	v8 =	vxor.u32 $0x80000000, v8  }
0xe4: {  	[tilespmem:s18+$0x0] =	vst v9;
	(xrf0) =	vmax.scan.msk.u32 $0xffff, v8;
	_ =	sdelay $0x5  }
0xe5: {  	v8, _, _ =	vpop (xrf0)  }
0xe6: {  	(v2sf) =	vpush v8, $0xF;
	_ =	sdelay $0x1  }
0xe7: {  	s17 =	sadd.s32 $0x10, s17  }
.Ltmp12:
0xe8: {  	v8 =	vld [tilespmem:s17+$0x0];
	(pc) =	sbr.rel @p3 .LBB2_18-.Ltmp12, $2  }
0xe9: {  	_ =	sdelay $0x2  }
0xea: {  	s8 =	sadd.s32 $0xFFFFFFFF, s8  }
.LBB2_19:
0xeb: {  	_ = 	snop  }
0xec: {  	v8 =	vxor.u32 @p1 $0x80000000, v8  }
0xed: {  	(xrf0) =	vmax.scan.msk.u32 @p1 $0xffff, v8;
	_ =	sdelay $0x4  }
0xee: {  	s7 =	spop @p2 (v2sf)  }
0xef: {  	s8 =	simm.s32 $0x0;
	v8, _, _ =	vpop @p1 (xrf0);
	s7 =	sxor.u32 @p2 $0x80000000, s7  }
0xf0: {  	v8 =	vxor.u32 @p1 $0x80000000, v8;
	s8 =	smov.u32 @p2 s7  }
0xf1: {  	vm1 =	vgt.s32 @p1 v8, s8  }
0xf2: {  	v8 =	vnsel @p1 vm1, s8, v8  }
0xf3: {  	v9 =	vxor.u32 @p1 $0x80000000, v8  }
0xf4: {  	(xrf0) =	vmax.scan.msk.u32 @p1 $0xffff, v9;
	_ =	sdelay $0x5  }
0xf5: {  	v9, _, _ =	vpop @p1 (xrf0)  }
0xf6: {  	(v2sf) =	vpush @p1 v9, $0xF  }
0xf7: {  	s7 =	sadd.s32 @p2 $0x10, s18;
	s8 =	simm.s32 $0x1880  }
0xf8: {  	v8 =	vadd.s32 @p1 v0, v8;
	s8 =	smov.u32 @p2 s7;
	s7 =	sadd.s32 @p1 $0x10, s17  }
0xf9: {  	[tilespmem:s8+$0x0] =	vst @p1 v8;
	s19 =	smov.u32 @p1 s7  }
0xfa: {  	v8 =	vld [tilespmem:s19+$0x0];
	_ =	sdelay $0x4  }
0xfb: {  	v8 =	vxor.u32 $0x80000000, v8  }
0xfc: {  	(xrf0) =	vmax.scan.msk.u32 $0xffff, v8;
	_ =	sdelay $0x4  }
0xfd: {  	s7 =	spop @p1 (v2sf)  }
0xfe: {  	v8, _, _ =	vpop (xrf0);
	s7 =	sxor.u32 @p1 $0x80000000, s7  }
0xff: {  	v8 =	vxor.u32 $0x80000000, v8;
	s31 =	smov.u32 @p1 s7  }
0x100: {  	vm1 =	vgt.s32 v8, s31  }
0x101: {  	v8 =	vnsel vm1, s31, v8  }
0x102: {  	v63 =	vxor.u32 $0x80000000, v8  }
0x103: {  	(xrf0) =	vmax.scan.msk.u32 $0xffff, v63;
	_ =	sdelay $0x5  }
0x104: {  	v9, _, _ =	vpop (xrf0)  }
0x105: {  	(v2sf) =	vpush v9, $0xF;
	_ =	sdelay $0xd  }
0x106: {  	s7 =	sadd.s32 @p1 $0x10, s8  }
0x107: {  	s2 =	smov.u32 @p1 s7;
	v8 =	vadd.s32 v0, v8;
	s22 =	spop (v2sf)  }
0x108: {  	[tilespmem:s2+$0x0] =	vst v8;
	s31 =	sxor.u32 $0x80000000, s22  }
.LBB2_20:
.Ltmp13:
0x109: {  	(pc) =	sbr.rel @p0 .LBB2_39-.Ltmp13, $1  }
0x10a: {  	_ =	sdelay $0x3  }
0x10b: {  	v8 =	vld [tilespmem:s11+$0x1880];
	_ =	sdelay $0x4  }
0x10c: {  	v9 =	vshll.u32 v8, $0x1  }
0x10d: {  	v8 =	vand.u32 $0x7, v8;
	v9 =	vand.u32 $0xFFFFFFF0, v9  }
0x10e: {  	v8 =	vor.u32 v8, v9  }
0x10f: {  	v9 =	vperm.xlane v8, v5;
	_ =	sdelay $0x1  }
0x110: {  	v8 =	vperm.xlane v8, v7;
	v9 =	vadd.s32 v6, v9;
	_ =	sdelay $0x1  }
0x111: {  	v8 =	vadd.s32 v6, v8;
	_ =	sdelay $0x1  }
0x112: {  	s19 =	simm.s32 $0x0;
	s2 =	simm.s32 $0x3080  }
0x113: {  	[tilespmem:s2], [sflag:$0x1] =	stream.indirect_vreg.gather [hbm4b:s0+s19], $0x80, v9, vm0, $0xb8;
	[tilespmem:$0x1D080] =	vst v63  }
0x114: {  	s16 =	simm.s32 $0x3880  }
0x115: {  	[tilespmem:s16], [sflag:$0x1] =	stream.indirect_vreg.gather [hbm4b:s0+s19], $0x80, v8, vm0, $0xb8;
	[tilespmem:$0x1D080] =	vst v63  }
0x116: {  	v8 =	vld [tilespmem:s11+$0x1890];
	_ =	sdelay $0x4  }
0x117: {  	v57 =	vshll.u32 v8, $0x1  }
0x118: {  	v8 =	vand.u32 $0x7, v8;
	v9 =	vand.u32 $0xFFFFFFF0, v57  }
0x119: {  	v8 =	vor.u32 v8, v9  }
0x11a: {  	v9 =	vperm.xlane v8, v5;
	_ =	sdelay $0x1  }
0x11b: {  	v8 =	vperm.xlane v8, v7;
	v9 =	vadd.s32 v6, v9;
	_ =	sdelay $0x1  }
0x11c: {  	v8 =	vadd.s32 v6, v8;
	_ =	sdelay $0x1  }
0x11d: {  	s17 =	simm.s32 $0x4080  }
0x11e: {  	[tilespmem:s17], [sflag:$0x1] =	stream.indirect_vreg.gather [hbm4b:s0+s19], $0x80, v9, vm0, $0xb8;
	[tilespmem:$0x1D080] =	vst v63  }
0x11f: {  	s18 =	simm.s32 $0x4880  }
0x120: {  	[tilespmem:s18], [sflag:$0x1] =	stream.indirect_vreg.gather [hbm4b:s0+s19], $0x80, v8, vm0, $0xb8;
	[tilespmem:$0x1D080] =	vst v63  }
0x121: {  	v8 =	vld [tilespmem:s11+$0x18A0];
	_ =	sdelay $0x4  }
0x122: {  	v58 =	vshll.u32 v8, $0x1  }
0x123: {  	v8 =	vand.u32 $0x7, v8;
	v9 =	vand.u32 $0xFFFFFFF0, v58  }
0x124: {  	v8 =	vor.u32 v8, v9  }
0x125: {  	v9 =	vperm.xlane v8, v5;
	_ =	sdelay $0x1  }
0x126: {  	v8 =	vperm.xlane v8, v7;
	v9 =	vadd.s32 v6, v9;
	_ =	sdelay $0x1  }
0x127: {  	v8 =	vadd.s32 v6, v8;
	_ =	sdelay $0x1  }
0x128: {  	s20 =	simm.s32 $0x5080  }
0x129: {  	[tilespmem:s20], [sflag:$0x1] =	stream.indirect_vreg.gather [hbm4b:s0+s19], $0x80, v9, vm0, $0xb8;
	[tilespmem:$0x1D080] =	vst v63  }
0x12a: {  	s21 =	simm.s32 $0x5880  }
0x12b: {  	[tilespmem:s21], [sflag:$0x1] =	stream.indirect_vreg.gather [hbm4b:s0+s19], $0x80, v8, vm0, $0xb8;
	[tilespmem:$0x1D080] =	vst v63  }
0x12c: {  	v8 =	vld [tilespmem:s11+$0x18B0];
	_ =	sdelay $0x4  }
0x12d: {  	v59 =	vshll.u32 v8, $0x1  }
0x12e: {  	v8 =	vand.u32 $0x7, v8;
	v9 =	vand.u32 $0xFFFFFFF0, v59  }
0x12f: {  	v8 =	vor.u32 v8, v9  }
0x130: {  	v9 =	vperm.xlane v8, v5;
	_ =	sdelay $0x1  }
0x131: {  	v8 =	vperm.xlane v8, v7;
	v9 =	vadd.s32 v6, v9;
	_ =	sdelay $0x1  }
0x132: {  	v8 =	vadd.s32 v6, v8;
	_ =	sdelay $0x1  }
0x133: {  	s22 =	simm.s32 $0x6080  }
0x134: {  	[tilespmem:s22], [sflag:$0x1] =	stream.indirect_vreg.gather [hbm4b:s0+s19], $0x80, v9, vm0, $0xb8;
	[tilespmem:$0x1D080] =	vst v63  }
0x135: {  	s3 =	simm.s32 $0x6880  }
0x136: {  	[tilespmem:s3], [sflag:$0x1] =	stream.indirect_vreg.gather [hbm4b:s0+s19], $0x80, v8, vm0, $0xb8;
	[tilespmem:$0x1D080] =	vst v63  }
0x137: {  	v8 =	vld [tilespmem:s11+$0x18C0];
	_ =	sdelay $0x4  }
0x138: {  	v60 =	vshll.u32 v8, $0x1  }
0x139: {  	v8 =	vand.u32 $0x7, v8;
	v9 =	vand.u32 $0xFFFFFFF0, v60  }
0x13a: {  	v8 =	vor.u32 v8, v9  }
0x13b: {  	v9 =	vperm.xlane v8, v5;
	_ =	sdelay $0x1  }
0x13c: {  	v8 =	vperm.xlane v8, v7;
	v9 =	vadd.s32 v6, v9;
	_ =	sdelay $0x1  }
0x13d: {  	v8 =	vadd.s32 v6, v8;
	_ =	sdelay $0x1  }
0x13e: {  	s7 =	simm.s32 $0x7080  }
0x13f: {  	[tilespmem:s7], [sflag:$0x1] =	stream.indirect_vreg.gather [hbm4b:s0+s19], $0x80, v9, vm0, $0xb8;
	[tilespmem:$0x1D080] =	vst v63  }
0x140: {  	s8 =	simm.s32 $0x7880  }
0x141: {  	[tilespmem:s8], [sflag:$0x1] =	stream.indirect_vreg.gather [hbm4b:s0+s19], $0x80, v8, vm0, $0xb8;
	[tilespmem:$0x1D080] =	vst v63  }
0x142: {  	v8 =	vld [tilespmem:s11+$0x18D0];
	_ =	sdelay $0x4  }
0x143: {  	v61 =	vshll.u32 v8, $0x1  }
0x144: {  	v8 =	vand.u32 $0x7, v8;
	v9 =	vand.u32 $0xFFFFFFF0, v61  }
0x145: {  	v8 =	vor.u32 v8, v9  }
0x146: {  	v9 =	vperm.xlane v8, v5;
	_ =	sdelay $0x1  }
0x147: {  	v8 =	vperm.xlane v8, v7;
	v9 =	vadd.s32 v6, v9;
	_ =	sdelay $0x1  }
0x148: {  	v8 =	vadd.s32 v6, v8;
	_ =	sdelay $0x1  }
0x149: {  	s15 =	simm.s32 $0x8080  }
0x14a: {  	[tilespmem:s15], [sflag:$0x1] =	stream.indirect_vreg.gather [hbm4b:s0+s19], $0x80, v9, vm0, $0xb8;
	[tilespmem:$0x1D080] =	vst v63  }
0x14b: {  	s16 =	simm.s32 $0x8880  }
0x14c: {  	[tilespmem:s16], [sflag:$0x1] =	stream.indirect_vreg.gather [hbm4b:s0+s19], $0x80, v8, vm0, $0xb8;
	[tilespmem:$0x1D080] =	vst v63  }
0x14d: {  	v8 =	vld [tilespmem:s11+$0x18E0];
	_ =	sdelay $0x4  }
0x14e: {  	v62 =	vshll.u32 v8, $0x1  }
0x14f: {  	v8 =	vand.u32 $0x7, v8;
	v9 =	vand.u32 $0xFFFFFFF0, v62  }
0x150: {  	v8 =	vor.u32 v8, v9  }
0x151: {  	v9 =	vperm.xlane v8, v5;
	_ =	sdelay $0x1  }
0x152: {  	v8 =	vperm.xlane v8, v7;
	v9 =	vadd.s32 v6, v9;
	_ =	sdelay $0x1  }
0x153: {  	v8 =	vadd.s32 v6, v8;
	_ =	sdelay $0x1  }
0x154: {  	s17 =	simm.s32 $0x9080  }
0x155: {  	[tilespmem:s17], [sflag:$0x1] =	stream.indirect_vreg.gather [hbm4b:s0+s19], $0x80, v9, vm0, $0xb8;
	[tilespmem:$0x1D080] =	vst v63  }
0x156: {  	s18 =	simm.s32 $0x9880  }
0x157: {  	[tilespmem:s18], [sflag:$0x1] =	stream.indirect_vreg.gather [hbm4b:s0+s19], $0x80, v8, vm0, $0xb8;
	[tilespmem:$0x1D080] =	vst v63  }
0x158: {  	v8 =	vld [tilespmem:s11+$0x18F0];
	_ =	sdelay $0x4  }
0x159: {  	v63 =	vshll.u32 v8, $0x1  }
0x15a: {  	v8 =	vand.u32 $0x7, v8;
	v9 =	vand.u32 $0xFFFFFFF0, v63  }
0x15b: {  	v8 =	vor.u32 v8, v9  }
0x15c: {  	v9 =	vperm.xlane v8, v5;
	_ =	sdelay $0x1  }
0x15d: {  	v8 =	vperm.xlane v8, v7;
	v9 =	vadd.s32 v6, v9;
	_ =	sdelay $0x1  }
0x15e: {  	v8 =	vadd.s32 v6, v8  }
.Ltmp14:
0x15f: {  	_ = 	snop;
	(pc) =	sbr.rel .LBB2_22-.Ltmp14, $4  }
0x160: {  	s20 =	simm.s32 $0xA080;
	s22 =	rddreg [dreg:$0xc]  }
0x161: {  	[tilespmem:s20], [sflag:$0x1] =	stream.indirect_vreg.gather [hbm4b:s0+s19], $0x80, v9, vm0, $0xb8;
	[tilespmem:$0x1D080] =	vst v63  }
0x162: {  	s21 =	simm.s32 $0xA880;
	s2 =	sadd.s32 s1, s22  }
0x163: {  	[tilespmem:s21], [sflag:$0x1] =	stream.indirect_vreg.gather [hbm4b:s0+s19], $0x80, v8, vm0, $0xb8;
	[tilespmem:$0x1D080] =	vst v63  }
.LBB2_34:
0x164: {  	s19 =	sshll.u32 s17, $0x11  }
.LBB2_38:
0x165: {  	p1 =	seq.s32 s22, s28  }
.Ltmp15:
0x166: {  	s3 =	sshll.u32 s18, $0x8;
	(pc) =	sbr.rel @p1 .LBB2_39-.Ltmp15, $4  }
0x167: {  	s7 =	sshrl.u32 s19, $0x2;
	s8 =	sadd.s32 $0x4, s17;
	s3 =	sadd.s32 s14, s3  }
0x168: {  	s2 =	sadd.s32 $0xFFFFFF00, s2;
	s25 =	smov.u32 s20;
	s3 =	sshrl.u32 s3, $0x3  }
0x169: {  	s19 =	smov.u32 s22;
	s7 =	sadd.s32 $0x3080, s7;
	s3 =	sadd.s32 s5, s3  }
0x16a: {  	[hbm4b:s3+s6] =	stream.linear.scatter [tilespmem:s7], [sflag:s8], $0x8000, $0x38;
	[tilespmem:$0x1D080] =	vst v63  }
.LBB2_22:
0x16b: {  	s22 =	sadd.s32 $0x1, s19  }
0x16c: {  	p1 =	sge.u32 s22, s28  }
.Ltmp16:
0x16d: {  	_ = 	snop;
	(pc) =	sbr.rel @p1 .LBB2_24-.Ltmp16, $1  }
0x16e: {  	_ =	sdelay $0x3  }
0x16f: {  	s7 =	smulhi.u32 $0xAAAAAAAB, s22;
	_ =	sdelay $0x1  }
0x170: {  	s7 =	sshrl.u32 s7, $0x1  }
0x171: {  	s7 =	smul.u32 $0x3, s7;
	_ =	sdelay $0x1  }
0x172: {  	p1 =	slt.u32 s19, $0x2;
	s7 =	ssub.s32 s22, s7  }
0x173: {  	s8 =	sadd.s32 @!p1 $0x4, s7  }
0x174: {  	_ =	swait.ge @!p1 [sflag:s8], $0x8000  }
0x175: {  	s15 =	sshll.u32 s22, $0x8;
	[sflag:s8] =	ssyncset.done @!p1 $0x0  }
0x176: {  	s20 =	sand.u32 $0x3FFFFF00, s15;
	[sflag:s8] =	ssyncadd.s32 @!p1 $0xFFFF8000  }
0x177: {  	v8 =	vld.idx.msk [tilespmem:v1+s20+$0x0 ss:$0x1], $0xffff;
	_ =	sdelay $0x4  }
0x178: {  	v9 =	vshll.u32 v8, $0x1  }
0x179: {  	v8 =	vand.u32 $0x7, v8;
	v9 =	vand.u32 $0xFFFFFFF0, v9  }
0x17a: {  	v8 =	vor.u32 v8, v9  }
0x17b: {  	v9 =	vperm.xlane v8, v5;
	_ =	sdelay $0x1  }
0x17c: {  	v8 =	vperm.xlane v8, v7;
	v9 =	vadd.s32 v6, v9;
	_ =	sdelay $0x1  }
0x17d: {  	s3 =	sshll.u32 s7, $0xF;
	v8 =	vadd.s32 v6, v8  }
0x17e: {  	s17 =	sand.u32 $0x3FFF8000, s3  }
0x17f: {  	s18 =	sadd.s32 $0x1, s7;
	s8 =	sor.u32 $0x3080, s17  }
0x180: {  	[tilespmem:s8], [sflag:s18] =	stream.indirect_vreg.gather [hbm4b:s0+s6], $0x80, v9, vm0, $0xb8;
	[tilespmem:$0x1D080] =	vst v63  }
0x181: {  	s8 =	sor.u32 $0x3880, s17  }
0x182: {  	[tilespmem:s8], [sflag:s18] =	stream.indirect_vreg.gather [hbm4b:s0+s6], $0x80, v8, vm0, $0xb8;
	[tilespmem:$0x1D080] =	vst v63  }
0x183: {  	v8 =	vld.idx.msk [tilespmem:v1+s20+$0x10 ss:$0x1], $0xffff;
	_ =	sdelay $0x4  }
0x184: {  	v57 =	vshll.u32 v8, $0x1  }
0x185: {  	v8 =	vand.u32 $0x7, v8;
	v9 =	vand.u32 $0xFFFFFFF0, v57  }
0x186: {  	v8 =	vor.u32 v8, v9  }
0x187: {  	v9 =	vperm.xlane v8, v5;
	_ =	sdelay $0x1  }
0x188: {  	v8 =	vperm.xlane v8, v7;
	v9 =	vadd.s32 v6, v9;
	_ =	sdelay $0x1  }
0x189: {  	v8 =	vadd.s32 v6, v8;
	_ =	sdelay $0x1  }
0x18a: {  	s15 =	sor.u32 $0x4080, s17  }
0x18b: {  	[tilespmem:s15], [sflag:s18] =	stream.indirect_vreg.gather [hbm4b:s0+s6], $0x80, v9, vm0, $0xb8;
	[tilespmem:$0x1D080] =	vst v63  }
0x18c: {  	s16 =	sor.u32 $0x4880, s17  }
0x18d: {  	[tilespmem:s16], [sflag:s18] =	stream.indirect_vreg.gather [hbm4b:s0+s6], $0x80, v8, vm0, $0xb8;
	[tilespmem:$0x1D080] =	vst v63  }
0x18e: {  	v8 =	vld.idx.msk [tilespmem:v1+s20+$0x20 ss:$0x1], $0xffff;
	_ =	sdelay $0x4  }
0x18f: {  	v58 =	vshll.u32 v8, $0x1  }
0x190: {  	v8 =	vand.u32 $0x7, v8;
	v9 =	vand.u32 $0xFFFFFFF0, v58  }
0x191: {  	v8 =	vor.u32 v8, v9  }
0x192: {  	v9 =	vperm.xlane v8, v5;
	_ =	sdelay $0x1  }
0x193: {  	v8 =	vperm.xlane v8, v7;
	v9 =	vadd.s32 v6, v9;
	_ =	sdelay $0x1  }
0x194: {  	v8 =	vadd.s32 v6, v8;
	_ =	sdelay $0x1  }
0x195: {  	s21 =	sor.u32 $0x5080, s17  }
0x196: {  	[tilespmem:s21], [sflag:s18] =	stream.indirect_vreg.gather [hbm4b:s0+s6], $0x80, v9, vm0, $0xb8;
	[tilespmem:$0x1D080] =	vst v63  }
0x197: {  	s3 =	sor.u32 $0x5880, s17  }
0x198: {  	[tilespmem:s3], [sflag:s18] =	stream.indirect_vreg.gather [hbm4b:s0+s6], $0x80, v8, vm0, $0xb8;
	[tilespmem:$0x1D080] =	vst v63  }
0x199: {  	v8 =	vld.idx.msk [tilespmem:v1+s20+$0x30 ss:$0x1], $0xffff;
	_ =	sdelay $0x4  }
0x19a: {  	v59 =	vshll.u32 v8, $0x1  }
0x19b: {  	v8 =	vand.u32 $0x7, v8;
	v9 =	vand.u32 $0xFFFFFFF0, v59  }
0x19c: {  	v8 =	vor.u32 v8, v9  }
0x19d: {  	v9 =	vperm.xlane v8, v5;
	_ =	sdelay $0x1  }
0x19e: {  	v8 =	vperm.xlane v8, v7;
	v9 =	vadd.s32 v6, v9;
	_ =	sdelay $0x1  }
0x19f: {  	v8 =	vadd.s32 v6, v8;
	_ =	sdelay $0x1  }
0x1a0: {  	s8 =	sor.u32 $0x6080, s17  }
0x1a1: {  	[tilespmem:s8], [sflag:s18] =	stream.indirect_vreg.gather [hbm4b:s0+s6], $0x80, v9, vm0, $0xb8;
	[tilespmem:$0x1D080] =	vst v63  }
0x1a2: {  	s15 =	sor.u32 $0x6880, s17  }
0x1a3: {  	[tilespmem:s15], [sflag:s18] =	stream.indirect_vreg.gather [hbm4b:s0+s6], $0x80, v8, vm0, $0xb8;
	[tilespmem:$0x1D080] =	vst v63  }
0x1a4: {  	v8 =	vld.idx.msk [tilespmem:v1+s20+$0x40 ss:$0x1], $0xffff;
	_ =	sdelay $0x4  }
0x1a5: {  	v60 =	vshll.u32 v8, $0x1  }
0x1a6: {  	v8 =	vand.u32 $0x7, v8;
	v9 =	vand.u32 $0xFFFFFFF0, v60  }
0x1a7: {  	v8 =	vor.u32 v8, v9  }
0x1a8: {  	v9 =	vperm.xlane v8, v5;
	_ =	sdelay $0x1  }
0x1a9: {  	v8 =	vperm.xlane v8, v7;
	v9 =	vadd.s32 v6, v9;
	_ =	sdelay $0x1  }
0x1aa: {  	v8 =	vadd.s32 v6, v8;
	_ =	sdelay $0x1  }
0x1ab: {  	s16 =	sor.u32 $0x7080, s17  }
0x1ac: {  	[tilespmem:s16], [sflag:s18] =	stream.indirect_vreg.gather [hbm4b:s0+s6], $0x80, v9, vm0, $0xb8;
	[tilespmem:$0x1D080] =	vst v63  }
0x1ad: {  	s21 =	sor.u32 $0x7880, s17  }
0x1ae: {  	[tilespmem:s21], [sflag:s18] =	stream.indirect_vreg.gather [hbm4b:s0+s6], $0x80, v8, vm0, $0xb8;
	[tilespmem:$0x1D080] =	vst v63  }
0x1af: {  	v8 =	vld.idx.msk [tilespmem:v1+s20+$0x50 ss:$0x1], $0xffff;
	_ =	sdelay $0x4  }
0x1b0: {  	v61 =	vshll.u32 v8, $0x1  }
0x1b1: {  	v8 =	vand.u32 $0x7, v8;
	v9 =	vand.u32 $0xFFFFFFF0, v61  }
0x1b2: {  	v8 =	vor.u32 v8, v9  }
0x1b3: {  	v9 =	vperm.xlane v8, v5;
	_ =	sdelay $0x1  }
0x1b4: {  	v8 =	vperm.xlane v8, v7;
	v9 =	vadd.s32 v6, v9;
	_ =	sdelay $0x1  }
0x1b5: {  	v8 =	vadd.s32 v6, v8;
	_ =	sdelay $0x1  }
0x1b6: {  	s3 =	sadd.s32 $0x8080, s17  }
0x1b7: {  	[tilespmem:s3], [sflag:s18] =	stream.indirect_vreg.gather [hbm4b:s0+s6], $0x80, v9, vm0, $0xb8;
	[tilespmem:$0x1D080] =	vst v63  }
0x1b8: {  	s8 =	sadd.s32 $0x8880, s17  }
0x1b9: {  	[tilespmem:s8], [sflag:s18] =	stream.indirect_vreg.gather [hbm4b:s0+s6], $0x80, v8, vm0, $0xb8;
	[tilespmem:$0x1D080] =	vst v63  }
0x1ba: {  	v8 =	vld.idx.msk [tilespmem:v1+s20+$0x60 ss:$0x1], $0xffff;
	_ =	sdelay $0x4  }
0x1bb: {  	v62 =	vshll.u32 v8, $0x1  }
0x1bc: {  	v8 =	vand.u32 $0x7, v8;
	v9 =	vand.u32 $0xFFFFFFF0, v62  }
0x1bd: {  	v8 =	vor.u32 v8, v9  }
0x1be: {  	v9 =	vperm.xlane v8, v5;
	_ =	sdelay $0x1  }
0x1bf: {  	v8 =	vperm.xlane v8, v7;
	v9 =	vadd.s32 v6, v9;
	_ =	sdelay $0x1  }
0x1c0: {  	v8 =	vadd.s32 v6, v8;
	_ =	sdelay $0x1  }
0x1c1: {  	s15 =	sadd.s32 $0x9080, s17  }
0x1c2: {  	[tilespmem:s15], [sflag:s18] =	stream.indirect_vreg.gather [hbm4b:s0+s6], $0x80, v9, vm0, $0xb8;
	[tilespmem:$0x1D080] =	vst v63  }
0x1c3: {  	s16 =	sadd.s32 $0x9880, s17  }
0x1c4: {  	[tilespmem:s16], [sflag:s18] =	stream.indirect_vreg.gather [hbm4b:s0+s6], $0x80, v8, vm0, $0xb8;
	[tilespmem:$0x1D080] =	vst v63  }
0x1c5: {  	v8 =	vld.idx.msk [tilespmem:v1+s20+$0x70 ss:$0x1], $0xffff;
	_ =	sdelay $0x4  }
0x1c6: {  	v63 =	vshll.u32 v8, $0x1  }
0x1c7: {  	v8 =	vand.u32 $0x7, v8;
	v9 =	vand.u32 $0xFFFFFFF0, v63  }
0x1c8: {  	v8 =	vor.u32 v8, v9  }
0x1c9: {  	v9 =	vperm.xlane v8, v5;
	_ =	sdelay $0x1  }
0x1ca: {  	v8 =	vperm.xlane v8, v7;
	v9 =	vadd.s32 v6, v9;
	_ =	sdelay $0x1  }
0x1cb: {  	v8 =	vadd.s32 v6, v8;
	_ =	sdelay $0x1  }
0x1cc: {  	s20 =	sadd.s32 $0xA080, s17  }
0x1cd: {  	[tilespmem:s20], [sflag:s18] =	stream.indirect_vreg.gather [hbm4b:s0+s6], $0x80, v9, vm0, $0xb8;
	[tilespmem:$0x1D080] =	vst v63  }
0x1ce: {  	s21 =	sadd.s32 $0xA880, s17  }
0x1cf: {  	[tilespmem:s21], [sflag:s18] =	stream.indirect_vreg.gather [hbm4b:s0+s6], $0x80, v8, vm0, $0xb8;
	[tilespmem:$0x1D080] =	vst v63  }
.LBB2_24:
0x1d0: {  	s7 =	sadd.s32 $0x2, s19  }
0x1d1: {  	s8 =	sshll.u32 s7, $0x4  }
0x1d2: {  	s8 =	sadd.s32 s8, s13  }
0x1d3: {  	p1 =	slt.s32 s8, $0x100  }
0x1d4: {  	s20 =	smov.u32 s25;
	p2 =	slt.u32 s7, s28;
	s8 =	simm.s32 @!p1 $0x100  }
0x1d5: {  	s20 =	smov.u32 @p2 s8  }
0x1d6: {  	p1 =	sle.s32 s20, s25  }
.Ltmp17:
0x1d7: {  	_ = 	snop;
	(pc) =	sbr.rel @p1 .LBB2_33-.Ltmp17, $1  }
0x1d8: {  	_ =	sdelay $0x3  }
0x1d9: {  	s15 =	ssub.s32 s20, s25  }
0x1da: {  	p3 =	sne.s32 s15, $0x1  }
.Ltmp18:
0x1db: {  	_ = 	snop;
	(pc) =	sbr.rel @!p3 .LBB2_26-.Ltmp18, $4  }
0x1dc: {  	_ = 	snop  }
0x1dd: {  	s7 =	sshll.u32 s25, $0x6  }
0x1de: {  	p1 =	por $0x0, $0x0;
	p2 =	por $0x0, $0x0;
	s7 =	sshra.s32 s7, $0x2  }
0x1df: {  	s17 =	sadd.s32 $0x880, s7;
	s8 =	sadd.s32 $0x1880, s7;
	s7 =	sadd.s32 $0xFFFFFFFF, s15  }
0x1e0: {  	p3 =	sne.s32 s7, $0x1  }
.Ltmp19:
0x1e1: {  	_ = 	snop;
	(pc) =	sbr.rel @!p3 .LBB2_28-.Ltmp19, $2  }
0x1e2: {  	_ =	sdelay $0x2  }
0x1e3: {  	v8 =	vld [tilespmem:s17+$0x0];
	s7 =	sadd.s32 $0xFFFFFFFF, s7;
	p1 =	por $0x1, $0x1  }
0x1e4: {  	_ =	sdelay $0x3  }
0x1e5: {  	v8 =	vxor.u32 $0x80000000, v8  }
0x1e6: {  	(xrf0) =	vmax.scan.msk.u32 $0xffff, v8;
	_ =	sdelay $0x5  }
0x1e7: {  	v8, _, _ =	vpop (xrf0)  }
0x1e8: {  	v8 =	vxor.u32 $0x80000000, v8  }
0x1e9: {  	vm1 =	vgt.s32 v8, s31  }
0x1ea: {  	v8 =	vnsel vm1, s31, v8  }
0x1eb: {  	v9 =	vxor.u32 $0x80000000, v8  }
0x1ec: {  	(xrf0) =	vmax.scan.msk.u32 $0xffff, v9;
	_ =	sdelay $0x2  }
0x1ed: {  	v8 =	vadd.s32 v0, v8;
	_ =	sdelay $0x2  }
0x1ee: {  	[tilespmem:s8+$0x0] =	vst v8;
	v8, _, _ =	vpop (xrf0)  }
0x1ef: {  	(v2sf) =	vpush v8, $0xF;
	_ =	sdelay $0x1  }
0x1f0: {  	p3 =	sne.s32 s7, $0x1;
	s18 =	sadd.s32 $0x10, s17  }
.Ltmp20:
0x1f1: {  	v8 =	vld [tilespmem:s18+$0x0];
	(pc) =	sbr.rel @!p3 .LBB2_30-.Ltmp20, $2  }
0x1f2: {  	_ =	sdelay $0x2  }
0x1f3: {  	s15 =	sadd.s32 $0xFFFFFFFF, s7;
	p2 =	por $0x1, $0x1;
	s25 =	smov.u32 s8  }
.LBB2_31:
0x1f4: {  	p3 =	sne.s32 s15, $0x1;
	v8 =	vxor.u32 $0x80000000, v8  }
0x1f5: {  	(xrf0) =	vmax.scan.msk.u32 $0xffff, v8;
	_ =	sdelay $0x5  }
0x1f6: {  	v8, _, _ =	vpop (xrf0);
	s7 =	spop (v2sf)  }
0x1f7: {  	v8 =	vxor.u32 $0x80000000, v8;
	s7 =	sxor.u32 $0x80000000, s7  }
0x1f8: {  	vm1 =	vgt.s32 v8, s7  }
0x1f9: {  	v8 =	vnsel vm1, s7, v8  }
0x1fa: {  	s25 =	sadd.s32 $0x10, s25;
	v9 =	vadd.s32 v0, v8;
	v8 =	vxor.u32 $0x80000000, v8  }
0x1fb: {  	[tilespmem:s25+$0x0] =	vst v9;
	(xrf0) =	vmax.scan.msk.u32 $0xffff, v8;
	_ =	sdelay $0x5  }
0x1fc: {  	v8, _, _ =	vpop (xrf0)  }
0x1fd: {  	(v2sf) =	vpush v8, $0xF;
	_ =	sdelay $0x1  }
0x1fe: {  	s18 =	sadd.s32 $0x10, s18  }
.Ltmp21:
0x1ff: {  	v8 =	vld [tilespmem:s18+$0x0];
	(pc) =	sbr.rel @p3 .LBB2_31-.Ltmp21, $2  }
0x200: {  	_ =	sdelay $0x2  }
0x201: {  	s15 =	sadd.s32 $0xFFFFFFFF, s15  }
.LBB2_32:
0x202: {  	_ = 	snop  }
0x203: {  	v8 =	vxor.u32 @p1 $0x80000000, v8  }
0x204: {  	(xrf0) =	vmax.scan.msk.u32 @p1 $0xffff, v8;
	_ =	sdelay $0x4  }
0x205: {  	s7 =	spop @p2 (v2sf)  }
0x206: {  	s15 =	smov.u32 s31;
	v8, _, _ =	vpop @p1 (xrf0);
	s7 =	sxor.u32 @p2 $0x80000000, s7  }
0x207: {  	v8 =	vxor.u32 @p1 $0x80000000, v8;
	s15 =	smov.u32 @p2 s7  }
0x208: {  	vm1 =	vgt.s32 @p1 v8, s15  }
0x209: {  	v8 =	vnsel @p1 vm1, s15, v8  }
0x20a: {  	v9 =	vxor.u32 @p1 $0x80000000, v8  }
0x20b: {  	(xrf0) =	vmax.scan.msk.u32 @p1 $0xffff, v9;
	_ =	sdelay $0x5  }
0x20c: {  	v9, _, _ =	vpop @p1 (xrf0)  }
0x20d: {  	(v2sf) =	vpush @p1 v9, $0xF  }
0x20e: {  	s7 =	sadd.s32 @p2 $0x10, s25;
	s15 =	smov.u32 s8  }
0x20f: {  	v8 =	vadd.s32 @p1 v0, v8;
	s15 =	smov.u32 @p2 s7;
	s7 =	sadd.s32 @p1 $0x10, s18  }
0x210: {  	[tilespmem:s15+$0x0] =	vst @p1 v8;
	s17 =	smov.u32 @p1 s7  }
0x211: {  	v8 =	vld [tilespmem:s17+$0x0];
	_ =	sdelay $0x4  }
0x212: {  	v8 =	vxor.u32 $0x80000000, v8  }
0x213: {  	(xrf0) =	vmax.scan.msk.u32 $0xffff, v8;
	_ =	sdelay $0x4  }
0x214: {  	s7 =	spop @p1 (v2sf)  }
0x215: {  	v8, _, _ =	vpop (xrf0);
	s7 =	sxor.u32 @p1 $0x80000000, s7  }
0x216: {  	v8 =	vxor.u32 $0x80000000, v8;
	s31 =	smov.u32 @p1 s7  }
0x217: {  	vm1 =	vgt.s32 v8, s31  }
0x218: {  	v8 =	vnsel vm1, s31, v8  }
0x219: {  	v63 =	vxor.u32 $0x80000000, v8  }
0x21a: {  	(xrf0) =	vmax.scan.msk.u32 $0xffff, v63;
	_ =	sdelay $0x5  }
0x21b: {  	v9, _, _ =	vpop (xrf0)  }
0x21c: {  	(v2sf) =	vpush v9, $0xF;
	_ =	sdelay $0xd  }
0x21d: {  	s7 =	sadd.s32 @p1 $0x10, s15  }
0x21e: {  	s8 =	smov.u32 @p1 s7;
	v8 =	vadd.s32 v0, v8;
	s25 =	spop (v2sf)  }
0x21f: {  	[tilespmem:s8+$0x0] =	vst v8;
	s31 =	sxor.u32 $0x80000000, s25  }
.LBB2_33:
0x220: {  	s7 =	smulhi.u32 $0xAAAAAAAB, s19;
	_ =	sdelay $0x1  }
0x221: {  	s7 =	sshrl.u32 s7, $0x1  }
0x222: {  	s25 =	sshll.u32 s19, $0x8;
	s7 =	smul.u32 $0x3, s7  }
0x223: {  	s18 =	sor.u32 s11, s25  }
0x224: {  	s17 =	ssub.s32 s19, s7;
	s7 =	ssub.s32 s1, s18  }
0x225: {  	p1 =	slt.s32 s7, $0x80  }
.Ltmp22:
0x226: {  	_ = 	snop;
	(pc) =	sbr.rel @!p1 .LBB2_34-.Ltmp22, $4  }
0x227: {  	s8 =	sadd.s32 $0x1, s17  }
0x228: {  	_ =	swait.ge [sflag:s8], $0x8000  }
0x229: {  	[sflag:s8] =	ssyncset.done $0x0  }
0x22a: {  	[sflag:s8] =	ssyncadd.s32 $0xFFFF8000  }
0x22b: {  	p1 =	sgt.s32 s2, $0x0;
	s7 =	smov.u32 s2  }
0x22c: {  	s19 =	sshll.u32 s17, $0x11;
	s7 =	simm.s32 @!p1 $0x0  }
0x22d: {  	s15 =	sshrl.u32 s19, $0x2;
	s3 =	sshll.u32 s7, $0x8  }
0x22e: {  	s8 =	sshll.u32 s7, $0x7;
	s25 =	sor.u32 $0x3080, s15;
	s21 =	sand.u32 $0x7800, s3  }
0x22f: {  	s16 =	sand.u32 $0x380, s8;
	s15 =	sadd.s32 s21, s25  }
0x230: {  	s15 =	sadd.s32 s16, s15  }
0x231: {  	[tilespmem:s15+$0x470] =	vst v4  }
0x232: {  	[tilespmem:s15+$0x0] =	vst v4  }
0x233: {  	[tilespmem:s15+$0x10] =	vst v4  }
0x234: {  	[tilespmem:s15+$0x20] =	vst v4  }
0x235: {  	[tilespmem:s15+$0x30] =	vst v4  }
0x236: {  	s7 =	sadd.s32 $0xFFFFFFFF, s7;
	[tilespmem:s15+$0x40] =	vst v4  }
0x237: {  	s16 =	sadd.s32 $0x1, s7;
	[tilespmem:s15+$0x50] =	vst v4  }
0x238: {  	[tilespmem:s15+$0x60] =	vst v4;
	p1 =	slt.u32 s16, $0x7F  }
.Ltmp23:
0x239: {  	[tilespmem:s15+$0x70] =	vst v4;
	(pc) =	sbr.rel @!p1 .LBB2_37-.Ltmp23, $4  }
0x23a: {  	[tilespmem:s15+$0x400] =	vst v4  }
0x23b: {  	[tilespmem:s15+$0x410] =	vst v4  }
0x23c: {  	[tilespmem:s15+$0x420] =	vst v4  }
0x23d: {  	s7 =	sadd.s32 $0x100, s3;
	[tilespmem:s15+$0x430] =	vst v4  }
.LBB2_36:
0x23e: {  	s3 =	sand.u32 $0x7800, s7;
	s16 =	sadd.s32 $0x1, s16;
	[tilespmem:s15+$0x440] =	vst v4;
	s8 =	sadd.s32 $0x80, s8  }
0x23f: {  	s21 =	sand.u32 $0x380, s8;
	s3 =	sadd.s32 s3, s25;
	p1 =	slt.u32 s16, $0x7F;
	[tilespmem:s15+$0x450] =	vst v4  }
0x240: {  	[tilespmem:s15+$0x460] =	vst v4;
	s15 =	sadd.s32 s21, s3  }
0x241: {  	[tilespmem:s15+$0x470] =	vst v4  }
0x242: {  	[tilespmem:s15+$0x0] =	vst v4  }
0x243: {  	[tilespmem:s15+$0x10] =	vst v4  }
0x244: {  	[tilespmem:s15+$0x20] =	vst v4  }
0x245: {  	[tilespmem:s15+$0x30] =	vst v4  }
0x246: {  	[tilespmem:s15+$0x40] =	vst v4  }
0x247: {  	[tilespmem:s15+$0x50] =	vst v4  }
0x248: {  	[tilespmem:s15+$0x60] =	vst v4  }
.Ltmp24:
0x249: {  	[tilespmem:s15+$0x70] =	vst v4;
	(pc) =	sbr.rel @p1 .LBB2_36-.Ltmp24, $4  }
0x24a: {  	[tilespmem:s15+$0x400] =	vst v4  }
0x24b: {  	[tilespmem:s15+$0x410] =	vst v4  }
0x24c: {  	[tilespmem:s15+$0x420] =	vst v4  }
0x24d: {  	s7 =	sadd.s32 $0x100, s7;
	[tilespmem:s15+$0x430] =	vst v4  }
.LBB2_37:
.Ltmp25:
0x24e: {  	(pc) =	sbr.rel .LBB2_38-.Ltmp25, $4  }
0x24f: {  	_ = 	snop  }
0x250: {  	[tilespmem:s15+$0x440] =	vst v4  }
0x251: {  	[tilespmem:s15+$0x450] =	vst v4  }
0x252: {  	[tilespmem:s15+$0x460] =	vst v4  }
.LBB2_26:
.Ltmp26:
0x253: {  	(pc) =	sbr.rel .LBB2_32-.Ltmp26, $2  }
0x254: {  	_ =	sdelay $0x2  }
0x255: {  	s25 =	smov.u32 s8;
	s18 =	smov.u32 s17  }
.LBB2_28:
.Ltmp27:
0x256: {  	(pc) =	sbr.rel .LBB2_32-.Ltmp27, $2  }
0x257: {  	_ =	sdelay $0x2  }
0x258: {  	s25 =	smov.u32 s8;
	s18 =	smov.u32 s17  }
.LBB2_30:
.Ltmp28:
0x259: {  	(pc) =	sbr.rel .LBB2_32-.Ltmp28, $2  }
0x25a: {  	_ =	sdelay $0x2  }
0x25b: {  	s25 =	smov.u32 s8  }
.LBB2_39:
0x25c: {  	s2 =	rddreg [dreg:$0x7]  }
0x25d: {  	v8 =	vmov s1;
	v9 =	vor.u32 s2, v3  }
0x25e: {  	vm1 =	vlt.s32 v9, v8  }
0x25f: {  	s1 =	simm.s32 $0x40;
	s7 =	simm.s32 $0x0;
	s8 =	simm.s32 $0x8;
	v9 =	vsel vm1, $0x1, v2  }
.LBB2_40:
0x260: {  	p1 =	sne.s32 s1, $0x1FC0  }
0x261: {  	[tilespmem:s7+$0x2880] =	vst v9;
	s2 =	sadd.s32 $0x10, s2;
	s3 =	smov.u32 s1;
	s1 =	sadd.s32 $0x40, s1  }
.Ltmp29:
0x262: {  	(pc) =	sbr.rel @p1 .LBB2_40-.Ltmp29, $4  }
0x263: {  	_ = 	snop  }
0x264: {  	v9 =	vor.u32 s2, v3  }
0x265: {  	vm1 =	vlt.s32 v9, v8  }
0x266: {  	s7 =	sshra.s32 s3, $0x2;
	v9 =	vsel vm1, $0x1, v2  }
0x267: {  	p1 =	slt.s32 s29, $0x3  }
.Ltmp30:
0x268: {  	[tilespmem:s7+$0x2880] =	vst v9;
	s1 =	rddreg [dreg:$0x9];
	s2 =	simm.s32 $0x2880;
	(pc) =	sbr.rel @p1 .LBB2_43-.Ltmp30, $4  }
0x269: {  	[hbm4b:s1+s6] =	stream.linear.scatter [tilespmem:s2], [sflag:$0x8], $0x800, $0x38;
	[tilespmem:$0x1D080] =	vst v63  }
0x26a: {  	_ =	swait.ge [sflag:s8], $0x800  }
0x26b: {  	[sflag:s8] =	ssyncset.done $0x0  }
0x26c: {  	[sflag:s8] =	ssyncadd.s32 $0xFFFFF800  }
0x26d: {  	s1 =	sadd.s32 $0xFFFFFFFD, s28  }
0x26e: {  	s2 =	smulhi.u32 $0x55555556, s1;
	s3 =	sshra.s32 s1, $0x1F  }
0x26f: {  	s3 =	smul.u32 $0x55555556, s3;
	_ =	sdelay $0x1  }
0x270: {  	s2 =	sadd.s32 s3, s2  }
0x271: {  	s3 =	sshrl.u32 s2, $0x1F  }
0x272: {  	s2 =	sadd.s32 s3, s2  }
0x273: {  	s2 =	smul.u32 $0x3, s2;
	_ =	sdelay $0x1  }
0x274: {  	s1 =	ssub.s32 s1, s2  }
0x275: {  	p0 =	slt.s32 s1, $0x0;
	s2 =	sadd.s32 $0x3, s1  }
.Ltmp31:
0x276: {  	s1 =	smov.u32 @p0 s2;
	(pc) =	sbr.rel .LBB2_44-.Ltmp31, $4  }
0x277: {  	s1 =	sadd.s32 $0x4, s1  }
0x278: {  	_ =	swait.ge [sflag:s1], $0x8000  }
0x279: {  	[sflag:s1] =	ssyncset.done $0x0  }
0x27a: {  	[sflag:s1] =	ssyncadd.s32 $0xFFFF8000  }
.LBB2_43:
0x27b: {  	p1 =	sne.s32 s29, $0x2  }
.Ltmp32:
0x27c: {  	_ = 	snop;
	(pc) =	sbr.rel @p1 .LBB2_45-.Ltmp32, $1  }
0x27d: {  	_ =	sdelay $0x3  }
.LBB2_44:
0x27e: {  	s1 =	sadd.s32 $0xFFFFFFFE, s28  }
0x27f: {  	s2 =	smulhi.u32 $0x55555556, s1;
	s3 =	sshra.s32 s1, $0x1F  }
0x280: {  	s3 =	smul.u32 $0x55555556, s3;
	_ =	sdelay $0x1  }
0x281: {  	s2 =	sadd.s32 s3, s2  }
0x282: {  	s3 =	sshrl.u32 s2, $0x1F  }
0x283: {  	s2 =	sadd.s32 s3, s2  }
0x284: {  	s2 =	smul.u32 $0x3, s2;
	_ =	sdelay $0x1  }
0x285: {  	s1 =	ssub.s32 s1, s2  }
0x286: {  	p0 =	slt.s32 s1, $0x0;
	s2 =	sadd.s32 $0x3, s1  }
0x287: {  	s1 =	smov.u32 @p0 s2  }
0x288: {  	s1 =	sadd.s32 $0x4, s1  }
0x289: {  	_ =	swait.ge [sflag:s1], $0x8000  }
0x28a: {  	[sflag:s1] =	ssyncset.done $0x0  }
0x28b: {  	[sflag:s1] =	ssyncadd.s32 $0xFFFF8000  }
.LBB2_46:
0x28c: {  	s1 =	smulhi.u32 $0x55555556, s30;
	s2 =	sshra.s32 s30, $0x1F  }
0x28d: {  	s2 =	smul.u32 $0x55555556, s2;
	_ =	sdelay $0x1  }
0x28e: {  	s1 =	sadd.s32 s2, s1  }
0x28f: {  	s2 =	sshrl.u32 s1, $0x1F  }
0x290: {  	s1 =	sadd.s32 s2, s1  }
0x291: {  	s1 =	smul.u32 $0x3, s1;
	_ =	sdelay $0x1  }
0x292: {  	s1 =	ssub.s32 s30, s1  }
0x293: {  	p0 =	slt.s32 s1, $0x0;
	s2 =	sadd.s32 $0x3, s1  }
0x294: {  	s1 =	smov.u32 @p0 s2;
	p0 =	sgt.u32 s29, $0xF  }
.Ltmp33:
0x295: {  	_ = 	snop;
	(pc) =	sbr.rel @p0 .LBB2_50-.Ltmp33, $4  }
0x296: {  	s1 =	sadd.s32 $0x4, s1  }
0x297: {  	_ =	swait.ge [sflag:s1], $0x8000  }
0x298: {  	[sflag:s1] =	ssyncset.done $0x0  }
0x299: {  	[sflag:s1] =	ssyncadd.s32 $0xFFFF8000  }
.LBB2_47:
0x29a: {  	_ =	swait.ge [sflag:s26], $0x2000  }
0x29b: {  	s1 =	ssub.s32 $0x10, s28;
	[sflag:s26] =	ssyncset.done $0x0  }
0x29c: {  	s1 =	smax.u32 s1, $0x1;
	[sflag:s26] =	ssyncadd.s32 $0xFFFFE000  }
0x29d: {  	s1 =	ssub.s32 $0x0, s1;
	_ =	swait.ge [sflag:s26], $0x2000  }
0x29e: {  	s1 =	sadd.s32 $0x1, s1;
	[sflag:s26] =	ssyncset.done $0x0  }
0x29f: {  	p0 =	seq.s32 s1, $0x0;
	[sflag:s26] =	ssyncadd.s32 $0xFFFFE000  }
.Ltmp34:
0x2a0: {  	_ =	swait.ge [sflag:s26], $0x2000;
	(pc) =	sbr.rel @p0 .LBB2_49-.Ltmp34, $4  }
0x2a1: {  	[sflag:s26] =	ssyncset.done $0x0  }
0x2a2: {  	[sflag:s26] =	ssyncadd.s32 $0xFFFFE000  }
0x2a3: {  	_ =	swait.ge [sflag:s26], $0x2000  }
0x2a4: {  	[sflag:s26] =	ssyncset.done $0x0  }
.LBB2_48:
0x2a5: {  	s1 =	sadd.s32 $0x1, s1;
	[sflag:s26] =	ssyncadd.s32 $0xFFFFE000  }
0x2a6: {  	_ =	swait.ge [sflag:s26], $0x2000;
	p0 =	seq.s32 s1, $0x0  }
0x2a7: {  	[sflag:s26] =	ssyncset.done $0x0  }
0x2a8: {  	[sflag:s26] =	ssyncadd.s32 $0xFFFFE000  }
0x2a9: {  	_ =	swait.ge [sflag:s26], $0x2000  }
0x2aa: {  	[sflag:s26] =	ssyncset.done $0x0  }
0x2ab: {  	[sflag:s26] =	ssyncadd.s32 $0xFFFFE000  }
.Ltmp35:
0x2ac: {  	_ =	swait.ge [sflag:s26], $0x2000;
	(pc) =	sbr.rel @!p0 .LBB2_48-.Ltmp35, $4  }
0x2ad: {  	[sflag:s26] =	ssyncset.done $0x0  }
0x2ae: {  	[sflag:s26] =	ssyncadd.s32 $0xFFFFE000  }
0x2af: {  	_ =	swait.ge [sflag:s26], $0x2000  }
0x2b0: {  	[sflag:s26] =	ssyncset.done $0x0  }
.Ltmp36:
0x2b1: {  	_ = 	snop;
	(pc) =	sbr.rel .LBB2_49-.Ltmp36, $1  }
0x2b2: {  	_ =	sdelay $0x3  }
.LBB2_45:
.Ltmp37:
0x2b3: {  	(pc) =	sbr.rel @!p0 .LBB2_46-.Ltmp37, $4  }
.Ltmp38:
0x2b4: {  	(pc) =	sbr.rel @p0 .LBB2_47-.Ltmp38, $4  }
0x2b5: {  	_ = 	snop  }
0x2b6: {  	_ = 	snop  }
0x2b7: {  	_ = 	snop  }
0x2b8: {  	_ = 	snop  }
.LBB2_13:
.Ltmp39:
0x2b9: {  	(pc) =	sbr.rel .LBB2_19-.Ltmp39, $2  }
0x2ba: {  	_ =	sdelay $0x2  }
0x2bb: {  	s18 =	simm.s32 $0x1880;
	s17 =	simm.s32 $0x880  }
.LBB2_15:
.Ltmp40:
0x2bc: {  	(pc) =	sbr.rel .LBB2_19-.Ltmp40, $2  }
0x2bd: {  	_ =	sdelay $0x2  }
0x2be: {  	s18 =	simm.s32 $0x1880;
	s17 =	simm.s32 $0x880  }
.LBB2_17:
.Ltmp41:
0x2bf: {  	(pc) =	sbr.rel .LBB2_19-.Ltmp41, $2  }
0x2c0: {  	_ =	sdelay $0x2  }
0x2c1: {  	s18 =	simm.s32 $0x1880  }
.LBB2_51:
0x2c2: {  	_ =	sfence.sel $0x180000  }
0x2c3: {  	[bflag:$0x0] =	sbarrier.arrive $0xFFFF  }
0x2c4: {  	_ =	strace $0x90000047  }
0x2c5: {  	s0 =	stileid.u32;
	[bflag:$0x2] =	sbarrier.arrive $0xFFFF  }
0x2c6: {  	p0 =	sne.s32 s0, $0x0;
	s0 =	rddreg [dreg:$0x5]  }
0x2c7: {  	s0 =	sadd.s32 @!p0 $0x100000, s0  }
0x2c8: {  	[sflag:s0] =	ssyncadd.tile.s32 @!p0 $0x1;
	_ =	shalt  }
.Lfunc_end2:
_tile_overlayer_lowered:
.L_overlay_start_2:
0x2c9: {  	(tag) =	ssettag $0x2  }
0x2ca: {  	s0 =	rddreg [dreg:$0x0];
	s2 =	stileid.u32  }
0x2cb: {  	s1 =	rddreg [dreg:$0x1];
	p0 =	sne.s32 s2, $0x0  }
0x2cc: {  	s3 =	rddreg [dreg:$0x2];
	[bflag:$0x3] =	sbarrier.arrive $0xFFFF;
	s2 =	simm.s32 @!p0 $0x1C08  }
0x2cd: {  	[timem:s3], [sflag:s2] =	dma.local @!p0 [hbm:s0], s1  }
0x2ce: {  	s0 =	simm.s32 @!p0 $0x8  }
0x2cf: {  	_ =	swait.ge @!p0 [sflag:s0], s1  }
0x2d0: {  	s1 =	ssub.s32 @!p0 $0x0, s1;
	[sflag:s0] =	ssyncset.done @!p0 $0x0  }
0x2d1: {  	[sflag:s0] =	ssyncadd.s32 @!p0 s1  }
0x2d2: {  	[bflag:$0x3] =	sbarrier.arrive $0xFFFF  }
0x2d3: {  	_ =	shalt  }

</sc_bundles>
